<compile_context>
chip_gen: v7x
topology: tpu7x:2x2x1
jax: 0.10.2.dev20260603
libtpu: 0.0.44.dev20260713+nightly
codegen_flags: <defaults>
</compile_context>

<pallas_src>
import functools
import math

import jax
import jax.numpy as jnp
import numpy as np
from jax import lax
from jax.experimental import pallas as pl
from jax.experimental.pallas import tpu as pltpu
from jax.experimental.pallas import tpu_sc as plsc

NUM_EMBEDDINGS = 1000000
D = 64
SCALE = math.sqrt(D)

NW = 32
CHUNK = 100
N_CHUNKS = 64
PER_W = CHUNK * N_CHUNKS
B = NW * PER_W
NBUF = 8
N_ROUNDS = N_CHUNKS // NBUF

TBLK = 4096
FMT_GRID = (NUM_EMBEDDINGS + TBLK - 1) // TBLK


def _pe_block() -> np.ndarray:
    pos = np.arange(0, 50).reshape(-1, 1).astype(np.float32)
    even = np.arange(0, D, 2).astype(np.float32)
    power = -even * math.log(10000.0) / D
    pe = np.zeros((50, D), dtype=np.float32)
    pe[:, 0::2] = np.sin(pos * np.exp(power))
    pe[:, 1::2] = np.cos(pos * np.exp(power))
    return np.tile(pe, (CHUNK // 50, 1))


_PE = _pe_block()


def _fmt_body(in_ref, out_ref):
    out_ref[:, 0:D] = in_ref[...].T


_fmt = pl.pallas_call(
    _fmt_body,
    grid=(FMT_GRID,),
    in_specs=[pl.BlockSpec((D, TBLK), lambda g: (0, g))],
    out_specs=pl.BlockSpec((TBLK, 2 * D), lambda g: (g, 0)),
    out_shape=jax.ShapeDtypeStruct((NUM_EMBEDDINGS, 2 * D), jnp.float32),
)

_mesh = plsc.VectorSubcoreMesh(core_axis_name="c", subcore_axis_name="s")


@functools.partial(
    pl.kernel,
    out_type=jax.ShapeDtypeStruct((B // CHUNK, CHUNK, D), jnp.float32),
    mesh=_mesh,
    compiler_params=pltpu.CompilerParams(use_tc_tiling_on_sc=False),
    scratch_types=[
        pltpu.VMEM((N_CHUNKS, CHUNK), jnp.int32),
        pltpu.VMEM((CHUNK, D), jnp.float32),
        pltpu.VMEM((NBUF, CHUNK, D), jnp.float32),
    ]
    + [pltpu.SemaphoreType.DMA] * (2 * NBUF),
)
def _emb_sc(idx_hbm, lut_hbm, pe_hbm, out_hbm, idx_v, pe_v, rows_v, *sems):
    gsems = sems[:NBUF]
    wsems = sems[NBUF:]
    wid = lax.axis_index("s") * 2 + lax.axis_index("c")
    pltpu.sync_copy(idx_hbm.at[wid], idx_v)
    pltpu.sync_copy(pe_hbm, pe_v)

    for b in range(NBUF):
        pltpu.async_copy(lut_hbm.at[idx_v.at[b]], rows_v.at[b], gsems[b])

    def round_body(r, carry):
        for b in range(NBUF):
            j = r * NBUF + b
            pltpu.make_async_copy(
                lut_hbm.at[idx_v.at[j]], rows_v.at[b], gsems[b]
            ).wait()

            def row_body(rr, c2):
                for cc in range(D // 16):
                    sl = pl.ds(cc * 16, 16)
                    rows_v[b, rr, sl] = rows_v[b, rr, sl] * SCALE + pe_v[rr, sl]
                return c2

            lax.fori_loop(0, CHUNK, row_body, 0)

            out_slot = out_hbm.at[wid * N_CHUNKS + j]
            pltpu.async_copy(rows_v.at[b], out_slot, wsems[b])

            @pl.when(r < N_ROUNDS - 1)
            def _():
                pltpu.make_async_copy(rows_v.at[b], out_slot, wsems[b]).wait()
                pltpu.async_copy(
                    lut_hbm.at[idx_v.at[j + NBUF]], rows_v.at[b], gsems[b]
                )

        return carry

    lax.fori_loop(0, N_ROUNDS, round_body, 0)

    for b in range(NBUF):
        j = (N_ROUNDS - 1) * NBUF + b
        pltpu.make_async_copy(
            rows_v.at[b], out_hbm.at[wid * N_CHUNKS + j], wsems[b]
        ).wait()


def kernel(x, lut):
    n_seq, seq_len = x.shape
    idx = (x.astype(jnp.int32) * 2).reshape(NW, N_CHUNKS, CHUNK)
    lut_f = _fmt(lut.T).reshape(2 * NUM_EMBEDDINGS, D)
    out = _emb_sc(idx, lut_f, jnp.asarray(_PE))
    return out.reshape(n_seq, seq_len, D)

# --- scband reference (transcript-rebuilt; emitter-appended) ---
"""Pipeline reference for scband-emb-63213328662870 (READ-ONLY COPY).

The authoritative reference and input builder live on the scoring server;
editing this copy changes nothing except your own understanding.
"""

import jax, jax.numpy as jnp
import numpy as np
import math

NUM_EMBEDDINGS = 1000000
EMBEDDING_DIM = 64
MAX_LEN = 60


def get_pe_slots(seq_len, feat_dim):
    # cross_idx=True branch of EMB.get_pe_slots
    pos = np.arange(0, seq_len).reshape(-1, 1).astype(np.float32)
    even_dim = np.arange(0, feat_dim, 2).astype(np.float32)
    power = -even_dim * math.log(10000.0) / feat_dim
    pe = np.zeros((seq_len, feat_dim), dtype=np.float32)
    pe[:, 0::2] = np.sin(pos * np.exp(power))
    pe[:, 1::2] = np.cos(pos * np.exp(power))
    return jnp.asarray(pe)


def setup_inputs(seed: int = 0) -> dict:
    key = jax.random.key(seed)
    k1, k2 = jax.random.split(key)
    x = jax.random.randint(k1, (4096, 50), 0, NUM_EMBEDDINGS, dtype=jnp.int64 if jax.config.jax_enable_x64 else jnp.int32)
    lut = jax.random.normal(k2, (NUM_EMBEDDINGS, EMBEDDING_DIM), dtype=jnp.float32)
    return {"x": x, "lut": lut}


def reference(x, lut):
    # value encoding: embedding lookup scaled by sqrt(d)
    emb = jnp.take(lut, x, axis=0) * math.sqrt(EMBEDDING_DIM)
    # positional encoding: add precomputed sinusoidal slots (buffer, not learned)
    pe = get_pe_slots(MAX_LEN, EMBEDDING_DIM)
    out = emb + pe[None, : x.shape[1], :]
    # dropout is identity in eval mode
    return out

if __name__ == "__main__":
    import jax
    _d = setup_inputs()
    print(jax.jit(kernel)(*tuple(_d.values())))

</pallas_src>

<mosaic_0001>
#map = affine_map<(d0, d1) -> (0, 0, 0)>
#map1 = affine_map<(d0, d1) -> (0, 0)>
module attributes {stable_mosaic.version = 14 : i64} {
  func.func @_emb_sc(%arg0: i32, %arg1: i32, %arg2: memref<32x64x100xi32, #tpu.memory_space<hbm>>, %arg3: memref<2000000x64xf32, #tpu.memory_space<hbm>>, %arg4: memref<100x64xf32, #tpu.memory_space<hbm>>, %arg5: memref<2048x100x64xf32, #tpu.memory_space<hbm>>, %arg6: memref<64x100xi32, #tpu.memory_space<vmem>>, %arg7: memref<100x64xf32, #tpu.memory_space<vmem>>, %arg8: memref<8x100x64xf32, #tpu.memory_space<vmem>>, %arg9: memref<!tpu.dma_semaphore, #tpu.memory_space<semaphore_mem>>, %arg10: memref<!tpu.dma_semaphore, #tpu.memory_space<semaphore_mem>>, %arg11: memref<!tpu.dma_semaphore, #tpu.memory_space<semaphore_mem>>, %arg12: memref<!tpu.dma_semaphore, #tpu.memory_space<semaphore_mem>>, %arg13: memref<!tpu.dma_semaphore, #tpu.memory_space<semaphore_mem>>, %arg14: memref<!tpu.dma_semaphore, #tpu.memory_space<semaphore_mem>>, %arg15: memref<!tpu.dma_semaphore, #tpu.memory_space<semaphore_mem>>, %arg16: memref<!tpu.dma_semaphore, #tpu.memory_space<semaphore_mem>>, %arg17: memref<!tpu.dma_semaphore, #tpu.memory_space<semaphore_mem>>, %arg18: memref<!tpu.dma_semaphore, #tpu.memory_space<semaphore_mem>>, %arg19: memref<!tpu.dma_semaphore, #tpu.memory_space<semaphore_mem>>, %arg20: memref<!tpu.dma_semaphore, #tpu.memory_space<semaphore_mem>>, %arg21: memref<!tpu.dma_semaphore, #tpu.memory_space<semaphore_mem>>, %arg22: memref<!tpu.dma_semaphore, #tpu.memory_space<semaphore_mem>>, %arg23: memref<!tpu.dma_semaphore, #tpu.memory_space<semaphore_mem>>, %arg24: memref<!tpu.dma_semaphore, #tpu.memory_space<semaphore_mem>>) attributes {dimension_semantics = [#tpu.dimension_semantics<core_parallel>, #tpu.dimension_semantics<subcore_parallel>], iteration_bounds = array<i64: 2, 16>, scalar_prefetch = 0 : i64, scratch_operands = 19 : i64, tpu.core_type = #tpu.core_type<sc_vector_subcore>, window_params = [{transform_indices = #map}, {transform_indices = #map1}, {transform_indices = #map1}, {transform_indices = #map}]} {
    %mul3A = arith.constant 2 : i32
    %mul3A_0 = arith.muli %arg1, %mul3A : i32
    %add3A = arith.addi %mul3A_0, %arg0 : i32
    "tpu.region"() ({
      %run_scoped3A = tpu.sem_alloc : memref<!tpu.dma_semaphore, #tpu.memory_space<semaphore_mem>>
      %dma_start3A_268 = arith.constant 0 : i32
      %dma_start3A_269 = arith.constant 0 : i32
      %dma_start3A_270 = tpu.memref_slice %arg2[%add3A, %dma_start3A_268, %dma_start3A_269] : memref<32x64x100xi32, #tpu.memory_space<hbm>> -> memref<1x64x100xi32, #tpu.memory_space<hbm>>
      %dma_start3A_271 = tpu.memref_squeeze %dma_start3A_270 : memref<1x64x100xi32, #tpu.memory_space<hbm>> -> memref<64x100xi32, #tpu.memory_space<hbm>>
      %dma_start3A_272 = arith.constant 0 : i32
      %dma_start3A_273 = arith.constant 0 : i32
      %dma_start3A_274 = tpu.memref_slice %arg2[%add3A, %dma_start3A_272, %dma_start3A_273] : memref<32x64x100xi32, #tpu.memory_space<hbm>> -> memref<1x64x100xi32, #tpu.memory_space<hbm>>
      %dma_start3A_275 = tpu.memref_squeeze %dma_start3A_274 : memref<1x64x100xi32, #tpu.memory_space<hbm>> -> memref<64x100xi32, #tpu.memory_space<hbm>>
      tpu.enqueue_dma source(%dma_start3A_275 : memref<64x100xi32, #tpu.memory_space<hbm>>) target(%arg6 : memref<64x100xi32, #tpu.memory_space<vmem>>) target_semaphore(%run_scoped3A : memref<!tpu.dma_semaphore, #tpu.memory_space<semaphore_mem>>)
      %dma_wait3A_276 = arith.constant 0 : i32
      %dma_wait3A_277 = arith.constant 0 : i32
      %dma_wait3A_278 = tpu.memref_slice %arg2[%add3A, %dma_wait3A_276, %dma_wait3A_277] : memref<32x64x100xi32, #tpu.memory_space<hbm>> -> memref<1x64x100xi32, #tpu.memory_space<hbm>>
      %dma_wait3A_279 = tpu.memref_squeeze %dma_wait3A_278 : memref<1x64x100xi32, #tpu.memory_space<hbm>> -> memref<64x100xi32, #tpu.memory_space<hbm>>
      %dma_wait3A_280 = arith.constant 0 : i32
      %dma_wait3A_281 = arith.constant 0 : i32
      %dma_wait3A_282 = tpu.memref_slice %arg2[%add3A, %dma_wait3A_280, %dma_wait3A_281] : memref<32x64x100xi32, #tpu.memory_space<hbm>> -> memref<1x64x100xi32, #tpu.memory_space<hbm>>
      %dma_wait3A_283 = tpu.memref_squeeze %dma_wait3A_282 : memref<1x64x100xi32, #tpu.memory_space<hbm>> -> memref<64x100xi32, #tpu.memory_space<hbm>>
      tpu.wait_dma2 semaphore(%run_scoped3A : memref<!tpu.dma_semaphore, #tpu.memory_space<semaphore_mem>>) src(%dma_wait3A_283 : memref<64x100xi32, #tpu.memory_space<hbm>>) dst(%arg6 : memref<64x100xi32, #tpu.memory_space<vmem>>)
      tpu.yield
    }) : () -> ()
    "tpu.region"() ({
      %run_scoped3A = tpu.sem_alloc : memref<!tpu.dma_semaphore, #tpu.memory_space<semaphore_mem>>
      tpu.enqueue_dma source(%arg4 : memref<100x64xf32, #tpu.memory_space<hbm>>) target(%arg7 : memref<100x64xf32, #tpu.memory_space<vmem>>) target_semaphore(%run_scoped3A : memref<!tpu.dma_semaphore, #tpu.memory_space<semaphore_mem>>)
      tpu.wait_dma2 semaphore(%run_scoped3A : memref<!tpu.dma_semaphore, #tpu.memory_space<semaphore_mem>>) src(%arg4 : memref<100x64xf32, #tpu.memory_space<hbm>>) dst(%arg7 : memref<100x64xf32, #tpu.memory_space<vmem>>)
      tpu.yield
    }) : () -> ()
    %dma_start3A = arith.constant 0 : i32
    %dma_start3A_1 = arith.constant 0 : i32
    %dma_start3A_2 = arith.constant 0 : i32
    %dma_start3A_3 = arith.constant 0 : i32
    %dma_start3A_4 = tpu.memref_slice %arg8[%dma_start3A_1, %dma_start3A_2, %dma_start3A_3] : memref<8x100x64xf32, #tpu.memory_space<vmem>> -> memref<1x100x64xf32, #tpu.memory_space<vmem>>
    %dma_start3A_5 = tpu.memref_squeeze %dma_start3A_4 : memref<1x100x64xf32, #tpu.memory_space<vmem>> -> memref<100x64xf32, #tpu.memory_space<vmem>>
    %dma_start3A_6 = arith.constant 0 : i32
    %dma_start3A_7 = tpu.memref_slice %arg6[%dma_start3A, %dma_start3A_6] : memref<64x100xi32, #tpu.memory_space<vmem>> -> memref<1x100xi32, #tpu.memory_space<vmem>>
    %dma_start3A_8 = tpu.memref_squeeze %dma_start3A_7 : memref<1x100xi32, #tpu.memory_space<vmem>> -> memref<100xi32, #tpu.memory_space<vmem>>
    %dma_start3A_9 = arith.constant 0 : i32
    %dma_start3A_10 = arith.constant 0 : i32
    %dma_start3A_11 = tpu.memref_slice %arg3[%dma_start3A_9, %dma_start3A_10] : memref<2000000x64xf32, #tpu.memory_space<hbm>> -> memref<2000000x64xf32, #tpu.memory_space<hbm>>
    tpu.enqueue_indirect_dma source(%dma_start3A_11 : memref<2000000x64xf32, #tpu.memory_space<hbm>>) target(%dma_start3A_5 : memref<100x64xf32, #tpu.memory_space<vmem>>) offsets(%dma_start3A_8 : memref<100xi32, #tpu.memory_space<vmem>>) semaphore(%arg9 : memref<!tpu.dma_semaphore, #tpu.memory_space<semaphore_mem>>)
    %dma_start3A_12 = arith.constant 1 : i32
    %dma_start3A_13 = arith.constant 1 : i32
    %dma_start3A_14 = arith.constant 0 : i32
    %dma_start3A_15 = arith.constant 0 : i32
    %dma_start3A_16 = tpu.memref_slice %arg8[%dma_start3A_13, %dma_start3A_14, %dma_start3A_15] : memref<8x100x64xf32, #tpu.memory_space<vmem>> -> memref<1x100x64xf32, #tpu.memory_space<vmem>>
    %dma_start3A_17 = tpu.memref_squeeze %dma_start3A_16 : memref<1x100x64xf32, #tpu.memory_space<vmem>> -> memref<100x64xf32, #tpu.memory_space<vmem>>
    %dma_start3A_18 = arith.constant 0 : i32
    %dma_start3A_19 = tpu.memref_slice %arg6[%dma_start3A_12, %dma_start3A_18] : memref<64x100xi32, #tpu.memory_space<vmem>> -> memref<1x100xi32, #tpu.memory_space<vmem>>
    %dma_start3A_20 = tpu.memref_squeeze %dma_start3A_19 : memref<1x100xi32, #tpu.memory_space<vmem>> -> memref<100xi32, #tpu.memory_space<vmem>>
    %dma_start3A_21 = arith.constant 0 : i32
    %dma_start3A_22 = arith.constant 0 : i32
    %dma_start3A_23 = tpu.memref_slice %arg3[%dma_start3A_21, %dma_start3A_22] : memref<2000000x64xf32, #tpu.memory_space<hbm>> -> memref<2000000x64xf32, #tpu.memory_space<hbm>>
    tpu.enqueue_indirect_dma source(%dma_start3A_23 : memref<2000000x64xf32, #tpu.memory_space<hbm>>) target(%dma_start3A_17 : memref<100x64xf32, #tpu.memory_space<vmem>>) offsets(%dma_start3A_20 : memref<100xi32, #tpu.memory_space<vmem>>) semaphore(%arg10 : memref<!tpu.dma_semaphore, #tpu.memory_space<semaphore_mem>>)
    %dma_start3A_24 = arith.constant 2 : i32
    %dma_start3A_25 = arith.constant 2 : i32
    %dma_start3A_26 = arith.constant 0 : i32
    %dma_start3A_27 = arith.constant 0 : i32
    %dma_start3A_28 = tpu.memref_slice %arg8[%dma_start3A_25, %dma_start3A_26, %dma_start3A_27] : memref<8x100x64xf32, #tpu.memory_space<vmem>> -> memref<1x100x64xf32, #tpu.memory_space<vmem>>
    %dma_start3A_29 = tpu.memref_squeeze %dma_start3A_28 : memref<1x100x64xf32, #tpu.memory_space<vmem>> -> memref<100x64xf32, #tpu.memory_space<vmem>>
    %dma_start3A_30 = arith.constant 0 : i32
    %dma_start3A_31 = tpu.memref_slice %arg6[%dma_start3A_24, %dma_start3A_30] : memref<64x100xi32, #tpu.memory_space<vmem>> -> memref<1x100xi32, #tpu.memory_space<vmem>>
    %dma_start3A_32 = tpu.memref_squeeze %dma_start3A_31 : memref<1x100xi32, #tpu.memory_space<vmem>> -> memref<100xi32, #tpu.memory_space<vmem>>
    %dma_start3A_33 = arith.constant 0 : i32
    %dma_start3A_34 = arith.constant 0 : i32
    %dma_start3A_35 = tpu.memref_slice %arg3[%dma_start3A_33, %dma_start3A_34] : memref<2000000x64xf32, #tpu.memory_space<hbm>> -> memref<2000000x64xf32, #tpu.memory_space<hbm>>
    tpu.enqueue_indirect_dma source(%dma_start3A_35 : memref<2000000x64xf32, #tpu.memory_space<hbm>>) target(%dma_start3A_29 : memref<100x64xf32, #tpu.memory_space<vmem>>) offsets(%dma_start3A_32 : memref<100xi32, #tpu.memory_space<vmem>>) semaphore(%arg11 : memref<!tpu.dma_semaphore, #tpu.memory_space<semaphore_mem>>)
    %dma_start3A_36 = arith.constant 3 : i32
    %dma_start3A_37 = arith.constant 3 : i32
    %dma_start3A_38 = arith.constant 0 : i32
    %dma_start3A_39 = arith.constant 0 : i32
    %dma_start3A_40 = tpu.memref_slice %arg8[%dma_start3A_37, %dma_start3A_38, %dma_start3A_39] : memref<8x100x64xf32, #tpu.memory_space<vmem>> -> memref<1x100x64xf32, #tpu.memory_space<vmem>>
    %dma_start3A_41 = tpu.memref_squeeze %dma_start3A_40 : memref<1x100x64xf32, #tpu.memory_space<vmem>> -> memref<100x64xf32, #tpu.memory_space<vmem>>
    %dma_start3A_42 = arith.constant 0 : i32
    %dma_start3A_43 = tpu.memref_slice %arg6[%dma_start3A_36, %dma_start3A_42] : memref<64x100xi32, #tpu.memory_space<vmem>> -> memref<1x100xi32, #tpu.memory_space<vmem>>
    %dma_start3A_44 = tpu.memref_squeeze %dma_start3A_43 : memref<1x100xi32, #tpu.memory_space<vmem>> -> memref<100xi32, #tpu.memory_space<vmem>>
    %dma_start3A_45 = arith.constant 0 : i32
    %dma_start3A_46 = arith.constant 0 : i32
    %dma_start3A_47 = tpu.memref_slice %arg3[%dma_start3A_45, %dma_start3A_46] : memref<2000000x64xf32, #tpu.memory_space<hbm>> -> memref<2000000x64xf32, #tpu.memory_space<hbm>>
    tpu.enqueue_indirect_dma source(%dma_start3A_47 : memref<2000000x64xf32, #tpu.memory_space<hbm>>) target(%dma_start3A_41 : memref<100x64xf32, #tpu.memory_space<vmem>>) offsets(%dma_start3A_44 : memref<100xi32, #tpu.memory_space<vmem>>) semaphore(%arg12 : memref<!tpu.dma_semaphore, #tpu.memory_space<semaphore_mem>>)
    %dma_start3A_48 = arith.constant 4 : i32
    %dma_start3A_49 = arith.constant 4 : i32
    %dma_start3A_50 = arith.constant 0 : i32
    %dma_start3A_51 = arith.constant 0 : i32
    %dma_start3A_52 = tpu.memref_slice %arg8[%dma_start3A_49, %dma_start3A_50, %dma_start3A_51] : memref<8x100x64xf32, #tpu.memory_space<vmem>> -> memref<1x100x64xf32, #tpu.memory_space<vmem>>
    %dma_start3A_53 = tpu.memref_squeeze %dma_start3A_52 : memref<1x100x64xf32, #tpu.memory_space<vmem>> -> memref<100x64xf32, #tpu.memory_space<vmem>>
    %dma_start3A_54 = arith.constant 0 : i32
    %dma_start3A_55 = tpu.memref_slice %arg6[%dma_start3A_48, %dma_start3A_54] : memref<64x100xi32, #tpu.memory_space<vmem>> -> memref<1x100xi32, #tpu.memory_space<vmem>>
    %dma_start3A_56 = tpu.memref_squeeze %dma_start3A_55 : memref<1x100xi32, #tpu.memory_space<vmem>> -> memref<100xi32, #tpu.memory_space<vmem>>
    %dma_start3A_57 = arith.constant 0 : i32
    %dma_start3A_58 = arith.constant 0 : i32
    %dma_start3A_59 = tpu.memref_slice %arg3[%dma_start3A_57, %dma_start3A_58] : memref<2000000x64xf32, #tpu.memory_space<hbm>> -> memref<2000000x64xf32, #tpu.memory_space<hbm>>
    tpu.enqueue_indirect_dma source(%dma_start3A_59 : memref<2000000x64xf32, #tpu.memory_space<hbm>>) target(%dma_start3A_53 : memref<100x64xf32, #tpu.memory_space<vmem>>) offsets(%dma_start3A_56 : memref<100xi32, #tpu.memory_space<vmem>>) semaphore(%arg13 : memref<!tpu.dma_semaphore, #tpu.memory_space<semaphore_mem>>)
    %dma_start3A_60 = arith.constant 5 : i32
    %dma_start3A_61 = arith.constant 5 : i32
    %dma_start3A_62 = arith.constant 0 : i32
    %dma_start3A_63 = arith.constant 0 : i32
    %dma_start3A_64 = tpu.memref_slice %arg8[%dma_start3A_61, %dma_start3A_62, %dma_start3A_63] : memref<8x100x64xf32, #tpu.memory_space<vmem>> -> memref<1x100x64xf32, #tpu.memory_space<vmem>>
    %dma_start3A_65 = tpu.memref_squeeze %dma_start3A_64 : memref<1x100x64xf32, #tpu.memory_space<vmem>> -> memref<100x64xf32, #tpu.memory_space<vmem>>
    %dma_start3A_66 = arith.constant 0 : i32
    %dma_start3A_67 = tpu.memref_slice %arg6[%dma_start3A_60, %dma_start3A_66] : memref<64x100xi32, #tpu.memory_space<vmem>> -> memref<1x100xi32, #tpu.memory_space<vmem>>
    %dma_start3A_68 = tpu.memref_squeeze %dma_start3A_67 : memref<1x100xi32, #tpu.memory_space<vmem>> -> memref<100xi32, #tpu.memory_space<vmem>>
    %dma_start3A_69 = arith.constant 0 : i32
    %dma_start3A_70 = arith.constant 0 : i32
    %dma_start3A_71 = tpu.memref_slice %arg3[%dma_start3A_69, %dma_start3A_70] : memref<2000000x64xf32, #tpu.memory_space<hbm>> -> memref<2000000x64xf32, #tpu.memory_space<hbm>>
    tpu.enqueue_indirect_dma source(%dma_start3A_71 : memref<2000000x64xf32, #tpu.memory_space<hbm>>) target(%dma_start3A_65 : memref<100x64xf32, #tpu.memory_space<vmem>>) offsets(%dma_start3A_68 : memref<100xi32, #tpu.memory_space<vmem>>) semaphore(%arg14 : memref<!tpu.dma_semaphore, #tpu.memory_space<semaphore_mem>>)
    %dma_start3A_72 = arith.constant 6 : i32
    %dma_start3A_73 = arith.constant 6 : i32
    %dma_start3A_74 = arith.constant 0 : i32
    %dma_start3A_75 = arith.constant 0 : i32
    %dma_start3A_76 = tpu.memref_slice %arg8[%dma_start3A_73, %dma_start3A_74, %dma_start3A_75] : memref<8x100x64xf32, #tpu.memory_space<vmem>> -> memref<1x100x64xf32, #tpu.memory_space<vmem>>
    %dma_start3A_77 = tpu.memref_squeeze %dma_start3A_76 : memref<1x100x64xf32, #tpu.memory_space<vmem>> -> memref<100x64xf32, #tpu.memory_space<vmem>>
    %dma_start3A_78 = arith.constant 0 : i32
    %dma_start3A_79 = tpu.memref_slice %arg6[%dma_start3A_72, %dma_start3A_78] : memref<64x100xi32, #tpu.memory_space<vmem>> -> memref<1x100xi32, #tpu.memory_space<vmem>>
    %dma_start3A_80 = tpu.memref_squeeze %dma_start3A_79 : memref<1x100xi32, #tpu.memory_space<vmem>> -> memref<100xi32, #tpu.memory_space<vmem>>
    %dma_start3A_81 = arith.constant 0 : i32
    %dma_start3A_82 = arith.constant 0 : i32
    %dma_start3A_83 = tpu.memref_slice %arg3[%dma_start3A_81, %dma_start3A_82] : memref<2000000x64xf32, #tpu.memory_space<hbm>> -> memref<2000000x64xf32, #tpu.memory_space<hbm>>
    tpu.enqueue_indirect_dma source(%dma_start3A_83 : memref<2000000x64xf32, #tpu.memory_space<hbm>>) target(%dma_start3A_77 : memref<100x64xf32, #tpu.memory_space<vmem>>) offsets(%dma_start3A_80 : memref<100xi32, #tpu.memory_space<vmem>>) semaphore(%arg15 : memref<!tpu.dma_semaphore, #tpu.memory_space<semaphore_mem>>)
    %dma_start3A_84 = arith.constant 7 : i32
    %dma_start3A_85 = arith.constant 7 : i32
    %dma_start3A_86 = arith.constant 0 : i32
    %dma_start3A_87 = arith.constant 0 : i32
    %dma_start3A_88 = tpu.memref_slice %arg8[%dma_start3A_85, %dma_start3A_86, %dma_start3A_87] : memref<8x100x64xf32, #tpu.memory_space<vmem>> -> memref<1x100x64xf32, #tpu.memory_space<vmem>>
    %dma_start3A_89 = tpu.memref_squeeze %dma_start3A_88 : memref<1x100x64xf32, #tpu.memory_space<vmem>> -> memref<100x64xf32, #tpu.memory_space<vmem>>
    %dma_start3A_90 = arith.constant 0 : i32
    %dma_start3A_91 = tpu.memref_slice %arg6[%dma_start3A_84, %dma_start3A_90] : memref<64x100xi32, #tpu.memory_space<vmem>> -> memref<1x100xi32, #tpu.memory_space<vmem>>
    %dma_start3A_92 = tpu.memref_squeeze %dma_start3A_91 : memref<1x100xi32, #tpu.memory_space<vmem>> -> memref<100xi32, #tpu.memory_space<vmem>>
    %dma_start3A_93 = arith.constant 0 : i32
    %dma_start3A_94 = arith.constant 0 : i32
    %dma_start3A_95 = tpu.memref_slice %arg3[%dma_start3A_93, %dma_start3A_94] : memref<2000000x64xf32, #tpu.memory_space<hbm>> -> memref<2000000x64xf32, #tpu.memory_space<hbm>>
    tpu.enqueue_indirect_dma source(%dma_start3A_95 : memref<2000000x64xf32, #tpu.memory_space<hbm>>) target(%dma_start3A_89 : memref<100x64xf32, #tpu.memory_space<vmem>>) offsets(%dma_start3A_92 : memref<100xi32, #tpu.memory_space<vmem>>) semaphore(%arg16 : memref<!tpu.dma_semaphore, #tpu.memory_space<semaphore_mem>>)
    %scan3A = arith.constant 0 : i32
    %scan3A_96 = arith.constant 0 : i32
    %scan3A_97 = arith.constant 8 : i32
    %scan3A_98 = arith.addi %scan3A_96, %scan3A_97 : i32
    %scan3A_99 = arith.constant 1 : i32
    scf.for %scan3A_268 = %scan3A_96 to %scan3A_98 step %scan3A_99  : i32 {
      %mul3A_269 = arith.constant 8 : i32
      %mul3A_270 = arith.muli %scan3A_268, %mul3A_269 : i32
      %add3A_271 = arith.constant 0 : i32
      %add3A_272 = arith.addi %mul3A_270, %add3A_271 : i32
      %dma_wait3A_273 = arith.constant 0 : i32
      %dma_wait3A_274 = arith.constant 0 : i32
      %dma_wait3A_275 = arith.constant 0 : i32
      %dma_wait3A_276 = tpu.memref_slice %arg8[%dma_wait3A_273, %dma_wait3A_274, %dma_wait3A_275] : memref<8x100x64xf32, #tpu.memory_space<vmem>> -> memref<1x100x64xf32, #tpu.memory_space<vmem>>
      %dma_wait3A_277 = tpu.memref_squeeze %dma_wait3A_276 : memref<1x100x64xf32, #tpu.memory_space<vmem>> -> memref<100x64xf32, #tpu.memory_space<vmem>>
      %dma_wait3A_278 = arith.constant 0 : i32
      %dma_wait3A_279 = tpu.memref_slice %arg6[%add3A_272, %dma_wait3A_278] : memref<64x100xi32, #tpu.memory_space<vmem>> -> memref<1x100xi32, #tpu.memory_space<vmem>>
      %dma_wait3A_280 = tpu.memref_squeeze %dma_wait3A_279 : memref<1x100xi32, #tpu.memory_space<vmem>> -> memref<100xi32, #tpu.memory_space<vmem>>
      %dma_wait3A_281 = arith.constant 0 : i32
      %dma_wait3A_282 = arith.constant 0 : i32
      %dma_wait3A_283 = tpu.memref_slice %arg3[%dma_wait3A_281, %dma_wait3A_282] : memref<2000000x64xf32, #tpu.memory_space<hbm>> -> memref<2000000x64xf32, #tpu.memory_space<hbm>>
      tpu.wait_indirect_dma semaphore(%arg9 : memref<!tpu.dma_semaphore, #tpu.memory_space<semaphore_mem>>) src(%dma_wait3A_283 : memref<2000000x64xf32, #tpu.memory_space<hbm>>) dst(%dma_wait3A_277 : memref<100x64xf32, #tpu.memory_space<vmem>>)
      %scan3A_284 = arith.constant 0 : i32
      %scan3A_285 = arith.constant 0 : i32
      %scan3A_286 = arith.constant 100 : i32
      %scan3A_287 = arith.addi %scan3A_285, %scan3A_286 : i32
      %scan3A_288 = arith.constant 1 : i32
      scf.for %scan3A_634 = %scan3A_285 to %scan3A_287 step %scan3A_288  : i32 {
        %get3A = arith.constant 0 : i32
        %get3A_635 = arith.index_cast %get3A : i32 to index
        %get3A_636 = arith.index_cast %scan3A_634 : i32 to index
        %get3A_637 = arith.constant 0 : index
        %get3A_638 = tpu.vector_load %arg8[%get3A_635, %get3A_636, %get3A_637] {strides = array<i32>} : memref<8x100x64xf32, #tpu.memory_space<vmem>>, vector<1x1x16xf32>,
        %get3A_639 = vector.shape_cast %get3A_638 : vector<1x1x16xf32> to vector<16xf32>
        %mul3A_640 = arith.constant 8.000000e+00 : f32
        %mul3A_641 = vector.broadcast %mul3A_640 : f32 to vector<16xf32>
        %mul3A_642 = arith.mulf %get3A_639, %mul3A_641 : vector<16xf32>
        %get3A_643 = arith.index_cast %scan3A_634 : i32 to index
        %get3A_644 = arith.constant 0 : index
        %get3A_645 = tpu.vector_load %arg7[%get3A_643, %get3A_644] {strides = array<i32>} : memref<100x64xf32, #tpu.memory_space<vmem>>, vector<1x16xf32>,
        %get3A_646 = vector.shape_cast %get3A_645 : vector<1x16xf32> to vector<16xf32>
        %add3A_647 = arith.addf %mul3A_642, %get3A_646 : vector<16xf32>
        %swap3A = arith.constant 0 : i32
        %swap3A_648 = arith.index_cast %swap3A : i32 to index
        %swap3A_649 = arith.index_cast %scan3A_634 : i32 to index
        %swap3A_650 = arith.constant 0 : index
        %swap3A_651 = tpu.vector_load %arg8[%swap3A_648, %swap3A_649, %swap3A_650] {strides = array<i32>} : memref<8x100x64xf32, #tpu.memory_space<vmem>>, vector<1x1x16xf32>,
        %swap3A_652 = vector.shape_cast %swap3A_651 : vector<1x1x16xf32> to vector<16xf32>
        %swap3A_653 = vector.shape_cast %add3A_647 : vector<16xf32> to vector<1x1x16xf32>
        tpu.vector_store %arg8[%swap3A_648, %swap3A_649, %swap3A_650], %swap3A_653 {strides = array<i32>} : memref<8x100x64xf32, #tpu.memory_space<vmem>>, vector<1x1x16xf32>,
        %get3A_654 = arith.constant 0 : i32
        %get3A_655 = arith.index_cast %get3A_654 : i32 to index
        %get3A_656 = arith.index_cast %scan3A_634 : i32 to index
        %get3A_657 = arith.constant 16 : index
        %get3A_658 = tpu.vector_load %arg8[%get3A_655, %get3A_656, %get3A_657] {strides = array<i32>} : memref<8x100x64xf32, #tpu.memory_space<vmem>>, vector<1x1x16xf32>,
        %get3A_659 = vector.shape_cast %get3A_658 : vector<1x1x16xf32> to vector<16xf32>
        %mul3A_660 = arith.constant 8.000000e+00 : f32
        %mul3A_661 = vector.broadcast %mul3A_660 : f32 to vector<16xf32>
        %mul3A_662 = arith.mulf %get3A_659, %mul3A_661 : vector<16xf32>
        %get3A_663 = arith.index_cast %scan3A_634 : i32 to index
        %get3A_664 = arith.constant 16 : index
        %get3A_665 = tpu.vector_load %arg7[%get3A_663, %get3A_664] {strides = array<i32>} : memref<100x64xf32, #tpu.memory_space<vmem>>, vector<1x16xf32>,
        %get3A_666 = vector.shape_cast %get3A_665 : vector<1x16xf32> to vector<16xf32>
        %add3A_667 = arith.addf %mul3A_662, %get3A_666 : vector<16xf32>
        %swap3A_668 = arith.constant 0 : i32
        %swap3A_669 = arith.index_cast %swap3A_668 : i32 to index
        %swap3A_670 = arith.index_cast %scan3A_634 : i32 to index
        %swap3A_671 = arith.constant 16 : index
        %swap3A_672 = tpu.vector_load %arg8[%swap3A_669, %swap3A_670, %swap3A_671] {strides = array<i32>} : memref<8x100x64xf32, #tpu.memory_space<vmem>>, vector<1x1x16xf32>,
        %swap3A_673 = vector.shape_cast %swap3A_672 : vector<1x1x16xf32> to vector<16xf32>
        %swap3A_674 = vector.shape_cast %add3A_667 : vector<16xf32> to vector<1x1x16xf32>
        tpu.vector_store %arg8[%swap3A_669, %swap3A_670, %swap3A_671], %swap3A_674 {strides = array<i32>} : memref<8x100x64xf32, #tpu.memory_space<vmem>>, vector<1x1x16xf32>,
        %get3A_675 = arith.constant 0 : i32
        %get3A_676 = arith.index_cast %get3A_675 : i32 to index
        %get3A_677 = arith.index_cast %scan3A_634 : i32 to index
        %get3A_678 = arith.constant 32 : index
        %get3A_679 = tpu.vector_load %arg8[%get3A_676, %get3A_677, %get3A_678] {strides = array<i32>} : memref<8x100x64xf32, #tpu.memory_space<vmem>>, vector<1x1x16xf32>,
        %get3A_680 = vector.shape_cast %get3A_679 : vector<1x1x16xf32> to vector<16xf32>
        %mul3A_681 = arith.constant 8.000000e+00 : f32
        %mul3A_682 = vector.broadcast %mul3A_681 : f32 to vector<16xf32>
        %mul3A_683 = arith.mulf %get3A_680, %mul3A_682 : vector<16xf32>
        %get3A_684 = arith.index_cast %scan3A_634 : i32 to index
        %get3A_685 = arith.constant 32 : index
        %get3A_686 = tpu.vector_load %arg7[%get3A_684, %get3A_685] {strides = array<i32>} : memref<100x64xf32, #tpu.memory_space<vmem>>, vector<1x16xf32>,
        %get3A_687 = vector.shape_cast %get3A_686 : vector<1x16xf32> to vector<16xf32>
        %add3A_688 = arith.addf %mul3A_683, %get3A_687 : vector<16xf32>
        %swap3A_689 = arith.constant 0 : i32
        %swap3A_690 = arith.index_cast %swap3A_689 : i32 to index
        %swap3A_691 = arith.index_cast %scan3A_634 : i32 to index
        %swap3A_692 = arith.constant 32 : index
        %swap3A_693 = tpu.vector_load %arg8[%swap3A_690, %swap3A_691, %swap3A_692] {strides = array<i32>} : memref<8x100x64xf32, #tpu.memory_space<vmem>>, vector<1x1x16xf32>,
        %swap3A_694 = vector.shape_cast %swap3A_693 : vector<1x1x16xf32> to vector<16xf32>
        %swap3A_695 = vector.shape_cast %add3A_688 : vector<16xf32> to vector<1x1x16xf32>
        tpu.vector_store %arg8[%swap3A_690, %swap3A_691, %swap3A_692], %swap3A_695 {strides = array<i32>} : memref<8x100x64xf32, #tpu.memory_space<vmem>>, vector<1x1x16xf32>,
        %get3A_696 = arith.constant 0 : i32
        %get3A_697 = arith.index_cast %get3A_696 : i32 to index
        %get3A_698 = arith.index_cast %scan3A_634 : i32 to index
        %get3A_699 = arith.constant 48 : index
        %get3A_700 = tpu.vector_load %arg8[%get3A_697, %get3A_698, %get3A_699] {strides = array<i32>} : memref<8x100x64xf32, #tpu.memory_space<vmem>>, vector<1x1x16xf32>,
        %get3A_701 = vector.shape_cast %get3A_700 : vector<1x1x16xf32> to vector<16xf32>
        %mul3A_702 = arith.constant 8.000000e+00 : f32
        %mul3A_703 = vector.broadcast %mul3A_702 : f32 to vector<16xf32>
        %mul3A_704 = arith.mulf %get3A_701, %mul3A_703 : vector<16xf32>
        %get3A_705 = arith.index_cast %scan3A_634 : i32 to index
        %get3A_706 = arith.constant 48 : index
        %get3A_707 = tpu.vector_load %arg7[%get3A_705, %get3A_706] {strides = array<i32>} : memref<100x64xf32, #tpu.memory_space<vmem>>, vector<1x16xf32>,
        %get3A_708 = vector.shape_cast %get3A_707 : vector<1x16xf32> to vector<16xf32>
        %add3A_709 = arith.addf %mul3A_704, %get3A_708 : vector<16xf32>
        %swap3A_710 = arith.constant 0 : i32
        %swap3A_711 = arith.index_cast %swap3A_710 : i32 to index
        %swap3A_712 = arith.index_cast %scan3A_634 : i32 to index
        %swap3A_713 = arith.constant 48 : index
        %swap3A_714 = tpu.vector_load %arg8[%swap3A_711, %swap3A_712, %swap3A_713] {strides = array<i32>} : memref<8x100x64xf32, #tpu.memory_space<vmem>>, vector<1x1x16xf32>,
        %swap3A_715 = vector.shape_cast %swap3A_714 : vector<1x1x16xf32> to vector<16xf32>
        %swap3A_716 = vector.shape_cast %add3A_709 : vector<16xf32> to vector<1x1x16xf32>
        tpu.vector_store %arg8[%swap3A_711, %swap3A_712, %swap3A_713], %swap3A_716 {strides = array<i32>} : memref<8x100x64xf32, #tpu.memory_space<vmem>>, vector<1x1x16xf32>,
      }
      %scan3A_289 = arith.constant 100 : i32
      %mul3A_290 = arith.constant 64 : i32
      %mul3A_291 = arith.muli %add3A, %mul3A_290 : i32
      %add3A_292 = arith.addi %mul3A_291, %add3A_272 : i32
      %dma_start3A_293 = arith.constant 0 : i32
      %dma_start3A_294 = arith.constant 0 : i32
      %dma_start3A_295 = arith.constant 0 : i32
      %dma_start3A_296 = tpu.memref_slice %arg8[%dma_start3A_293, %dma_start3A_294, %dma_start3A_295] : memref<8x100x64xf32, #tpu.memory_space<vmem>> -> memref<1x100x64xf32, #tpu.memory_space<vmem>>
      %dma_start3A_297 = tpu.memref_squeeze %dma_start3A_296 : memref<1x100x64xf32, #tpu.memory_space<vmem>> -> memref<100x64xf32, #tpu.memory_space<vmem>>
      %dma_start3A_298 = arith.constant 0 : i32
      %dma_start3A_299 = arith.constant 0 : i32
      %dma_start3A_300 = tpu.memref_slice %arg5[%add3A_292, %dma_start3A_298, %dma_start3A_299] : memref<2048x100x64xf32, #tpu.memory_space<hbm>> -> memref<1x100x64xf32, #tpu.memory_space<hbm>>
      %dma_start3A_301 = tpu.memref_squeeze %dma_start3A_300 : memref<1x100x64xf32, #tpu.memory_space<hbm>> -> memref<100x64xf32, #tpu.memory_space<hbm>>
      %dma_start3A_302 = arith.constant 0 : i32
      %dma_start3A_303 = arith.constant 0 : i32
      %dma_start3A_304 = tpu.memref_slice %arg5[%add3A_292, %dma_start3A_302, %dma_start3A_303] : memref<2048x100x64xf32, #tpu.memory_space<hbm>> -> memref<1x100x64xf32, #tpu.memory_space<hbm>>
      %dma_start3A_305 = tpu.memref_squeeze %dma_start3A_304 : memref<1x100x64xf32, #tpu.memory_space<hbm>> -> memref<100x64xf32, #tpu.memory_space<hbm>>
      %dma_start3A_306 = arith.constant 0 : i32
      %dma_start3A_307 = arith.constant 0 : i32
      %dma_start3A_308 = tpu.memref_slice %arg8[%dma_start3A_293, %dma_start3A_306, %dma_start3A_307] : memref<8x100x64xf32, #tpu.memory_space<vmem>> -> memref<1x100x64xf32, #tpu.memory_space<vmem>>
      %dma_start3A_309 = tpu.memref_squeeze %dma_start3A_308 : memref<1x100x64xf32, #tpu.memory_space<vmem>> -> memref<100x64xf32, #tpu.memory_space<vmem>>
      tpu.enqueue_dma source(%dma_start3A_309 : memref<100x64xf32, #tpu.memory_space<vmem>>) target(%dma_start3A_305 : memref<100x64xf32, #tpu.memory_space<hbm>>) target_semaphore(%arg17 : memref<!tpu.dma_semaphore, #tpu.memory_space<semaphore_mem>>)
      %lt3A = arith.constant 7 : i32
      %lt3A_310 = arith.cmpi slt, %scan3A_268, %lt3A : i32
      %convert_element_type3A = arith.extui %lt3A_310 : i1 to i32
      %cond3A = arith.constant 0 : i32
      %cond3A_311 = arith.cmpi ne, %convert_element_type3A, %cond3A : i32
      scf.if %cond3A_311 {
        %dma_wait3A_634 = arith.constant 0 : i32
        %dma_wait3A_635 = arith.constant 0 : i32
        %dma_wait3A_636 = arith.constant 0 : i32
        %dma_wait3A_637 = tpu.memref_slice %arg8[%dma_wait3A_634, %dma_wait3A_635, %dma_wait3A_636] : memref<8x100x64xf32, #tpu.memory_space<vmem>> -> memref<1x100x64xf32, #tpu.memory_space<vmem>>
        %dma_wait3A_638 = tpu.memref_squeeze %dma_wait3A_637 : memref<1x100x64xf32, #tpu.memory_space<vmem>> -> memref<100x64xf32, #tpu.memory_space<vmem>>
        %dma_wait3A_639 = arith.constant 0 : i32
        %dma_wait3A_640 = arith.constant 0 : i32
        %dma_wait3A_641 = tpu.memref_slice %arg5[%add3A_292, %dma_wait3A_639, %dma_wait3A_640] : memref<2048x100x64xf32, #tpu.memory_space<hbm>> -> memref<1x100x64xf32, #tpu.memory_space<hbm>>
        %dma_wait3A_642 = tpu.memref_squeeze %dma_wait3A_641 : memref<1x100x64xf32, #tpu.memory_space<hbm>> -> memref<100x64xf32, #tpu.memory_space<hbm>>
        %dma_wait3A_643 = arith.constant 0 : i32
        %dma_wait3A_644 = arith.constant 0 : i32
        %dma_wait3A_645 = tpu.memref_slice %arg5[%add3A_292, %dma_wait3A_643, %dma_wait3A_644] : memref<2048x100x64xf32, #tpu.memory_space<hbm>> -> memref<1x100x64xf32, #tpu.memory_space<hbm>>
        %dma_wait3A_646 = tpu.memref_squeeze %dma_wait3A_645 : memref<1x100x64xf32, #tpu.memory_space<hbm>> -> memref<100x64xf32, #tpu.memory_space<hbm>>
        %dma_wait3A_647 = arith.constant 0 : i32
        %dma_wait3A_648 = arith.constant 0 : i32
        %dma_wait3A_649 = tpu.memref_slice %arg8[%dma_wait3A_634, %dma_wait3A_647, %dma_wait3A_648] : memref<8x100x64xf32, #tpu.memory_space<vmem>> -> memref<1x100x64xf32, #tpu.memory_space<vmem>>
        %dma_wait3A_650 = tpu.memref_squeeze %dma_wait3A_649 : memref<1x100x64xf32, #tpu.memory_space<vmem>> -> memref<100x64xf32, #tpu.memory_space<vmem>>
        tpu.wait_dma2 semaphore(%arg17 : memref<!tpu.dma_semaphore, #tpu.memory_space<semaphore_mem>>) src(%dma_wait3A_650 : memref<100x64xf32, #tpu.memory_space<vmem>>) dst(%dma_wait3A_646 : memref<100x64xf32, #tpu.memory_space<hbm>>)
        %add3A_651 = arith.constant 8 : i32
        %add3A_652 = arith.addi %add3A_272, %add3A_651 : i32
        %dma_start3A_653 = arith.constant 0 : i32
        %dma_start3A_654 = arith.constant 0 : i32
        %dma_start3A_655 = arith.constant 0 : i32
        %dma_start3A_656 = tpu.memref_slice %arg8[%dma_start3A_653, %dma_start3A_654, %dma_start3A_655] : memref<8x100x64xf32, #tpu.memory_space<vmem>> -> memref<1x100x64xf32, #tpu.memory_space<vmem>>
        %dma_start3A_657 = tpu.memref_squeeze %dma_start3A_656 : memref<1x100x64xf32, #tpu.memory_space<vmem>> -> memref<100x64xf32, #tpu.memory_space<vmem>>
        %dma_start3A_658 = arith.constant 0 : i32
        %dma_start3A_659 = tpu.memref_slice %arg6[%add3A_652, %dma_start3A_658] : memref<64x100xi32, #tpu.memory_space<vmem>> -> memref<1x100xi32, #tpu.memory_space<vmem>>
        %dma_start3A_660 = tpu.memref_squeeze %dma_start3A_659 : memref<1x100xi32, #tpu.memory_space<vmem>> -> memref<100xi32, #tpu.memory_space<vmem>>
        %dma_start3A_661 = arith.constant 0 : i32
        %dma_start3A_662 = arith.constant 0 : i32
        %dma_start3A_663 = tpu.memref_slice %arg3[%dma_start3A_661, %dma_start3A_662] : memref<2000000x64xf32, #tpu.memory_space<hbm>> -> memref<2000000x64xf32, #tpu.memory_space<hbm>>
        tpu.enqueue_indirect_dma source(%dma_start3A_663 : memref<2000000x64xf32, #tpu.memory_space<hbm>>) target(%dma_start3A_657 : memref<100x64xf32, #tpu.memory_space<vmem>>) offsets(%dma_start3A_660 : memref<100xi32, #tpu.memory_space<vmem>>) semaphore(%arg9 : memref<!tpu.dma_semaphore, #tpu.memory_space<semaphore_mem>>)
      } else {
      }
      %mul3A_312 = arith.constant 8 : i32
      %mul3A_313 = arith.muli %scan3A_268, %mul3A_312 : i32
      %add3A_314 = arith.constant 1 : i32
      %add3A_315 = arith.addi %mul3A_313, %add3A_314 : i32
      %dma_wait3A_316 = arith.constant 1 : i32
      %dma_wait3A_317 = arith.constant 0 : i32
      %dma_wait3A_318 = arith.constant 0 : i32
      %dma_wait3A_319 = tpu.memref_slice %arg8[%dma_wait3A_316, %dma_wait3A_317, %dma_wait3A_318] : memref<8x100x64xf32, #tpu.memory_space<vmem>> -> memref<1x100x64xf32, #tpu.memory_space<vmem>>
      %dma_wait3A_320 = tpu.memref_squeeze %dma_wait3A_319 : memref<1x100x64xf32, #tpu.memory_space<vmem>> -> memref<100x64xf32, #tpu.memory_space<vmem>>
      %dma_wait3A_321 = arith.constant 0 : i32
      %dma_wait3A_322 = tpu.memref_slice %arg6[%add3A_315, %dma_wait3A_321] : memref<64x100xi32, #tpu.memory_space<vmem>> -> memref<1x100xi32, #tpu.memory_space<vmem>>
      %dma_wait3A_323 = tpu.memref_squeeze %dma_wait3A_322 : memref<1x100xi32, #tpu.memory_space<vmem>> -> memref<100xi32, #tpu.memory_space<vmem>>
      %dma_wait3A_324 = arith.constant 0 : i32
      %dma_wait3A_325 = arith.constant 0 : i32
      %dma_wait3A_326 = tpu.memref_slice %arg3[%dma_wait3A_324, %dma_wait3A_325] : memref<2000000x64xf32, #tpu.memory_space<hbm>> -> memref<2000000x64xf32, #tpu.memory_space<hbm>>
      tpu.wait_indirect_dma semaphore(%arg10 : memref<!tpu.dma_semaphore, #tpu.memory_space<semaphore_mem>>) src(%dma_wait3A_326 : memref<2000000x64xf32, #tpu.memory_space<hbm>>) dst(%dma_wait3A_320 : memref<100x64xf32, #tpu.memory_space<vmem>>)
      %scan3A_327 = arith.constant 0 : i32
      %scan3A_328 = arith.constant 0 : i32
      %scan3A_329 = arith.constant 100 : i32
      %scan3A_330 = arith.addi %scan3A_328, %scan3A_329 : i32
      %scan3A_331 = arith.constant 1 : i32
      scf.for %scan3A_634 = %scan3A_328 to %scan3A_330 step %scan3A_331  : i32 {
        %get3A = arith.constant 1 : i32
        %get3A_635 = arith.index_cast %get3A : i32 to index
        %get3A_636 = arith.index_cast %scan3A_634 : i32 to index
        %get3A_637 = arith.constant 0 : index
        %get3A_638 = tpu.vector_load %arg8[%get3A_635, %get3A_636, %get3A_637] {strides = array<i32>} : memref<8x100x64xf32, #tpu.memory_space<vmem>>, vector<1x1x16xf32>,
        %get3A_639 = vector.shape_cast %get3A_638 : vector<1x1x16xf32> to vector<16xf32>
        %mul3A_640 = arith.constant 8.000000e+00 : f32
        %mul3A_641 = vector.broadcast %mul3A_640 : f32 to vector<16xf32>
        %mul3A_642 = arith.mulf %get3A_639, %mul3A_641 : vector<16xf32>
        %get3A_643 = arith.index_cast %scan3A_634 : i32 to index
        %get3A_644 = arith.constant 0 : index
        %get3A_645 = tpu.vector_load %arg7[%get3A_643, %get3A_644] {strides = array<i32>} : memref<100x64xf32, #tpu.memory_space<vmem>>, vector<1x16xf32>,
        %get3A_646 = vector.shape_cast %get3A_645 : vector<1x16xf32> to vector<16xf32>
        %add3A_647 = arith.addf %mul3A_642, %get3A_646 : vector<16xf32>
        %swap3A = arith.constant 1 : i32
        %swap3A_648 = arith.index_cast %swap3A : i32 to index
        %swap3A_649 = arith.index_cast %scan3A_634 : i32 to index
        %swap3A_650 = arith.constant 0 : index
        %swap3A_651 = tpu.vector_load %arg8[%swap3A_648, %swap3A_649, %swap3A_650] {strides = array<i32>} : memref<8x100x64xf32, #tpu.memory_space<vmem>>, vector<1x1x16xf32>,
        %swap3A_652 = vector.shape_cast %swap3A_651 : vector<1x1x16xf32> to vector<16xf32>
        %swap3A_653 = vector.shape_cast %add3A_647 : vector<16xf32> to vector<1x1x16xf32>
        tpu.vector_store %arg8[%swap3A_648, %swap3A_649, %swap3A_650], %swap3A_653 {strides = array<i32>} : memref<8x100x64xf32, #tpu.memory_space<vmem>>, vector<1x1x16xf32>,
        %get3A_654 = arith.constant 1 : i32
        %get3A_655 = arith.index_cast %get3A_654 : i32 to index
        %get3A_656 = arith.index_cast %scan3A_634 : i32 to index
        %get3A_657 = arith.constant 16 : index
        %get3A_658 = tpu.vector_load %arg8[%get3A_655, %get3A_656, %get3A_657] {strides = array<i32>} : memref<8x100x64xf32, #tpu.memory_space<vmem>>, vector<1x1x16xf32>,
        %get3A_659 = vector.shape_cast %get3A_658 : vector<1x1x16xf32> to vector<16xf32>
        %mul3A_660 = arith.constant 8.000000e+00 : f32
        %mul3A_661 = vector.broadcast %mul3A_660 : f32 to vector<16xf32>
        %mul3A_662 = arith.mulf %get3A_659, %mul3A_661 : vector<16xf32>
        %get3A_663 = arith.index_cast %scan3A_634 : i32 to index
        %get3A_664 = arith.constant 16 : index
        %get3A_665 = tpu.vector_load %arg7[%get3A_663, %get3A_664] {strides = array<i32>} : memref<100x64xf32, #tpu.memory_space<vmem>>, vector<1x16xf32>,
        %get3A_666 = vector.shape_cast %get3A_665 : vector<1x16xf32> to vector<16xf32>
        %add3A_667 = arith.addf %mul3A_662, %get3A_666 : vector<16xf32>
        %swap3A_668 = arith.constant 1 : i32
        %swap3A_669 = arith.index_cast %swap3A_668 : i32 to index
        %swap3A_670 = arith.index_cast %scan3A_634 : i32 to index
        %swap3A_671 = arith.constant 16 : index
        %swap3A_672 = tpu.vector_load %arg8[%swap3A_669, %swap3A_670, %swap3A_671] {strides = array<i32>} : memref<8x100x64xf32, #tpu.memory_space<vmem>>, vector<1x1x16xf32>,
        %swap3A_673 = vector.shape_cast %swap3A_672 : vector<1x1x16xf32> to vector<16xf32>
        %swap3A_674 = vector.shape_cast %add3A_667 : vector<16xf32> to vector<1x1x16xf32>
        tpu.vector_store %arg8[%swap3A_669, %swap3A_670, %swap3A_671], %swap3A_674 {strides = array<i32>} : memref<8x100x64xf32, #tpu.memory_space<vmem>>, vector<1x1x16xf32>,
        %get3A_675 = arith.constant 1 : i32
        %get3A_676 = arith.index_cast %get3A_675 : i32 to index
        %get3A_677 = arith.index_cast %scan3A_634 : i32 to index
        %get3A_678 = arith.constant 32 : index
        %get3A_679 = tpu.vector_load %arg8[%get3A_676, %get3A_677, %get3A_678] {strides = array<i32>} : memref<8x100x64xf32, #tpu.memory_space<vmem>>, vector<1x1x16xf32>,
        %get3A_680 = vector.shape_cast %get3A_679 : vector<1x1x16xf32> to vector<16xf32>
        %mul3A_681 = arith.constant 8.000000e+00 : f32
        %mul3A_682 = vector.broadcast %mul3A_681 : f32 to vector<16xf32>
        %mul3A_683 = arith.mulf %get3A_680, %mul3A_682 : vector<16xf32>
        %get3A_684 = arith.index_cast %scan3A_634 : i32 to index
        %get3A_685 = arith.constant 32 : index
        %get3A_686 = tpu.vector_load %arg7[%get3A_684, %get3A_685] {strides = array<i32>} : memref<100x64xf32, #tpu.memory_space<vmem>>, vector<1x16xf32>,
        %get3A_687 = vector.shape_cast %get3A_686 : vector<1x16xf32> to vector<16xf32>
        %add3A_688 = arith.addf %mul3A_683, %get3A_687 : vector<16xf32>
        %swap3A_689 = arith.constant 1 : i32
        %swap3A_690 = arith.index_cast %swap3A_689 : i32 to index
        %swap3A_691 = arith.index_cast %scan3A_634 : i32 to index
        %swap3A_692 = arith.constant 32 : index
        %swap3A_693 = tpu.vector_load %arg8[%swap3A_690, %swap3A_691, %swap3A_692] {strides = array<i32>} : memref<8x100x64xf32, #tpu.memory_space<vmem>>, vector<1x1x16xf32>,
        %swap3A_694 = vector.shape_cast %swap3A_693 : vector<1x1x16xf32> to vector<16xf32>
        %swap3A_695 = vector.shape_cast %add3A_688 : vector<16xf32> to vector<1x1x16xf32>
        tpu.vector_store %arg8[%swap3A_690, %swap3A_691, %swap3A_692], %swap3A_695 {strides = array<i32>} : memref<8x100x64xf32, #tpu.memory_space<vmem>>, vector<1x1x16xf32>,
        %get3A_696 = arith.constant 1 : i32
        %get3A_697 = arith.index_cast %get3A_696 : i32 to index
        %get3A_698 = arith.index_cast %scan3A_634 : i32 to index
        %get3A_699 = arith.constant 48 : index
        %get3A_700 = tpu.vector_load %arg8[%get3A_697, %get3A_698, %get3A_699] {strides = array<i32>} : memref<8x100x64xf32, #tpu.memory_space<vmem>>, vector<1x1x16xf32>,
        %get3A_701 = vector.shape_cast %get3A_700 : vector<1x1x16xf32> to vector<16xf32>
        %mul3A_702 = arith.constant 8.000000e+00 : f32
        %mul3A_703 = vector.broadcast %mul3A_702 : f32 to vector<16xf32>
        %mul3A_704 = arith.mulf %get3A_701, %mul3A_703 : vector<16xf32>
        %get3A_705 = arith.index_cast %scan3A_634 : i32 to index
        %get3A_706 = arith.constant 48 : index
        %get3A_707 = tpu.vector_load %arg7[%get3A_705, %get3A_706] {strides = array<i32>} : memref<100x64xf32, #tpu.memory_space<vmem>>, vector<1x16xf32>,
        %get3A_708 = vector.shape_cast %get3A_707 : vector<1x16xf32> to vector<16xf32>
        %add3A_709 = arith.addf %mul3A_704, %get3A_708 : vector<16xf32>
        %swap3A_710 = arith.constant 1 : i32
        %swap3A_711 = arith.index_cast %swap3A_710 : i32 to index
        %swap3A_712 = arith.index_cast %scan3A_634 : i32 to index
        %swap3A_713 = arith.constant 48 : index
        %swap3A_714 = tpu.vector_load %arg8[%swap3A_711, %swap3A_712, %swap3A_713] {strides = array<i32>} : memref<8x100x64xf32, #tpu.memory_space<vmem>>, vector<1x1x16xf32>,
        %swap3A_715 = vector.shape_cast %swap3A_714 : vector<1x1x16xf32> to vector<16xf32>
        %swap3A_716 = vector.shape_cast %add3A_709 : vector<16xf32> to vector<1x1x16xf32>
        tpu.vector_store %arg8[%swap3A_711, %swap3A_712, %swap3A_713], %swap3A_716 {strides = array<i32>} : memref<8x100x64xf32, #tpu.memory_space<vmem>>, vector<1x1x16xf32>,
      }
      %scan3A_332 = arith.constant 100 : i32
      %mul3A_333 = arith.constant 64 : i32
      %mul3A_334 = arith.muli %add3A, %mul3A_333 : i32
      %add3A_335 = arith.addi %mul3A_334, %add3A_315 : i32
      %dma_start3A_336 = arith.constant 1 : i32
      %dma_start3A_337 = arith.constant 0 : i32
      %dma_start3A_338 = arith.constant 0 : i32
      %dma_start3A_339 = tpu.memref_slice %arg8[%dma_start3A_336, %dma_start3A_337, %dma_start3A_338] : memref<8x100x64xf32, #tpu.memory_space<vmem>> -> memref<1x100x64xf32, #tpu.memory_space<vmem>>
      %dma_start3A_340 = tpu.memref_squeeze %dma_start3A_339 : memref<1x100x64xf32, #tpu.memory_space<vmem>> -> memref<100x64xf32, #tpu.memory_space<vmem>>
      %dma_start3A_341 = arith.constant 0 : i32
      %dma_start3A_342 = arith.constant 0 : i32
      %dma_start3A_343 = tpu.memref_slice %arg5[%add3A_335, %dma_start3A_341, %dma_start3A_342] : memref<2048x100x64xf32, #tpu.memory_space<hbm>> -> memref<1x100x64xf32, #tpu.memory_space<hbm>>
      %dma_start3A_344 = tpu.memref_squeeze %dma_start3A_343 : memref<1x100x64xf32, #tpu.memory_space<hbm>> -> memref<100x64xf32, #tpu.memory_space<hbm>>
      %dma_start3A_345 = arith.constant 0 : i32
      %dma_start3A_346 = arith.constant 0 : i32
      %dma_start3A_347 = tpu.memref_slice %arg5[%add3A_335, %dma_start3A_345, %dma_start3A_346] : memref<2048x100x64xf32, #tpu.memory_space<hbm>> -> memref<1x100x64xf32, #tpu.memory_space<hbm>>
      %dma_start3A_348 = tpu.memref_squeeze %dma_start3A_347 : memref<1x100x64xf32, #tpu.memory_space<hbm>> -> memref<100x64xf32, #tpu.memory_space<hbm>>
      %dma_start3A_349 = arith.constant 0 : i32
      %dma_start3A_350 = arith.constant 0 : i32
      %dma_start3A_351 = tpu.memref_slice %arg8[%dma_start3A_336, %dma_start3A_349, %dma_start3A_350] : memref<8x100x64xf32, #tpu.memory_space<vmem>> -> memref<1x100x64xf32, #tpu.memory_space<vmem>>
      %dma_start3A_352 = tpu.memref_squeeze %dma_start3A_351 : memref<1x100x64xf32, #tpu.memory_space<vmem>> -> memref<100x64xf32, #tpu.memory_space<vmem>>
      tpu.enqueue_dma source(%dma_start3A_352 : memref<100x64xf32, #tpu.memory_space<vmem>>) target(%dma_start3A_348 : memref<100x64xf32, #tpu.memory_space<hbm>>) target_semaphore(%arg18 : memref<!tpu.dma_semaphore, #tpu.memory_space<semaphore_mem>>)
      %lt3A_353 = arith.constant 7 : i32
      %lt3A_354 = arith.cmpi slt, %scan3A_268, %lt3A_353 : i32
      %convert_element_type3A_355 = arith.extui %lt3A_354 : i1 to i32
      %cond3A_356 = arith.constant 0 : i32
      %cond3A_357 = arith.cmpi ne, %convert_element_type3A_355, %cond3A_356 : i32
      scf.if %cond3A_357 {
        %dma_wait3A_634 = arith.constant 1 : i32
        %dma_wait3A_635 = arith.constant 0 : i32
        %dma_wait3A_636 = arith.constant 0 : i32
        %dma_wait3A_637 = tpu.memref_slice %arg8[%dma_wait3A_634, %dma_wait3A_635, %dma_wait3A_636] : memref<8x100x64xf32, #tpu.memory_space<vmem>> -> memref<1x100x64xf32, #tpu.memory_space<vmem>>
        %dma_wait3A_638 = tpu.memref_squeeze %dma_wait3A_637 : memref<1x100x64xf32, #tpu.memory_space<vmem>> -> memref<100x64xf32, #tpu.memory_space<vmem>>
        %dma_wait3A_639 = arith.constant 0 : i32
        %dma_wait3A_640 = arith.constant 0 : i32
        %dma_wait3A_641 = tpu.memref_slice %arg5[%add3A_335, %dma_wait3A_639, %dma_wait3A_640] : memref<2048x100x64xf32, #tpu.memory_space<hbm>> -> memref<1x100x64xf32, #tpu.memory_space<hbm>>
        %dma_wait3A_642 = tpu.memref_squeeze %dma_wait3A_641 : memref<1x100x64xf32, #tpu.memory_space<hbm>> -> memref<100x64xf32, #tpu.memory_space<hbm>>
        %dma_wait3A_643 = arith.constant 0 : i32
        %dma_wait3A_644 = arith.constant 0 : i32
        %dma_wait3A_645 = tpu.memref_slice %arg5[%add3A_335, %dma_wait3A_643, %dma_wait3A_644] : memref<2048x100x64xf32, #tpu.memory_space<hbm>> -> memref<1x100x64xf32, #tpu.memory_space<hbm>>
        %dma_wait3A_646 = tpu.memref_squeeze %dma_wait3A_645 : memref<1x100x64xf32, #tpu.memory_space<hbm>> -> memref<100x64xf32, #tpu.memory_space<hbm>>
        %dma_wait3A_647 = arith.constant 0 : i32
        %dma_wait3A_648 = arith.constant 0 : i32
        %dma_wait3A_649 = tpu.memref_slice %arg8[%dma_wait3A_634, %dma_wait3A_647, %dma_wait3A_648] : memref<8x100x64xf32, #tpu.memory_space<vmem>> -> memref<1x100x64xf32, #tpu.memory_space<vmem>>
        %dma_wait3A_650 = tpu.memref_squeeze %dma_wait3A_649 : memref<1x100x64xf32, #tpu.memory_space<vmem>> -> memref<100x64xf32, #tpu.memory_space<vmem>>
        tpu.wait_dma2 semaphore(%arg18 : memref<!tpu.dma_semaphore, #tpu.memory_space<semaphore_mem>>) src(%dma_wait3A_650 : memref<100x64xf32, #tpu.memory_space<vmem>>) dst(%dma_wait3A_646 : memref<100x64xf32, #tpu.memory_space<hbm>>)
        %add3A_651 = arith.constant 8 : i32
        %add3A_652 = arith.addi %add3A_315, %add3A_651 : i32
        %dma_start3A_653 = arith.constant 1 : i32
        %dma_start3A_654 = arith.constant 0 : i32
        %dma_start3A_655 = arith.constant 0 : i32
        %dma_start3A_656 = tpu.memref_slice %arg8[%dma_start3A_653, %dma_start3A_654, %dma_start3A_655] : memref<8x100x64xf32, #tpu.memory_space<vmem>> -> memref<1x100x64xf32, #tpu.memory_space<vmem>>
        %dma_start3A_657 = tpu.memref_squeeze %dma_start3A_656 : memref<1x100x64xf32, #tpu.memory_space<vmem>> -> memref<100x64xf32, #tpu.memory_space<vmem>>
        %dma_start3A_658 = arith.constant 0 : i32
        %dma_start3A_659 = tpu.memref_slice %arg6[%add3A_652, %dma_start3A_658] : memref<64x100xi32, #tpu.memory_space<vmem>> -> memref<1x100xi32, #tpu.memory_space<vmem>>
        %dma_start3A_660 = tpu.memref_squeeze %dma_start3A_659 : memref<1x100xi32, #tpu.memory_space<vmem>> -> memref<100xi32, #tpu.memory_space<vmem>>
        %dma_start3A_661 = arith.constant 0 : i32
        %dma_start3A_662 = arith.constant 0 : i32
        %dma_start3A_663 = tpu.memref_slice %arg3[%dma_start3A_661, %dma_start3A_662] : memref<2000000x64xf32, #tpu.memory_space<hbm>> -> memref<2000000x64xf32, #tpu.memory_space<hbm>>
        tpu.enqueue_indirect_dma source(%dma_start3A_663 : memref<2000000x64xf32, #tpu.memory_space<hbm>>) target(%dma_start3A_657 : memref<100x64xf32, #tpu.memory_space<vmem>>) offsets(%dma_start3A_660 : memref<100xi32, #tpu.memory_space<vmem>>) semaphore(%arg10 : memref<!tpu.dma_semaphore, #tpu.memory_space<semaphore_mem>>)
      } else {
      }
      %mul3A_358 = arith.constant 8 : i32
      %mul3A_359 = arith.muli %scan3A_268, %mul3A_358 : i32
      %add3A_360 = arith.constant 2 : i32
      %add3A_361 = arith.addi %mul3A_359, %add3A_360 : i32
      %dma_wait3A_362 = arith.constant 2 : i32
      %dma_wait3A_363 = arith.constant 0 : i32
      %dma_wait3A_364 = arith.constant 0 : i32
      %dma_wait3A_365 = tpu.memref_slice %arg8[%dma_wait3A_362, %dma_wait3A_363, %dma_wait3A_364] : memref<8x100x64xf32, #tpu.memory_space<vmem>> -> memref<1x100x64xf32, #tpu.memory_space<vmem>>
      %dma_wait3A_366 = tpu.memref_squeeze %dma_wait3A_365 : memref<1x100x64xf32, #tpu.memory_space<vmem>> -> memref<100x64xf32, #tpu.memory_space<vmem>>
      %dma_wait3A_367 = arith.constant 0 : i32
      %dma_wait3A_368 = tpu.memref_slice %arg6[%add3A_361, %dma_wait3A_367] : memref<64x100xi32, #tpu.memory_space<vmem>> -> memref<1x100xi32, #tpu.memory_space<vmem>>
      %dma_wait3A_369 = tpu.memref_squeeze %dma_wait3A_368 : memref<1x100xi32, #tpu.memory_space<vmem>> -> memref<100xi32, #tpu.memory_space<vmem>>
      %dma_wait3A_370 = arith.constant 0 : i32
      %dma_wait3A_371 = arith.constant 0 : i32
      %dma_wait3A_372 = tpu.memref_slice %arg3[%dma_wait3A_370, %dma_wait3A_371] : memref<2000000x64xf32, #tpu.memory_space<hbm>> -> memref<2000000x64xf32, #tpu.memory_space<hbm>>
      tpu.wait_indirect_dma semaphore(%arg11 : memref<!tpu.dma_semaphore, #tpu.memory_space<semaphore_mem>>) src(%dma_wait3A_372 : memref<2000000x64xf32, #tpu.memory_space<hbm>>) dst(%dma_wait3A_366 : memref<100x64xf32, #tpu.memory_space<vmem>>)
      %scan3A_373 = arith.constant 0 : i32
      %scan3A_374 = arith.constant 0 : i32
      %scan3A_375 = arith.constant 100 : i32
      %scan3A_376 = arith.addi %scan3A_374, %scan3A_375 : i32
      %scan3A_377 = arith.constant 1 : i32
      scf.for %scan3A_634 = %scan3A_374 to %scan3A_376 step %scan3A_377  : i32 {
        %get3A = arith.constant 2 : i32
        %get3A_635 = arith.index_cast %get3A : i32 to index
        %get3A_636 = arith.index_cast %scan3A_634 : i32 to index
        %get3A_637 = arith.constant 0 : index
        %get3A_638 = tpu.vector_load %arg8[%get3A_635, %get3A_636, %get3A_637] {strides = array<i32>} : memref<8x100x64xf32, #tpu.memory_space<vmem>>, vector<1x1x16xf32>,
        %get3A_639 = vector.shape_cast %get3A_638 : vector<1x1x16xf32> to vector<16xf32>
        %mul3A_640 = arith.constant 8.000000e+00 : f32
        %mul3A_641 = vector.broadcast %mul3A_640 : f32 to vector<16xf32>
        %mul3A_642 = arith.mulf %get3A_639, %mul3A_641 : vector<16xf32>
        %get3A_643 = arith.index_cast %scan3A_634 : i32 to index
        %get3A_644 = arith.constant 0 : index
        %get3A_645 = tpu.vector_load %arg7[%get3A_643, %get3A_644] {strides = array<i32>} : memref<100x64xf32, #tpu.memory_space<vmem>>, vector<1x16xf32>,
        %get3A_646 = vector.shape_cast %get3A_645 : vector<1x16xf32> to vector<16xf32>
        %add3A_647 = arith.addf %mul3A_642, %get3A_646 : vector<16xf32>
        %swap3A = arith.constant 2 : i32
        %swap3A_648 = arith.index_cast %swap3A : i32 to index
        %swap3A_649 = arith.index_cast %scan3A_634 : i32 to index
        %swap3A_650 = arith.constant 0 : index
        %swap3A_651 = tpu.vector_load %arg8[%swap3A_648, %swap3A_649, %swap3A_650] {strides = array<i32>} : memref<8x100x64xf32, #tpu.memory_space<vmem>>, vector<1x1x16xf32>,
        %swap3A_652 = vector.shape_cast %swap3A_651 : vector<1x1x16xf32> to vector<16xf32>
        %swap3A_653 = vector.shape_cast %add3A_647 : vector<16xf32> to vector<1x1x16xf32>
        tpu.vector_store %arg8[%swap3A_648, %swap3A_649, %swap3A_650], %swap3A_653 {strides = array<i32>} : memref<8x100x64xf32, #tpu.memory_space<vmem>>, vector<1x1x16xf32>,
        %get3A_654 = arith.constant 2 : i32
        %get3A_655 = arith.index_cast %get3A_654 : i32 to index
        %get3A_656 = arith.index_cast %scan3A_634 : i32 to index
        %get3A_657 = arith.constant 16 : index
        %get3A_658 = tpu.vector_load %arg8[%get3A_655, %get3A_656, %get3A_657] {strides = array<i32>} : memref<8x100x64xf32, #tpu.memory_space<vmem>>, vector<1x1x16xf32>,
        %get3A_659 = vector.shape_cast %get3A_658 : vector<1x1x16xf32> to vector<16xf32>
        %mul3A_660 = arith.constant 8.000000e+00 : f32
        %mul3A_661 = vector.broadcast %mul3A_660 : f32 to vector<16xf32>
        %mul3A_662 = arith.mulf %get3A_659, %mul3A_661 : vector<16xf32>
        %get3A_663 = arith.index_cast %scan3A_634 : i32 to index
        %get3A_664 = arith.constant 16 : index
        %get3A_665 = tpu.vector_load %arg7[%get3A_663, %get3A_664] {strides = array<i32>} : memref<100x64xf32, #tpu.memory_space<vmem>>, vector<1x16xf32>,
        %get3A_666 = vector.shape_cast %get3A_665 : vector<1x16xf32> to vector<16xf32>
        %add3A_667 = arith.addf %mul3A_662, %get3A_666 : vector<16xf32>
        %swap3A_668 = arith.constant 2 : i32
        %swap3A_669 = arith.index_cast %swap3A_668 : i32 to index
        %swap3A_670 = arith.index_cast %scan3A_634 : i32 to index
        %swap3A_671 = arith.constant 16 : index
        %swap3A_672 = tpu.vector_load %arg8[%swap3A_669, %swap3A_670, %swap3A_671] {strides = array<i32>} : memref<8x100x64xf32, #tpu.memory_space<vmem>>, vector<1x1x16xf32>,
        %swap3A_673 = vector.shape_cast %swap3A_672 : vector<1x1x16xf32> to vector<16xf32>
        %swap3A_674 = vector.shape_cast %add3A_667 : vector<16xf32> to vector<1x1x16xf32>
        tpu.vector_store %arg8[%swap3A_669, %swap3A_670, %swap3A_671], %swap3A_674 {strides = array<i32>} : memref<8x100x64xf32, #tpu.memory_space<vmem>>, vector<1x1x16xf32>,
        %get3A_675 = arith.constant 2 : i32
        %get3A_676 = arith.index_cast %get3A_675 : i32 to index
        %get3A_677 = arith.index_cast %scan3A_634 : i32 to index
        %get3A_678 = arith.constant 32 : index
        %get3A_679 = tpu.vector_load %arg8[%get3A_676, %get3A_677, %get3A_678] {strides = array<i32>} : memref<8x100x64xf32, #tpu.memory_space<vmem>>, vector<1x1x16xf32>,
        %get3A_680 = vector.shape_cast %get3A_679 : vector<1x1x16xf32> to vector<16xf32>
        %mul3A_681 = arith.constant 8.000000e+00 : f32
        %mul3A_682 = vector.broadcast %mul3A_681 : f32 to vector<16xf32>
        %mul3A_683 = arith.mulf %get3A_680, %mul3A_682 : vector<16xf32>
        %get3A_684 = arith.index_cast %scan3A_634 : i32 to index
        %get3A_685 = arith.constant 32 : index
        %get3A_686 = tpu.vector_load %arg7[%get3A_684, %get3A_685] {strides = array<i32>} : memref<100x64xf32, #tpu.memory_space<vmem>>, vector<1x16xf32>,
        %get3A_687 = vector.shape_cast %get3A_686 : vector<1x16xf32> to vector<16xf32>
        %add3A_688 = arith.addf %mul3A_683, %get3A_687 : vector<16xf32>
        %swap3A_689 = arith.constant 2 : i32
        %swap3A_690 = arith.index_cast %swap3A_689 : i32 to index
        %swap3A_691 = arith.index_cast %scan3A_634 : i32 to index
        %swap3A_692 = arith.constant 32 : index
        %swap3A_693 = tpu.vector_load %arg8[%swap3A_690, %swap3A_691, %swap3A_692] {strides = array<i32>} : memref<8x100x64xf32, #tpu.memory_space<vmem>>, vector<1x1x16xf32>,
        %swap3A_694 = vector.shape_cast %swap3A_693 : vector<1x1x16xf32> to vector<16xf32>
        %swap3A_695 = vector.shape_cast %add3A_688 : vector<16xf32> to vector<1x1x16xf32>
        tpu.vector_store %arg8[%swap3A_690, %swap3A_691, %swap3A_692], %swap3A_695 {strides = array<i32>} : memref<8x100x64xf32, #tpu.memory_space<vmem>>, vector<1x1x16xf32>,
        %get3A_696 = arith.constant 2 : i32
        %get3A_697 = arith.index_cast %get3A_696 : i32 to index
        %get3A_698 = arith.index_cast %scan3A_634 : i32 to index
        %get3A_699 = arith.constant 48 : index
        %get3A_700 = tpu.vector_load %arg8[%get3A_697, %get3A_698, %get3A_699] {strides = array<i32>} : memref<8x100x64xf32, #tpu.memory_space<vmem>>, vector<1x1x16xf32>,
        %get3A_701 = vector.shape_cast %get3A_700 : vector<1x1x16xf32> to vector<16xf32>
        %mul3A_702 = arith.constant 8.000000e+00 : f32
        %mul3A_703 = vector.broadcast %mul3A_702 : f32 to vector<16xf32>
        %mul3A_704 = arith.mulf %get3A_701, %mul3A_703 : vector<16xf32>
        %get3A_705 = arith.index_cast %scan3A_634 : i32 to index
        %get3A_706 = arith.constant 48 : index
        %get3A_707 = tpu.vector_load %arg7[%get3A_705, %get3A_706] {strides = array<i32>} : memref<100x64xf32, #tpu.memory_space<vmem>>, vector<1x16xf32>,
        %get3A_708 = vector.shape_cast %get3A_707 : vector<1x16xf32> to vector<16xf32>
        %add3A_709 = arith.addf %mul3A_704, %get3A_708 : vector<16xf32>
        %swap3A_710 = arith.constant 2 : i32
        %swap3A_711 = arith.index_cast %swap3A_710 : i32 to index
        %swap3A_712 = arith.index_cast %scan3A_634 : i32 to index
        %swap3A_713 = arith.constant 48 : index
        %swap3A_714 = tpu.vector_load %arg8[%swap3A_711, %swap3A_712, %swap3A_713] {strides = array<i32>} : memref<8x100x64xf32, #tpu.memory_space<vmem>>, vector<1x1x16xf32>,
        %swap3A_715 = vector.shape_cast %swap3A_714 : vector<1x1x16xf32> to vector<16xf32>
        %swap3A_716 = vector.shape_cast %add3A_709 : vector<16xf32> to vector<1x1x16xf32>
        tpu.vector_store %arg8[%swap3A_711, %swap3A_712, %swap3A_713], %swap3A_716 {strides = array<i32>} : memref<8x100x64xf32, #tpu.memory_space<vmem>>, vector<1x1x16xf32>,
      }
      %scan3A_378 = arith.constant 100 : i32
      %mul3A_379 = arith.constant 64 : i32
      %mul3A_380 = arith.muli %add3A, %mul3A_379 : i32
      %add3A_381 = arith.addi %mul3A_380, %add3A_361 : i32
      %dma_start3A_382 = arith.constant 2 : i32
      %dma_start3A_383 = arith.constant 0 : i32
      %dma_start3A_384 = arith.constant 0 : i32
      %dma_start3A_385 = tpu.memref_slice %arg8[%dma_start3A_382, %dma_start3A_383, %dma_start3A_384] : memref<8x100x64xf32, #tpu.memory_space<vmem>> -> memref<1x100x64xf32, #tpu.memory_space<vmem>>
      %dma_start3A_386 = tpu.memref_squeeze %dma_start3A_385 : memref<1x100x64xf32, #tpu.memory_space<vmem>> -> memref<100x64xf32, #tpu.memory_space<vmem>>
      %dma_start3A_387 = arith.constant 0 : i32
      %dma_start3A_388 = arith.constant 0 : i32
      %dma_start3A_389 = tpu.memref_slice %arg5[%add3A_381, %dma_start3A_387, %dma_start3A_388] : memref<2048x100x64xf32, #tpu.memory_space<hbm>> -> memref<1x100x64xf32, #tpu.memory_space<hbm>>
      %dma_start3A_390 = tpu.memref_squeeze %dma_start3A_389 : memref<1x100x64xf32, #tpu.memory_space<hbm>> -> memref<100x64xf32, #tpu.memory_space<hbm>>
      %dma_start3A_391 = arith.constant 0 : i32
      %dma_start3A_392 = arith.constant 0 : i32
      %dma_start3A_393 = tpu.memref_slice %arg5[%add3A_381, %dma_start3A_391, %dma_start3A_392] : memref<2048x100x64xf32, #tpu.memory_space<hbm>> -> memref<1x100x64xf32, #tpu.memory_space<hbm>>
      %dma_start3A_394 = tpu.memref_squeeze %dma_start3A_393 : memref<1x100x64xf32, #tpu.memory_space<hbm>> -> memref<100x64xf32, #tpu.memory_space<hbm>>
      %dma_start3A_395 = arith.constant 0 : i32
      %dma_start3A_396 = arith.constant 0 : i32
      %dma_start3A_397 = tpu.memref_slice %arg8[%dma_start3A_382, %dma_start3A_395, %dma_start3A_396] : memref<8x100x64xf32, #tpu.memory_space<vmem>> -> memref<1x100x64xf32, #tpu.memory_space<vmem>>
      %dma_start3A_398 = tpu.memref_squeeze %dma_start3A_397 : memref<1x100x64xf32, #tpu.memory_space<vmem>> -> memref<100x64xf32, #tpu.memory_space<vmem>>
      tpu.enqueue_dma source(%dma_start3A_398 : memref<100x64xf32, #tpu.memory_space<vmem>>) target(%dma_start3A_394 : memref<100x64xf32, #tpu.memory_space<hbm>>) target_semaphore(%arg19 : memref<!tpu.dma_semaphore, #tpu.memory_space<semaphore_mem>>)
      %lt3A_399 = arith.constant 7 : i32
      %lt3A_400 = arith.cmpi slt, %scan3A_268, %lt3A_399 : i32
      %convert_element_type3A_401 = arith.extui %lt3A_400 : i1 to i32
      %cond3A_402 = arith.constant 0 : i32
      %cond3A_403 = arith.cmpi ne, %convert_element_type3A_401, %cond3A_402 : i32
      scf.if %cond3A_403 {
        %dma_wait3A_634 = arith.constant 2 : i32
        %dma_wait3A_635 = arith.constant 0 : i32
        %dma_wait3A_636 = arith.constant 0 : i32
        %dma_wait3A_637 = tpu.memref_slice %arg8[%dma_wait3A_634, %dma_wait3A_635, %dma_wait3A_636] : memref<8x100x64xf32, #tpu.memory_space<vmem>> -> memref<1x100x64xf32, #tpu.memory_space<vmem>>
        %dma_wait3A_638 = tpu.memref_squeeze %dma_wait3A_637 : memref<1x100x64xf32, #tpu.memory_space<vmem>> -> memref<100x64xf32, #tpu.memory_space<vmem>>
        %dma_wait3A_639 = arith.constant 0 : i32
        %dma_wait3A_640 = arith.constant 0 : i32
        %dma_wait3A_641 = tpu.memref_slice %arg5[%add3A_381, %dma_wait3A_639, %dma_wait3A_640] : memref<2048x100x64xf32, #tpu.memory_space<hbm>> -> memref<1x100x64xf32, #tpu.memory_space<hbm>>
        %dma_wait3A_642 = tpu.memref_squeeze %dma_wait3A_641 : memref<1x100x64xf32, #tpu.memory_space<hbm>> -> memref<100x64xf32, #tpu.memory_space<hbm>>
        %dma_wait3A_643 = arith.constant 0 : i32
        %dma_wait3A_644 = arith.constant 0 : i32
        %dma_wait3A_645 = tpu.memref_slice %arg5[%add3A_381, %dma_wait3A_643, %dma_wait3A_644] : memref<2048x100x64xf32, #tpu.memory_space<hbm>> -> memref<1x100x64xf32, #tpu.memory_space<hbm>>
        %dma_wait3A_646 = tpu.memref_squeeze %dma_wait3A_645 : memref<1x100x64xf32, #tpu.memory_space<hbm>> -> memref<100x64xf32, #tpu.memory_space<hbm>>
        %dma_wait3A_647 = arith.constant 0 : i32
        %dma_wait3A_648 = arith.constant 0 : i32
        %dma_wait3A_649 = tpu.memref_slice %arg8[%dma_wait3A_634, %dma_wait3A_647, %dma_wait3A_648] : memref<8x100x64xf32, #tpu.memory_space<vmem>> -> memref<1x100x64xf32, #tpu.memory_space<vmem>>
        %dma_wait3A_650 = tpu.memref_squeeze %dma_wait3A_649 : memref<1x100x64xf32, #tpu.memory_space<vmem>> -> memref<100x64xf32, #tpu.memory_space<vmem>>
        tpu.wait_dma2 semaphore(%arg19 : memref<!tpu.dma_semaphore, #tpu.memory_space<semaphore_mem>>) src(%dma_wait3A_650 : memref<100x64xf32, #tpu.memory_space<vmem>>) dst(%dma_wait3A_646 : memref<100x64xf32, #tpu.memory_space<hbm>>)
        %add3A_651 = arith.constant 8 : i32
        %add3A_652 = arith.addi %add3A_361, %add3A_651 : i32
        %dma_start3A_653 = arith.constant 2 : i32
        %dma_start3A_654 = arith.constant 0 : i32
        %dma_start3A_655 = arith.constant 0 : i32
        %dma_start3A_656 = tpu.memref_slice %arg8[%dma_start3A_653, %dma_start3A_654, %dma_start3A_655] : memref<8x100x64xf32, #tpu.memory_space<vmem>> -> memref<1x100x64xf32, #tpu.memory_space<vmem>>
        %dma_start3A_657 = tpu.memref_squeeze %dma_start3A_656 : memref<1x100x64xf32, #tpu.memory_space<vmem>> -> memref<100x64xf32, #tpu.memory_space<vmem>>
        %dma_start3A_658 = arith.constant 0 : i32
        %dma_start3A_659 = tpu.memref_slice %arg6[%add3A_652, %dma_start3A_658] : memref<64x100xi32, #tpu.memory_space<vmem>> -> memref<1x100xi32, #tpu.memory_space<vmem>>
        %dma_start3A_660 = tpu.memref_squeeze %dma_start3A_659 : memref<1x100xi32, #tpu.memory_space<vmem>> -> memref<100xi32, #tpu.memory_space<vmem>>
        %dma_start3A_661 = arith.constant 0 : i32
        %dma_start3A_662 = arith.constant 0 : i32
        %dma_start3A_663 = tpu.memref_slice %arg3[%dma_start3A_661, %dma_start3A_662] : memref<2000000x64xf32, #tpu.memory_space<hbm>> -> memref<2000000x64xf32, #tpu.memory_space<hbm>>
        tpu.enqueue_indirect_dma source(%dma_start3A_663 : memref<2000000x64xf32, #tpu.memory_space<hbm>>) target(%dma_start3A_657 : memref<100x64xf32, #tpu.memory_space<vmem>>) offsets(%dma_start3A_660 : memref<100xi32, #tpu.memory_space<vmem>>) semaphore(%arg11 : memref<!tpu.dma_semaphore, #tpu.memory_space<semaphore_mem>>)
      } else {
      }
      %mul3A_404 = arith.constant 8 : i32
      %mul3A_405 = arith.muli %scan3A_268, %mul3A_404 : i32
      %add3A_406 = arith.constant 3 : i32
      %add3A_407 = arith.addi %mul3A_405, %add3A_406 : i32
      %dma_wait3A_408 = arith.constant 3 : i32
      %dma_wait3A_409 = arith.constant 0 : i32
      %dma_wait3A_410 = arith.constant 0 : i32
      %dma_wait3A_411 = tpu.memref_slice %arg8[%dma_wait3A_408, %dma_wait3A_409, %dma_wait3A_410] : memref<8x100x64xf32, #tpu.memory_space<vmem>> -> memref<1x100x64xf32, #tpu.memory_space<vmem>>
      %dma_wait3A_412 = tpu.memref_squeeze %dma_wait3A_411 : memref<1x100x64xf32, #tpu.memory_space<vmem>> -> memref<100x64xf32, #tpu.memory_space<vmem>>
      %dma_wait3A_413 = arith.constant 0 : i32
      %dma_wait3A_414 = tpu.memref_slice %arg6[%add3A_407, %dma_wait3A_413] : memref<64x100xi32, #tpu.memory_space<vmem>> -> memref<1x100xi32, #tpu.memory_space<vmem>>
      %dma_wait3A_415 = tpu.memref_squeeze %dma_wait3A_414 : memref<1x100xi32, #tpu.memory_space<vmem>> -> memref<100xi32, #tpu.memory_space<vmem>>
      %dma_wait3A_416 = arith.constant 0 : i32
      %dma_wait3A_417 = arith.constant 0 : i32
      %dma_wait3A_418 = tpu.memref_slice %arg3[%dma_wait3A_416, %dma_wait3A_417] : memref<2000000x64xf32, #tpu.memory_space<hbm>> -> memref<2000000x64xf32, #tpu.memory_space<hbm>>
      tpu.wait_indirect_dma semaphore(%arg12 : memref<!tpu.dma_semaphore, #tpu.memory_space<semaphore_mem>>) src(%dma_wait3A_418 : memref<2000000x64xf32, #tpu.memory_space<hbm>>) dst(%dma_wait3A_412 : memref<100x64xf32, #tpu.memory_space<vmem>>)
      %scan3A_419 = arith.constant 0 : i32
      %scan3A_420 = arith.constant 0 : i32
      %scan3A_421 = arith.constant 100 : i32
      %scan3A_422 = arith.addi %scan3A_420, %scan3A_421 : i32
      %scan3A_423 = arith.constant 1 : i32
      scf.for %scan3A_634 = %scan3A_420 to %scan3A_422 step %scan3A_423  : i32 {
        %get3A = arith.constant 3 : i32
        %get3A_635 = arith.index_cast %get3A : i32 to index
        %get3A_636 = arith.index_cast %scan3A_634 : i32 to index
        %get3A_637 = arith.constant 0 : index
        %get3A_638 = tpu.vector_load %arg8[%get3A_635, %get3A_636, %get3A_637] {strides = array<i32>} : memref<8x100x64xf32, #tpu.memory_space<vmem>>, vector<1x1x16xf32>,
        %get3A_639 = vector.shape_cast %get3A_638 : vector<1x1x16xf32> to vector<16xf32>
        %mul3A_640 = arith.constant 8.000000e+00 : f32
        %mul3A_641 = vector.broadcast %mul3A_640 : f32 to vector<16xf32>
        %mul3A_642 = arith.mulf %get3A_639, %mul3A_641 : vector<16xf32>
        %get3A_643 = arith.index_cast %scan3A_634 : i32 to index
        %get3A_644 = arith.constant 0 : index
        %get3A_645 = tpu.vector_load %arg7[%get3A_643, %get3A_644] {strides = array<i32>} : memref<100x64xf32, #tpu.memory_space<vmem>>, vector<1x16xf32>,
        %get3A_646 = vector.shape_cast %get3A_645 : vector<1x16xf32> to vector<16xf32>
        %add3A_647 = arith.addf %mul3A_642, %get3A_646 : vector<16xf32>
        %swap3A = arith.constant 3 : i32
        %swap3A_648 = arith.index_cast %swap3A : i32 to index
        %swap3A_649 = arith.index_cast %scan3A_634 : i32 to index
        %swap3A_650 = arith.constant 0 : index
        %swap3A_651 = tpu.vector_load %arg8[%swap3A_648, %swap3A_649, %swap3A_650] {strides = array<i32>} : memref<8x100x64xf32, #tpu.memory_space<vmem>>, vector<1x1x16xf32>,
        %swap3A_652 = vector.shape_cast %swap3A_651 : vector<1x1x16xf32> to vector<16xf32>
        %swap3A_653 = vector.shape_cast %add3A_647 : vector<16xf32> to vector<1x1x16xf32>
        tpu.vector_store %arg8[%swap3A_648, %swap3A_649, %swap3A_650], %swap3A_653 {strides = array<i32>} : memref<8x100x64xf32, #tpu.memory_space<vmem>>, vector<1x1x16xf32>,
        %get3A_654 = arith.constant 3 : i32
        %get3A_655 = arith.index_cast %get3A_654 : i32 to index
        %get3A_656 = arith.index_cast %scan3A_634 : i32 to index
        %get3A_657 = arith.constant 16 : index
        %get3A_658 = tpu.vector_load %arg8[%get3A_655, %get3A_656, %get3A_657] {strides = array<i32>} : memref<8x100x64xf32, #tpu.memory_space<vmem>>, vector<1x1x16xf32>,
        %get3A_659 = vector.shape_cast %get3A_658 : vector<1x1x16xf32> to vector<16xf32>
        %mul3A_660 = arith.constant 8.000000e+00 : f32
        %mul3A_661 = vector.broadcast %mul3A_660 : f32 to vector<16xf32>
        %mul3A_662 = arith.mulf %get3A_659, %mul3A_661 : vector<16xf32>
        %get3A_663 = arith.index_cast %scan3A_634 : i32 to index
        %get3A_664 = arith.constant 16 : index
        %get3A_665 = tpu.vector_load %arg7[%get3A_663, %get3A_664] {strides = array<i32>} : memref<100x64xf32, #tpu.memory_space<vmem>>, vector<1x16xf32>,
        %get3A_666 = vector.shape_cast %get3A_665 : vector<1x16xf32> to vector<16xf32>
        %add3A_667 = arith.addf %mul3A_662, %get3A_666 : vector<16xf32>
        %swap3A_668 = arith.constant 3 : i32
        %swap3A_669 = arith.index_cast %swap3A_668 : i32 to index
        %swap3A_670 = arith.index_cast %scan3A_634 : i32 to index
        %swap3A_671 = arith.constant 16 : index
        %swap3A_672 = tpu.vector_load %arg8[%swap3A_669, %swap3A_670, %swap3A_671] {strides = array<i32>} : memref<8x100x64xf32, #tpu.memory_space<vmem>>, vector<1x1x16xf32>,
        %swap3A_673 = vector.shape_cast %swap3A_672 : vector<1x1x16xf32> to vector<16xf32>
        %swap3A_674 = vector.shape_cast %add3A_667 : vector<16xf32> to vector<1x1x16xf32>
        tpu.vector_store %arg8[%swap3A_669, %swap3A_670, %swap3A_671], %swap3A_674 {strides = array<i32>} : memref<8x100x64xf32, #tpu.memory_space<vmem>>, vector<1x1x16xf32>,
        %get3A_675 = arith.constant 3 : i32
        %get3A_676 = arith.index_cast %get3A_675 : i32 to index
        %get3A_677 = arith.index_cast %scan3A_634 : i32 to index
        %get3A_678 = arith.constant 32 : index
        %get3A_679 = tpu.vector_load %arg8[%get3A_676, %get3A_677, %get3A_678] {strides = array<i32>} : memref<8x100x64xf32, #tpu.memory_space<vmem>>, vector<1x1x16xf32>,
        %get3A_680 = vector.shape_cast %get3A_679 : vector<1x1x16xf32> to vector<16xf32>
        %mul3A_681 = arith.constant 8.000000e+00 : f32
        %mul3A_682 = vector.broadcast %mul3A_681 : f32 to vector<16xf32>
        %mul3A_683 = arith.mulf %get3A_680, %mul3A_682 : vector<16xf32>
        %get3A_684 = arith.index_cast %scan3A_634 : i32 to index
        %get3A_685 = arith.constant 32 : index
        %get3A_686 = tpu.vector_load %arg7[%get3A_684, %get3A_685] {strides = array<i32>} : memref<100x64xf32, #tpu.memory_space<vmem>>, vector<1x16xf32>,
        %get3A_687 = vector.shape_cast %get3A_686 : vector<1x16xf32> to vector<16xf32>
        %add3A_688 = arith.addf %mul3A_683, %get3A_687 : vector<16xf32>
        %swap3A_689 = arith.constant 3 : i32
        %swap3A_690 = arith.index_cast %swap3A_689 : i32 to index
        %swap3A_691 = arith.index_cast %scan3A_634 : i32 to index
        %swap3A_692 = arith.constant 32 : index
        %swap3A_693 = tpu.vector_load %arg8[%swap3A_690, %swap3A_691, %swap3A_692] {strides = array<i32>} : memref<8x100x64xf32, #tpu.memory_space<vmem>>, vector<1x1x16xf32>,
        %swap3A_694 = vector.shape_cast %swap3A_693 : vector<1x1x16xf32> to vector<16xf32>
        %swap3A_695 = vector.shape_cast %add3A_688 : vector<16xf32> to vector<1x1x16xf32>
        tpu.vector_store %arg8[%swap3A_690, %swap3A_691, %swap3A_692], %swap3A_695 {strides = array<i32>} : memref<8x100x64xf32, #tpu.memory_space<vmem>>, vector<1x1x16xf32>,
        %get3A_696 = arith.constant 3 : i32
        %get3A_697 = arith.index_cast %get3A_696 : i32 to index
        %get3A_698 = arith.index_cast %scan3A_634 : i32 to index
        %get3A_699 = arith.constant 48 : index
        %get3A_700 = tpu.vector_load %arg8[%get3A_697, %get3A_698, %get3A_699] {strides = array<i32>} : memref<8x100x64xf32, #tpu.memory_space<vmem>>, vector<1x1x16xf32>,
        %get3A_701 = vector.shape_cast %get3A_700 : vector<1x1x16xf32> to vector<16xf32>
        %mul3A_702 = arith.constant 8.000000e+00 : f32
        %mul3A_703 = vector.broadcast %mul3A_702 : f32 to vector<16xf32>
        %mul3A_704 = arith.mulf %get3A_701, %mul3A_703 : vector<16xf32>
        %get3A_705 = arith.index_cast %scan3A_634 : i32 to index
        %get3A_706 = arith.constant 48 : index
        %get3A_707 = tpu.vector_load %arg7[%get3A_705, %get3A_706] {strides = array<i32>} : memref<100x64xf32, #tpu.memory_space<vmem>>, vector<1x16xf32>,
        %get3A_708 = vector.shape_cast %get3A_707 : vector<1x16xf32> to vector<16xf32>
        %add3A_709 = arith.addf %mul3A_704, %get3A_708 : vector<16xf32>
        %swap3A_710 = arith.constant 3 : i32
        %swap3A_711 = arith.index_cast %swap3A_710 : i32 to index
        %swap3A_712 = arith.index_cast %scan3A_634 : i32 to index
        %swap3A_713 = arith.constant 48 : index
        %swap3A_714 = tpu.vector_load %arg8[%swap3A_711, %swap3A_712, %swap3A_713] {strides = array<i32>} : memref<8x100x64xf32, #tpu.memory_space<vmem>>, vector<1x1x16xf32>,
        %swap3A_715 = vector.shape_cast %swap3A_714 : vector<1x1x16xf32> to vector<16xf32>
        %swap3A_716 = vector.shape_cast %add3A_709 : vector<16xf32> to vector<1x1x16xf32>
        tpu.vector_store %arg8[%swap3A_711, %swap3A_712, %swap3A_713], %swap3A_716 {strides = array<i32>} : memref<8x100x64xf32, #tpu.memory_space<vmem>>, vector<1x1x16xf32>,
      }
      %scan3A_424 = arith.constant 100 : i32
      %mul3A_425 = arith.constant 64 : i32
      %mul3A_426 = arith.muli %add3A, %mul3A_425 : i32
      %add3A_427 = arith.addi %mul3A_426, %add3A_407 : i32
      %dma_start3A_428 = arith.constant 3 : i32
      %dma_start3A_429 = arith.constant 0 : i32
      %dma_start3A_430 = arith.constant 0 : i32
      %dma_start3A_431 = tpu.memref_slice %arg8[%dma_start3A_428, %dma_start3A_429, %dma_start3A_430] : memref<8x100x64xf32, #tpu.memory_space<vmem>> -> memref<1x100x64xf32, #tpu.memory_space<vmem>>
      %dma_start3A_432 = tpu.memref_squeeze %dma_start3A_431 : memref<1x100x64xf32, #tpu.memory_space<vmem>> -> memref<100x64xf32, #tpu.memory_space<vmem>>
      %dma_start3A_433 = arith.constant 0 : i32
      %dma_start3A_434 = arith.constant 0 : i32
      %dma_start3A_435 = tpu.memref_slice %arg5[%add3A_427, %dma_start3A_433, %dma_start3A_434] : memref<2048x100x64xf32, #tpu.memory_space<hbm>> -> memref<1x100x64xf32, #tpu.memory_space<hbm>>
      %dma_start3A_436 = tpu.memref_squeeze %dma_start3A_435 : memref<1x100x64xf32, #tpu.memory_space<hbm>> -> memref<100x64xf32, #tpu.memory_space<hbm>>
      %dma_start3A_437 = arith.constant 0 : i32
      %dma_start3A_438 = arith.constant 0 : i32
      %dma_start3A_439 = tpu.memref_slice %arg5[%add3A_427, %dma_start3A_437, %dma_start3A_438] : memref<2048x100x64xf32, #tpu.memory_space<hbm>> -> memref<1x100x64xf32, #tpu.memory_space<hbm>>
      %dma_start3A_440 = tpu.memref_squeeze %dma_start3A_439 : memref<1x100x64xf32, #tpu.memory_space<hbm>> -> memref<100x64xf32, #tpu.memory_space<hbm>>
      %dma_start3A_441 = arith.constant 0 : i32
      %dma_start3A_442 = arith.constant 0 : i32
      %dma_start3A_443 = tpu.memref_slice %arg8[%dma_start3A_428, %dma_start3A_441, %dma_start3A_442] : memref<8x100x64xf32, #tpu.memory_space<vmem>> -> memref<1x100x64xf32, #tpu.memory_space<vmem>>
      %dma_start3A_444 = tpu.memref_squeeze %dma_start3A_443 : memref<1x100x64xf32, #tpu.memory_space<vmem>> -> memref<100x64xf32, #tpu.memory_space<vmem>>
      tpu.enqueue_dma source(%dma_start3A_444 : memref<100x64xf32, #tpu.memory_space<vmem>>) target(%dma_start3A_440 : memref<100x64xf32, #tpu.memory_space<hbm>>) target_semaphore(%arg20 : memref<!tpu.dma_semaphore, #tpu.memory_space<semaphore_mem>>)
      %lt3A_445 = arith.constant 7 : i32
      %lt3A_446 = arith.cmpi slt, %scan3A_268, %lt3A_445 : i32
      %convert_element_type3A_447 = arith.extui %lt3A_446 : i1 to i32
      %cond3A_448 = arith.constant 0 : i32
      %cond3A_449 = arith.cmpi ne, %convert_element_type3A_447, %cond3A_448 : i32
      scf.if %cond3A_449 {
        %dma_wait3A_634 = arith.constant 3 : i32
        %dma_wait3A_635 = arith.constant 0 : i32
        %dma_wait3A_636 = arith.constant 0 : i32
        %dma_wait3A_637 = tpu.memref_slice %arg8[%dma_wait3A_634, %dma_wait3A_635, %dma_wait3A_636] : memref<8x100x64xf32, #tpu.memory_space<vmem>> -> memref<1x100x64xf32, #tpu.memory_space<vmem>>
        %dma_wait3A_638 = tpu.memref_squeeze %dma_wait3A_637 : memref<1x100x64xf32, #tpu.memory_space<vmem>> -> memref<100x64xf32, #tpu.memory_space<vmem>>
        %dma_wait3A_639 = arith.constant 0 : i32
        %dma_wait3A_640 = arith.constant 0 : i32
        %dma_wait3A_641 = tpu.memref_slice %arg5[%add3A_427, %dma_wait3A_639, %dma_wait3A_640] : memref<2048x100x64xf32, #tpu.memory_space<hbm>> -> memref<1x100x64xf32, #tpu.memory_space<hbm>>
        %dma_wait3A_642 = tpu.memref_squeeze %dma_wait3A_641 : memref<1x100x64xf32, #tpu.memory_space<hbm>> -> memref<100x64xf32, #tpu.memory_space<hbm>>
        %dma_wait3A_643 = arith.constant 0 : i32
        %dma_wait3A_644 = arith.constant 0 : i32
        %dma_wait3A_645 = tpu.memref_slice %arg5[%add3A_427, %dma_wait3A_643, %dma_wait3A_644] : memref<2048x100x64xf32, #tpu.memory_space<hbm>> -> memref<1x100x64xf32, #tpu.memory_space<hbm>>
        %dma_wait3A_646 = tpu.memref_squeeze %dma_wait3A_645 : memref<1x100x64xf32, #tpu.memory_space<hbm>> -> memref<100x64xf32, #tpu.memory_space<hbm>>
        %dma_wait3A_647 = arith.constant 0 : i32
        %dma_wait3A_648 = arith.constant 0 : i32
        %dma_wait3A_649 = tpu.memref_slice %arg8[%dma_wait3A_634, %dma_wait3A_647, %dma_wait3A_648] : memref<8x100x64xf32, #tpu.memory_space<vmem>> -> memref<1x100x64xf32, #tpu.memory_space<vmem>>
        %dma_wait3A_650 = tpu.memref_squeeze %dma_wait3A_649 : memref<1x100x64xf32, #tpu.memory_space<vmem>> -> memref<100x64xf32, #tpu.memory_space<vmem>>
        tpu.wait_dma2 semaphore(%arg20 : memref<!tpu.dma_semaphore, #tpu.memory_space<semaphore_mem>>) src(%dma_wait3A_650 : memref<100x64xf32, #tpu.memory_space<vmem>>) dst(%dma_wait3A_646 : memref<100x64xf32, #tpu.memory_space<hbm>>)
        %add3A_651 = arith.constant 8 : i32
        %add3A_652 = arith.addi %add3A_407, %add3A_651 : i32
        %dma_start3A_653 = arith.constant 3 : i32
        %dma_start3A_654 = arith.constant 0 : i32
        %dma_start3A_655 = arith.constant 0 : i32
        %dma_start3A_656 = tpu.memref_slice %arg8[%dma_start3A_653, %dma_start3A_654, %dma_start3A_655] : memref<8x100x64xf32, #tpu.memory_space<vmem>> -> memref<1x100x64xf32, #tpu.memory_space<vmem>>
        %dma_start3A_657 = tpu.memref_squeeze %dma_start3A_656 : memref<1x100x64xf32, #tpu.memory_space<vmem>> -> memref<100x64xf32, #tpu.memory_space<vmem>>
        %dma_start3A_658 = arith.constant 0 : i32
        %dma_start3A_659 = tpu.memref_slice %arg6[%add3A_652, %dma_start3A_658] : memref<64x100xi32, #tpu.memory_space<vmem>> -> memref<1x100xi32, #tpu.memory_space<vmem>>
        %dma_start3A_660 = tpu.memref_squeeze %dma_start3A_659 : memref<1x100xi32, #tpu.memory_space<vmem>> -> memref<100xi32, #tpu.memory_space<vmem>>
        %dma_start3A_661 = arith.constant 0 : i32
        %dma_start3A_662 = arith.constant 0 : i32
        %dma_start3A_663 = tpu.memref_slice %arg3[%dma_start3A_661, %dma_start3A_662] : memref<2000000x64xf32, #tpu.memory_space<hbm>> -> memref<2000000x64xf32, #tpu.memory_space<hbm>>
        tpu.enqueue_indirect_dma source(%dma_start3A_663 : memref<2000000x64xf32, #tpu.memory_space<hbm>>) target(%dma_start3A_657 : memref<100x64xf32, #tpu.memory_space<vmem>>) offsets(%dma_start3A_660 : memref<100xi32, #tpu.memory_space<vmem>>) semaphore(%arg12 : memref<!tpu.dma_semaphore, #tpu.memory_space<semaphore_mem>>)
      } else {
      }
      %mul3A_450 = arith.constant 8 : i32
      %mul3A_451 = arith.muli %scan3A_268, %mul3A_450 : i32
      %add3A_452 = arith.constant 4 : i32
      %add3A_453 = arith.addi %mul3A_451, %add3A_452 : i32
      %dma_wait3A_454 = arith.constant 4 : i32
      %dma_wait3A_455 = arith.constant 0 : i32
      %dma_wait3A_456 = arith.constant 0 : i32
      %dma_wait3A_457 = tpu.memref_slice %arg8[%dma_wait3A_454, %dma_wait3A_455, %dma_wait3A_456] : memref<8x100x64xf32, #tpu.memory_space<vmem>> -> memref<1x100x64xf32, #tpu.memory_space<vmem>>
      %dma_wait3A_458 = tpu.memref_squeeze %dma_wait3A_457 : memref<1x100x64xf32, #tpu.memory_space<vmem>> -> memref<100x64xf32, #tpu.memory_space<vmem>>
      %dma_wait3A_459 = arith.constant 0 : i32
      %dma_wait3A_460 = tpu.memref_slice %arg6[%add3A_453, %dma_wait3A_459] : memref<64x100xi32, #tpu.memory_space<vmem>> -> memref<1x100xi32, #tpu.memory_space<vmem>>
      %dma_wait3A_461 = tpu.memref_squeeze %dma_wait3A_460 : memref<1x100xi32, #tpu.memory_space<vmem>> -> memref<100xi32, #tpu.memory_space<vmem>>
      %dma_wait3A_462 = arith.constant 0 : i32
      %dma_wait3A_463 = arith.constant 0 : i32
      %dma_wait3A_464 = tpu.memref_slice %arg3[%dma_wait3A_462, %dma_wait3A_463] : memref<2000000x64xf32, #tpu.memory_space<hbm>> -> memref<2000000x64xf32, #tpu.memory_space<hbm>>
      tpu.wait_indirect_dma semaphore(%arg13 : memref<!tpu.dma_semaphore, #tpu.memory_space<semaphore_mem>>) src(%dma_wait3A_464 : memref<2000000x64xf32, #tpu.memory_space<hbm>>) dst(%dma_wait3A_458 : memref<100x64xf32, #tpu.memory_space<vmem>>)
      %scan3A_465 = arith.constant 0 : i32
      %scan3A_466 = arith.constant 0 : i32
      %scan3A_467 = arith.constant 100 : i32
      %scan3A_468 = arith.addi %scan3A_466, %scan3A_467 : i32
      %scan3A_469 = arith.constant 1 : i32
      scf.for %scan3A_634 = %scan3A_466 to %scan3A_468 step %scan3A_469  : i32 {
        %get3A = arith.constant 4 : i32
        %get3A_635 = arith.index_cast %get3A : i32 to index
        %get3A_636 = arith.index_cast %scan3A_634 : i32 to index
        %get3A_637 = arith.constant 0 : index
        %get3A_638 = tpu.vector_load %arg8[%get3A_635, %get3A_636, %get3A_637] {strides = array<i32>} : memref<8x100x64xf32, #tpu.memory_space<vmem>>, vector<1x1x16xf32>,
        %get3A_639 = vector.shape_cast %get3A_638 : vector<1x1x16xf32> to vector<16xf32>
        %mul3A_640 = arith.constant 8.000000e+00 : f32
        %mul3A_641 = vector.broadcast %mul3A_640 : f32 to vector<16xf32>
        %mul3A_642 = arith.mulf %get3A_639, %mul3A_641 : vector<16xf32>
        %get3A_643 = arith.index_cast %scan3A_634 : i32 to index
        %get3A_644 = arith.constant 0 : index
        %get3A_645 = tpu.vector_load %arg7[%get3A_643, %get3A_644] {strides = array<i32>} : memref<100x64xf32, #tpu.memory_space<vmem>>, vector<1x16xf32>,
        %get3A_646 = vector.shape_cast %get3A_645 : vector<1x16xf32> to vector<16xf32>
        %add3A_647 = arith.addf %mul3A_642, %get3A_646 : vector<16xf32>
        %swap3A = arith.constant 4 : i32
        %swap3A_648 = arith.index_cast %swap3A : i32 to index
        %swap3A_649 = arith.index_cast %scan3A_634 : i32 to index
        %swap3A_650 = arith.constant 0 : index
        %swap3A_651 = tpu.vector_load %arg8[%swap3A_648, %swap3A_649, %swap3A_650] {strides = array<i32>} : memref<8x100x64xf32, #tpu.memory_space<vmem>>, vector<1x1x16xf32>,
        %swap3A_652 = vector.shape_cast %swap3A_651 : vector<1x1x16xf32> to vector<16xf32>
        %swap3A_653 = vector.shape_cast %add3A_647 : vector<16xf32> to vector<1x1x16xf32>
        tpu.vector_store %arg8[%swap3A_648, %swap3A_649, %swap3A_650], %swap3A_653 {strides = array<i32>} : memref<8x100x64xf32, #tpu.memory_space<vmem>>, vector<1x1x16xf32>,
        %get3A_654 = arith.constant 4 : i32
        %get3A_655 = arith.index_cast %get3A_654 : i32 to index
        %get3A_656 = arith.index_cast %scan3A_634 : i32 to index
        %get3A_657 = arith.constant 16 : index
        %get3A_658 = tpu.vector_load %arg8[%get3A_655, %get3A_656, %get3A_657] {strides = array<i32>} : memref<8x100x64xf32, #tpu.memory_space<vmem>>, vector<1x1x16xf32>,
        %get3A_659 = vector.shape_cast %get3A_658 : vector<1x1x16xf32> to vector<16xf32>
        %mul3A_660 = arith.constant 8.000000e+00 : f32
        %mul3A_661 = vector.broadcast %mul3A_660 : f32 to vector<16xf32>
        %mul3A_662 = arith.mulf %get3A_659, %mul3A_661 : vector<16xf32>
        %get3A_663 = arith.index_cast %scan3A_634 : i32 to index
        %get3A_664 = arith.constant 16 : index
        %get3A_665 = tpu.vector_load %arg7[%get3A_663, %get3A_664] {strides = array<i32>} : memref<100x64xf32, #tpu.memory_space<vmem>>, vector<1x16xf32>,
        %get3A_666 = vector.shape_cast %get3A_665 : vector<1x16xf32> to vector<16xf32>
        %add3A_667 = arith.addf %mul3A_662, %get3A_666 : vector<16xf32>
        %swap3A_668 = arith.constant 4 : i32
        %swap3A_669 = arith.index_cast %swap3A_668 : i32 to index
        %swap3A_670 = arith.index_cast %scan3A_634 : i32 to index
        %swap3A_671 = arith.constant 16 : index
        %swap3A_672 = tpu.vector_load %arg8[%swap3A_669, %swap3A_670, %swap3A_671] {strides = array<i32>} : memref<8x100x64xf32, #tpu.memory_space<vmem>>, vector<1x1x16xf32>,
        %swap3A_673 = vector.shape_cast %swap3A_672 : vector<1x1x16xf32> to vector<16xf32>
        %swap3A_674 = vector.shape_cast %add3A_667 : vector<16xf32> to vector<1x1x16xf32>
        tpu.vector_store %arg8[%swap3A_669, %swap3A_670, %swap3A_671], %swap3A_674 {strides = array<i32>} : memref<8x100x64xf32, #tpu.memory_space<vmem>>, vector<1x1x16xf32>,
        %get3A_675 = arith.constant 4 : i32
        %get3A_676 = arith.index_cast %get3A_675 : i32 to index
        %get3A_677 = arith.index_cast %scan3A_634 : i32 to index
        %get3A_678 = arith.constant 32 : index
        %get3A_679 = tpu.vector_load %arg8[%get3A_676, %get3A_677, %get3A_678] {strides = array<i32>} : memref<8x100x64xf32, #tpu.memory_space<vmem>>, vector<1x1x16xf32>,
        %get3A_680 = vector.shape_cast %get3A_679 : vector<1x1x16xf32> to vector<16xf32>
        %mul3A_681 = arith.constant 8.000000e+00 : f32
        %mul3A_682 = vector.broadcast %mul3A_681 : f32 to vector<16xf32>
        %mul3A_683 = arith.mulf %get3A_680, %mul3A_682 : vector<16xf32>
        %get3A_684 = arith.index_cast %scan3A_634 : i32 to index
        %get3A_685 = arith.constant 32 : index
        %get3A_686 = tpu.vector_load %arg7[%get3A_684, %get3A_685] {strides = array<i32>} : memref<100x64xf32, #tpu.memory_space<vmem>>, vector<1x16xf32>,
        %get3A_687 = vector.shape_cast %get3A_686 : vector<1x16xf32> to vector<16xf32>
        %add3A_688 = arith.addf %mul3A_683, %get3A_687 : vector<16xf32>
        %swap3A_689 = arith.constant 4 : i32
        %swap3A_690 = arith.index_cast %swap3A_689 : i32 to index
        %swap3A_691 = arith.index_cast %scan3A_634 : i32 to index
        %swap3A_692 = arith.constant 32 : index
        %swap3A_693 = tpu.vector_load %arg8[%swap3A_690, %swap3A_691, %swap3A_692] {strides = array<i32>} : memref<8x100x64xf32, #tpu.memory_space<vmem>>, vector<1x1x16xf32>,
        %swap3A_694 = vector.shape_cast %swap3A_693 : vector<1x1x16xf32> to vector<16xf32>
        %swap3A_695 = vector.shape_cast %add3A_688 : vector<16xf32> to vector<1x1x16xf32>
        tpu.vector_store %arg8[%swap3A_690, %swap3A_691, %swap3A_692], %swap3A_695 {strides = array<i32>} : memref<8x100x64xf32, #tpu.memory_space<vmem>>, vector<1x1x16xf32>,
        %get3A_696 = arith.constant 4 : i32
        %get3A_697 = arith.index_cast %get3A_696 : i32 to index
        %get3A_698 = arith.index_cast %scan3A_634 : i32 to index
        %get3A_699 = arith.constant 48 : index
        %get3A_700 = tpu.vector_load %arg8[%get3A_697, %get3A_698, %get3A_699] {strides = array<i32>} : memref<8x100x64xf32, #tpu.memory_space<vmem>>, vector<1x1x16xf32>,
        %get3A_701 = vector.shape_cast %get3A_700 : vector<1x1x16xf32> to vector<16xf32>
        %mul3A_702 = arith.constant 8.000000e+00 : f32
        %mul3A_703 = vector.broadcast %mul3A_702 : f32 to vector<16xf32>
        %mul3A_704 = arith.mulf %get3A_701, %mul3A_703 : vector<16xf32>
        %get3A_705 = arith.index_cast %scan3A_634 : i32 to index
        %get3A_706 = arith.constant 48 : index
        %get3A_707 = tpu.vector_load %arg7[%get3A_705, %get3A_706] {strides = array<i32>} : memref<100x64xf32, #tpu.memory_space<vmem>>, vector<1x16xf32>,
        %get3A_708 = vector.shape_cast %get3A_707 : vector<1x16xf32> to vector<16xf32>
        %add3A_709 = arith.addf %mul3A_704, %get3A_708 : vector<16xf32>
        %swap3A_710 = arith.constant 4 : i32
        %swap3A_711 = arith.index_cast %swap3A_710 : i32 to index
        %swap3A_712 = arith.index_cast %scan3A_634 : i32 to index
        %swap3A_713 = arith.constant 48 : index
        %swap3A_714 = tpu.vector_load %arg8[%swap3A_711, %swap3A_712, %swap3A_713] {strides = array<i32>} : memref<8x100x64xf32, #tpu.memory_space<vmem>>, vector<1x1x16xf32>,
        %swap3A_715 = vector.shape_cast %swap3A_714 : vector<1x1x16xf32> to vector<16xf32>
        %swap3A_716 = vector.shape_cast %add3A_709 : vector<16xf32> to vector<1x1x16xf32>
        tpu.vector_store %arg8[%swap3A_711, %swap3A_712, %swap3A_713], %swap3A_716 {strides = array<i32>} : memref<8x100x64xf32, #tpu.memory_space<vmem>>, vector<1x1x16xf32>,
      }
      %scan3A_470 = arith.constant 100 : i32
      %mul3A_471 = arith.constant 64 : i32
      %mul3A_472 = arith.muli %add3A, %mul3A_471 : i32
      %add3A_473 = arith.addi %mul3A_472, %add3A_453 : i32
      %dma_start3A_474 = arith.constant 4 : i32
      %dma_start3A_475 = arith.constant 0 : i32
      %dma_start3A_476 = arith.constant 0 : i32
      %dma_start3A_477 = tpu.memref_slice %arg8[%dma_start3A_474, %dma_start3A_475, %dma_start3A_476] : memref<8x100x64xf32, #tpu.memory_space<vmem>> -> memref<1x100x64xf32, #tpu.memory_space<vmem>>
      %dma_start3A_478 = tpu.memref_squeeze %dma_start3A_477 : memref<1x100x64xf32, #tpu.memory_space<vmem>> -> memref<100x64xf32, #tpu.memory_space<vmem>>
      %dma_start3A_479 = arith.constant 0 : i32
      %dma_start3A_480 = arith.constant 0 : i32
      %dma_start3A_481 = tpu.memref_slice %arg5[%add3A_473, %dma_start3A_479, %dma_start3A_480] : memref<2048x100x64xf32, #tpu.memory_space<hbm>> -> memref<1x100x64xf32, #tpu.memory_space<hbm>>
      %dma_start3A_482 = tpu.memref_squeeze %dma_start3A_481 : memref<1x100x64xf32, #tpu.memory_space<hbm>> -> memref<100x64xf32, #tpu.memory_space<hbm>>
      %dma_start3A_483 = arith.constant 0 : i32
      %dma_start3A_484 = arith.constant 0 : i32
      %dma_start3A_485 = tpu.memref_slice %arg5[%add3A_473, %dma_start3A_483, %dma_start3A_484] : memref<2048x100x64xf32, #tpu.memory_space<hbm>> -> memref<1x100x64xf32, #tpu.memory_space<hbm>>
      %dma_start3A_486 = tpu.memref_squeeze %dma_start3A_485 : memref<1x100x64xf32, #tpu.memory_space<hbm>> -> memref<100x64xf32, #tpu.memory_space<hbm>>
      %dma_start3A_487 = arith.constant 0 : i32
      %dma_start3A_488 = arith.constant 0 : i32
      %dma_start3A_489 = tpu.memref_slice %arg8[%dma_start3A_474, %dma_start3A_487, %dma_start3A_488] : memref<8x100x64xf32, #tpu.memory_space<vmem>> -> memref<1x100x64xf32, #tpu.memory_space<vmem>>
      %dma_start3A_490 = tpu.memref_squeeze %dma_start3A_489 : memref<1x100x64xf32, #tpu.memory_space<vmem>> -> memref<100x64xf32, #tpu.memory_space<vmem>>
      tpu.enqueue_dma source(%dma_start3A_490 : memref<100x64xf32, #tpu.memory_space<vmem>>) target(%dma_start3A_486 : memref<100x64xf32, #tpu.memory_space<hbm>>) target_semaphore(%arg21 : memref<!tpu.dma_semaphore, #tpu.memory_space<semaphore_mem>>)
      %lt3A_491 = arith.constant 7 : i32
      %lt3A_492 = arith.cmpi slt, %scan3A_268, %lt3A_491 : i32
      %convert_element_type3A_493 = arith.extui %lt3A_492 : i1 to i32
      %cond3A_494 = arith.constant 0 : i32
      %cond3A_495 = arith.cmpi ne, %convert_element_type3A_493, %cond3A_494 : i32
      scf.if %cond3A_495 {
        %dma_wait3A_634 = arith.constant 4 : i32
        %dma_wait3A_635 = arith.constant 0 : i32
        %dma_wait3A_636 = arith.constant 0 : i32
        %dma_wait3A_637 = tpu.memref_slice %arg8[%dma_wait3A_634, %dma_wait3A_635, %dma_wait3A_636] : memref<8x100x64xf32, #tpu.memory_space<vmem>> -> memref<1x100x64xf32, #tpu.memory_space<vmem>>
        %dma_wait3A_638 = tpu.memref_squeeze %dma_wait3A_637 : memref<1x100x64xf32, #tpu.memory_space<vmem>> -> memref<100x64xf32, #tpu.memory_space<vmem>>
        %dma_wait3A_639 = arith.constant 0 : i32
        %dma_wait3A_640 = arith.constant 0 : i32
        %dma_wait3A_641 = tpu.memref_slice %arg5[%add3A_473, %dma_wait3A_639, %dma_wait3A_640] : memref<2048x100x64xf32, #tpu.memory_space<hbm>> -> memref<1x100x64xf32, #tpu.memory_space<hbm>>
        %dma_wait3A_642 = tpu.memref_squeeze %dma_wait3A_641 : memref<1x100x64xf32, #tpu.memory_space<hbm>> -> memref<100x64xf32, #tpu.memory_space<hbm>>
        %dma_wait3A_643 = arith.constant 0 : i32
        %dma_wait3A_644 = arith.constant 0 : i32
        %dma_wait3A_645 = tpu.memref_slice %arg5[%add3A_473, %dma_wait3A_643, %dma_wait3A_644] : memref<2048x100x64xf32, #tpu.memory_space<hbm>> -> memref<1x100x64xf32, #tpu.memory_space<hbm>>
        %dma_wait3A_646 = tpu.memref_squeeze %dma_wait3A_645 : memref<1x100x64xf32, #tpu.memory_space<hbm>> -> memref<100x64xf32, #tpu.memory_space<hbm>>
        %dma_wait3A_647 = arith.constant 0 : i32
        %dma_wait3A_648 = arith.constant 0 : i32
        %dma_wait3A_649 = tpu.memref_slice %arg8[%dma_wait3A_634, %dma_wait3A_647, %dma_wait3A_648] : memref<8x100x64xf32, #tpu.memory_space<vmem>> -> memref<1x100x64xf32, #tpu.memory_space<vmem>>
        %dma_wait3A_650 = tpu.memref_squeeze %dma_wait3A_649 : memref<1x100x64xf32, #tpu.memory_space<vmem>> -> memref<100x64xf32, #tpu.memory_space<vmem>>
        tpu.wait_dma2 semaphore(%arg21 : memref<!tpu.dma_semaphore, #tpu.memory_space<semaphore_mem>>) src(%dma_wait3A_650 : memref<100x64xf32, #tpu.memory_space<vmem>>) dst(%dma_wait3A_646 : memref<100x64xf32, #tpu.memory_space<hbm>>)
        %add3A_651 = arith.constant 8 : i32
        %add3A_652 = arith.addi %add3A_453, %add3A_651 : i32
        %dma_start3A_653 = arith.constant 4 : i32
        %dma_start3A_654 = arith.constant 0 : i32
        %dma_start3A_655 = arith.constant 0 : i32
        %dma_start3A_656 = tpu.memref_slice %arg8[%dma_start3A_653, %dma_start3A_654, %dma_start3A_655] : memref<8x100x64xf32, #tpu.memory_space<vmem>> -> memref<1x100x64xf32, #tpu.memory_space<vmem>>
        %dma_start3A_657 = tpu.memref_squeeze %dma_start3A_656 : memref<1x100x64xf32, #tpu.memory_space<vmem>> -> memref<100x64xf32, #tpu.memory_space<vmem>>
        %dma_start3A_658 = arith.constant 0 : i32
        %dma_start3A_659 = tpu.memref_slice %arg6[%add3A_652, %dma_start3A_658] : memref<64x100xi32, #tpu.memory_space<vmem>> -> memref<1x100xi32, #tpu.memory_space<vmem>>
        %dma_start3A_660 = tpu.memref_squeeze %dma_start3A_659 : memref<1x100xi32, #tpu.memory_space<vmem>> -> memref<100xi32, #tpu.memory_space<vmem>>
        %dma_start3A_661 = arith.constant 0 : i32
        %dma_start3A_662 = arith.constant 0 : i32
        %dma_start3A_663 = tpu.memref_slice %arg3[%dma_start3A_661, %dma_start3A_662] : memref<2000000x64xf32, #tpu.memory_space<hbm>> -> memref<2000000x64xf32, #tpu.memory_space<hbm>>
        tpu.enqueue_indirect_dma source(%dma_start3A_663 : memref<2000000x64xf32, #tpu.memory_space<hbm>>) target(%dma_start3A_657 : memref<100x64xf32, #tpu.memory_space<vmem>>) offsets(%dma_start3A_660 : memref<100xi32, #tpu.memory_space<vmem>>) semaphore(%arg13 : memref<!tpu.dma_semaphore, #tpu.memory_space<semaphore_mem>>)
      } else {
      }
      %mul3A_496 = arith.constant 8 : i32
      %mul3A_497 = arith.muli %scan3A_268, %mul3A_496 : i32
      %add3A_498 = arith.constant 5 : i32
      %add3A_499 = arith.addi %mul3A_497, %add3A_498 : i32
      %dma_wait3A_500 = arith.constant 5 : i32
      %dma_wait3A_501 = arith.constant 0 : i32
      %dma_wait3A_502 = arith.constant 0 : i32
      %dma_wait3A_503 = tpu.memref_slice %arg8[%dma_wait3A_500, %dma_wait3A_501, %dma_wait3A_502] : memref<8x100x64xf32, #tpu.memory_space<vmem>> -> memref<1x100x64xf32, #tpu.memory_space<vmem>>
      %dma_wait3A_504 = tpu.memref_squeeze %dma_wait3A_503 : memref<1x100x64xf32, #tpu.memory_space<vmem>> -> memref<100x64xf32, #tpu.memory_space<vmem>>
      %dma_wait3A_505 = arith.constant 0 : i32
      %dma_wait3A_506 = tpu.memref_slice %arg6[%add3A_499, %dma_wait3A_505] : memref<64x100xi32, #tpu.memory_space<vmem>> -> memref<1x100xi32, #tpu.memory_space<vmem>>
      %dma_wait3A_507 = tpu.memref_squeeze %dma_wait3A_506 : memref<1x100xi32, #tpu.memory_space<vmem>> -> memref<100xi32, #tpu.memory_space<vmem>>
      %dma_wait3A_508 = arith.constant 0 : i32
      %dma_wait3A_509 = arith.constant 0 : i32
      %dma_wait3A_510 = tpu.memref_slice %arg3[%dma_wait3A_508, %dma_wait3A_509] : memref<2000000x64xf32, #tpu.memory_space<hbm>> -> memref<2000000x64xf32, #tpu.memory_space<hbm>>
      tpu.wait_indirect_dma semaphore(%arg14 : memref<!tpu.dma_semaphore, #tpu.memory_space<semaphore_mem>>) src(%dma_wait3A_510 : memref<2000000x64xf32, #tpu.memory_space<hbm>>) dst(%dma_wait3A_504 : memref<100x64xf32, #tpu.memory_space<vmem>>)
      %scan3A_511 = arith.constant 0 : i32
      %scan3A_512 = arith.constant 0 : i32
      %scan3A_513 = arith.constant 100 : i32
      %scan3A_514 = arith.addi %scan3A_512, %scan3A_513 : i32
      %scan3A_515 = arith.constant 1 : i32
      scf.for %scan3A_634 = %scan3A_512 to %scan3A_514 step %scan3A_515  : i32 {
        %get3A = arith.constant 5 : i32
        %get3A_635 = arith.index_cast %get3A : i32 to index
        %get3A_636 = arith.index_cast %scan3A_634 : i32 to index
        %get3A_637 = arith.constant 0 : index
        %get3A_638 = tpu.vector_load %arg8[%get3A_635, %get3A_636, %get3A_637] {strides = array<i32>} : memref<8x100x64xf32, #tpu.memory_space<vmem>>, vector<1x1x16xf32>,
        %get3A_639 = vector.shape_cast %get3A_638 : vector<1x1x16xf32> to vector<16xf32>
        %mul3A_640 = arith.constant 8.000000e+00 : f32
        %mul3A_641 = vector.broadcast %mul3A_640 : f32 to vector<16xf32>
        %mul3A_642 = arith.mulf %get3A_639, %mul3A_641 : vector<16xf32>
        %get3A_643 = arith.index_cast %scan3A_634 : i32 to index
        %get3A_644 = arith.constant 0 : index
        %get3A_645 = tpu.vector_load %arg7[%get3A_643, %get3A_644] {strides = array<i32>} : memref<100x64xf32, #tpu.memory_space<vmem>>, vector<1x16xf32>,
        %get3A_646 = vector.shape_cast %get3A_645 : vector<1x16xf32> to vector<16xf32>
        %add3A_647 = arith.addf %mul3A_642, %get3A_646 : vector<16xf32>
        %swap3A = arith.constant 5 : i32
        %swap3A_648 = arith.index_cast %swap3A : i32 to index
        %swap3A_649 = arith.index_cast %scan3A_634 : i32 to index
        %swap3A_650 = arith.constant 0 : index
        %swap3A_651 = tpu.vector_load %arg8[%swap3A_648, %swap3A_649, %swap3A_650] {strides = array<i32>} : memref<8x100x64xf32, #tpu.memory_space<vmem>>, vector<1x1x16xf32>,
        %swap3A_652 = vector.shape_cast %swap3A_651 : vector<1x1x16xf32> to vector<16xf32>
        %swap3A_653 = vector.shape_cast %add3A_647 : vector<16xf32> to vector<1x1x16xf32>
        tpu.vector_store %arg8[%swap3A_648, %swap3A_649, %swap3A_650], %swap3A_653 {strides = array<i32>} : memref<8x100x64xf32, #tpu.memory_space<vmem>>, vector<1x1x16xf32>,
        %get3A_654 = arith.constant 5 : i32
        %get3A_655 = arith.index_cast %get3A_654 : i32 to index
        %get3A_656 = arith.index_cast %scan3A_634 : i32 to index
        %get3A_657 = arith.constant 16 : index
        %get3A_658 = tpu.vector_load %arg8[%get3A_655, %get3A_656, %get3A_657] {strides = array<i32>} : memref<8x100x64xf32, #tpu.memory_space<vmem>>, vector<1x1x16xf32>,
        %get3A_659 = vector.shape_cast %get3A_658 : vector<1x1x16xf32> to vector<16xf32>
        %mul3A_660 = arith.constant 8.000000e+00 : f32
        %mul3A_661 = vector.broadcast %mul3A_660 : f32 to vector<16xf32>
        %mul3A_662 = arith.mulf %get3A_659, %mul3A_661 : vector<16xf32>
        %get3A_663 = arith.index_cast %scan3A_634 : i32 to index
        %get3A_664 = arith.constant 16 : index
        %get3A_665 = tpu.vector_load %arg7[%get3A_663, %get3A_664] {strides = array<i32>} : memref<100x64xf32, #tpu.memory_space<vmem>>, vector<1x16xf32>,
        %get3A_666 = vector.shape_cast %get3A_665 : vector<1x16xf32> to vector<16xf32>
        %add3A_667 = arith.addf %mul3A_662, %get3A_666 : vector<16xf32>
        %swap3A_668 = arith.constant 5 : i32
        %swap3A_669 = arith.index_cast %swap3A_668 : i32 to index
        %swap3A_670 = arith.index_cast %scan3A_634 : i32 to index
        %swap3A_671 = arith.constant 16 : index
        %swap3A_672 = tpu.vector_load %arg8[%swap3A_669, %swap3A_670, %swap3A_671] {strides = array<i32>} : memref<8x100x64xf32, #tpu.memory_space<vmem>>, vector<1x1x16xf32>,
        %swap3A_673 = vector.shape_cast %swap3A_672 : vector<1x1x16xf32> to vector<16xf32>
        %swap3A_674 = vector.shape_cast %add3A_667 : vector<16xf32> to vector<1x1x16xf32>
        tpu.vector_store %arg8[%swap3A_669, %swap3A_670, %swap3A_671], %swap3A_674 {strides = array<i32>} : memref<8x100x64xf32, #tpu.memory_space<vmem>>, vector<1x1x16xf32>,
        %get3A_675 = arith.constant 5 : i32
        %get3A_676 = arith.index_cast %get3A_675 : i32 to index
        %get3A_677 = arith.index_cast %scan3A_634 : i32 to index
        %get3A_678 = arith.constant 32 : index
        %get3A_679 = tpu.vector_load %arg8[%get3A_676, %get3A_677, %get3A_678] {strides = array<i32>} : memref<8x100x64xf32, #tpu.memory_space<vmem>>, vector<1x1x16xf32>,
        %get3A_680 = vector.shape_cast %get3A_679 : vector<1x1x16xf32> to vector<16xf32>
        %mul3A_681 = arith.constant 8.000000e+00 : f32
        %mul3A_682 = vector.broadcast %mul3A_681 : f32 to vector<16xf32>
        %mul3A_683 = arith.mulf %get3A_680, %mul3A_682 : vector<16xf32>
        %get3A_684 = arith.index_cast %scan3A_634 : i32 to index
        %get3A_685 = arith.constant 32 : index
        %get3A_686 = tpu.vector_load %arg7[%get3A_684, %get3A_685] {strides = array<i32>} : memref<100x64xf32, #tpu.memory_space<vmem>>, vector<1x16xf32>,
        %get3A_687 = vector.shape_cast %get3A_686 : vector<1x16xf32> to vector<16xf32>
        %add3A_688 = arith.addf %mul3A_683, %get3A_687 : vector<16xf32>
        %swap3A_689 = arith.constant 5 : i32
        %swap3A_690 = arith.index_cast %swap3A_689 : i32 to index
        %swap3A_691 = arith.index_cast %scan3A_634 : i32 to index
        %swap3A_692 = arith.constant 32 : index
        %swap3A_693 = tpu.vector_load %arg8[%swap3A_690, %swap3A_691, %swap3A_692] {strides = array<i32>} : memref<8x100x64xf32, #tpu.memory_space<vmem>>, vector<1x1x16xf32>,
        %swap3A_694 = vector.shape_cast %swap3A_693 : vector<1x1x16xf32> to vector<16xf32>
        %swap3A_695 = vector.shape_cast %add3A_688 : vector<16xf32> to vector<1x1x16xf32>
        tpu.vector_store %arg8[%swap3A_690, %swap3A_691, %swap3A_692], %swap3A_695 {strides = array<i32>} : memref<8x100x64xf32, #tpu.memory_space<vmem>>, vector<1x1x16xf32>,
        %get3A_696 = arith.constant 5 : i32
        %get3A_697 = arith.index_cast %get3A_696 : i32 to index
        %get3A_698 = arith.index_cast %scan3A_634 : i32 to index
        %get3A_699 = arith.constant 48 : index
        %get3A_700 = tpu.vector_load %arg8[%get3A_697, %get3A_698, %get3A_699] {strides = array<i32>} : memref<8x100x64xf32, #tpu.memory_space<vmem>>, vector<1x1x16xf32>,
        %get3A_701 = vector.shape_cast %get3A_700 : vector<1x1x16xf32> to vector<16xf32>
        %mul3A_702 = arith.constant 8.000000e+00 : f32
        %mul3A_703 = vector.broadcast %mul3A_702 : f32 to vector<16xf32>
        %mul3A_704 = arith.mulf %get3A_701, %mul3A_703 : vector<16xf32>
        %get3A_705 = arith.index_cast %scan3A_634 : i32 to index
        %get3A_706 = arith.constant 48 : index
        %get3A_707 = tpu.vector_load %arg7[%get3A_705, %get3A_706] {strides = array<i32>} : memref<100x64xf32, #tpu.memory_space<vmem>>, vector<1x16xf32>,
        %get3A_708 = vector.shape_cast %get3A_707 : vector<1x16xf32> to vector<16xf32>
        %add3A_709 = arith.addf %mul3A_704, %get3A_708 : vector<16xf32>
        %swap3A_710 = arith.constant 5 : i32
        %swap3A_711 = arith.index_cast %swap3A_710 : i32 to index
        %swap3A_712 = arith.index_cast %scan3A_634 : i32 to index
        %swap3A_713 = arith.constant 48 : index
        %swap3A_714 = tpu.vector_load %arg8[%swap3A_711, %swap3A_712, %swap3A_713] {strides = array<i32>} : memref<8x100x64xf32, #tpu.memory_space<vmem>>, vector<1x1x16xf32>,
        %swap3A_715 = vector.shape_cast %swap3A_714 : vector<1x1x16xf32> to vector<16xf32>
        %swap3A_716 = vector.shape_cast %add3A_709 : vector<16xf32> to vector<1x1x16xf32>
        tpu.vector_store %arg8[%swap3A_711, %swap3A_712, %swap3A_713], %swap3A_716 {strides = array<i32>} : memref<8x100x64xf32, #tpu.memory_space<vmem>>, vector<1x1x16xf32>,
      }
      %scan3A_516 = arith.constant 100 : i32
      %mul3A_517 = arith.constant 64 : i32
      %mul3A_518 = arith.muli %add3A, %mul3A_517 : i32
      %add3A_519 = arith.addi %mul3A_518, %add3A_499 : i32
      %dma_start3A_520 = arith.constant 5 : i32
      %dma_start3A_521 = arith.constant 0 : i32
      %dma_start3A_522 = arith.constant 0 : i32
      %dma_start3A_523 = tpu.memref_slice %arg8[%dma_start3A_520, %dma_start3A_521, %dma_start3A_522] : memref<8x100x64xf32, #tpu.memory_space<vmem>> -> memref<1x100x64xf32, #tpu.memory_space<vmem>>
      %dma_start3A_524 = tpu.memref_squeeze %dma_start3A_523 : memref<1x100x64xf32, #tpu.memory_space<vmem>> -> memref<100x64xf32, #tpu.memory_space<vmem>>
      %dma_start3A_525 = arith.constant 0 : i32
      %dma_start3A_526 = arith.constant 0 : i32
      %dma_start3A_527 = tpu.memref_slice %arg5[%add3A_519, %dma_start3A_525, %dma_start3A_526] : memref<2048x100x64xf32, #tpu.memory_space<hbm>> -> memref<1x100x64xf32, #tpu.memory_space<hbm>>
      %dma_start3A_528 = tpu.memref_squeeze %dma_start3A_527 : memref<1x100x64xf32, #tpu.memory_space<hbm>> -> memref<100x64xf32, #tpu.memory_space<hbm>>
      %dma_start3A_529 = arith.constant 0 : i32
      %dma_start3A_530 = arith.constant 0 : i32
      %dma_start3A_531 = tpu.memref_slice %arg5[%add3A_519, %dma_start3A_529, %dma_start3A_530] : memref<2048x100x64xf32, #tpu.memory_space<hbm>> -> memref<1x100x64xf32, #tpu.memory_space<hbm>>
      %dma_start3A_532 = tpu.memref_squeeze %dma_start3A_531 : memref<1x100x64xf32, #tpu.memory_space<hbm>> -> memref<100x64xf32, #tpu.memory_space<hbm>>
      %dma_start3A_533 = arith.constant 0 : i32
      %dma_start3A_534 = arith.constant 0 : i32
      %dma_start3A_535 = tpu.memref_slice %arg8[%dma_start3A_520, %dma_start3A_533, %dma_start3A_534] : memref<8x100x64xf32, #tpu.memory_space<vmem>> -> memref<1x100x64xf32, #tpu.memory_space<vmem>>
      %dma_start3A_536 = tpu.memref_squeeze %dma_start3A_535 : memref<1x100x64xf32, #tpu.memory_space<vmem>> -> memref<100x64xf32, #tpu.memory_space<vmem>>
      tpu.enqueue_dma source(%dma_start3A_536 : memref<100x64xf32, #tpu.memory_space<vmem>>) target(%dma_start3A_532 : memref<100x64xf32, #tpu.memory_space<hbm>>) target_semaphore(%arg22 : memref<!tpu.dma_semaphore, #tpu.memory_space<semaphore_mem>>)
      %lt3A_537 = arith.constant 7 : i32
      %lt3A_538 = arith.cmpi slt, %scan3A_268, %lt3A_537 : i32
      %convert_element_type3A_539 = arith.extui %lt3A_538 : i1 to i32
      %cond3A_540 = arith.constant 0 : i32
      %cond3A_541 = arith.cmpi ne, %convert_element_type3A_539, %cond3A_540 : i32
      scf.if %cond3A_541 {
        %dma_wait3A_634 = arith.constant 5 : i32
        %dma_wait3A_635 = arith.constant 0 : i32
        %dma_wait3A_636 = arith.constant 0 : i32
        %dma_wait3A_637 = tpu.memref_slice %arg8[%dma_wait3A_634, %dma_wait3A_635, %dma_wait3A_636] : memref<8x100x64xf32, #tpu.memory_space<vmem>> -> memref<1x100x64xf32, #tpu.memory_space<vmem>>
        %dma_wait3A_638 = tpu.memref_squeeze %dma_wait3A_637 : memref<1x100x64xf32, #tpu.memory_space<vmem>> -> memref<100x64xf32, #tpu.memory_space<vmem>>
        %dma_wait3A_639 = arith.constant 0 : i32
        %dma_wait3A_640 = arith.constant 0 : i32
        %dma_wait3A_641 = tpu.memref_slice %arg5[%add3A_519, %dma_wait3A_639, %dma_wait3A_640] : memref<2048x100x64xf32, #tpu.memory_space<hbm>> -> memref<1x100x64xf32, #tpu.memory_space<hbm>>
        %dma_wait3A_642 = tpu.memref_squeeze %dma_wait3A_641 : memref<1x100x64xf32, #tpu.memory_space<hbm>> -> memref<100x64xf32, #tpu.memory_space<hbm>>
        %dma_wait3A_643 = arith.constant 0 : i32
        %dma_wait3A_644 = arith.constant 0 : i32
        %dma_wait3A_645 = tpu.memref_slice %arg5[%add3A_519, %dma_wait3A_643, %dma_wait3A_644] : memref<2048x100x64xf32, #tpu.memory_space<hbm>> -> memref<1x100x64xf32, #tpu.memory_space<hbm>>
        %dma_wait3A_646 = tpu.memref_squeeze %dma_wait3A_645 : memref<1x100x64xf32, #tpu.memory_space<hbm>> -> memref<100x64xf32, #tpu.memory_space<hbm>>
        %dma_wait3A_647 = arith.constant 0 : i32
        %dma_wait3A_648 = arith.constant 0 : i32
        %dma_wait3A_649 = tpu.memref_slice %arg8[%dma_wait3A_634, %dma_wait3A_647, %dma_wait3A_648] : memref<8x100x64xf32, #tpu.memory_space<vmem>> -> memref<1x100x64xf32, #tpu.memory_space<vmem>>
        %dma_wait3A_650 = tpu.memref_squeeze %dma_wait3A_649 : memref<1x100x64xf32, #tpu.memory_space<vmem>> -> memref<100x64xf32, #tpu.memory_space<vmem>>
        tpu.wait_dma2 semaphore(%arg22 : memref<!tpu.dma_semaphore, #tpu.memory_space<semaphore_mem>>) src(%dma_wait3A_650 : memref<100x64xf32, #tpu.memory_space<vmem>>) dst(%dma_wait3A_646 : memref<100x64xf32, #tpu.memory_space<hbm>>)
        %add3A_651 = arith.constant 8 : i32
        %add3A_652 = arith.addi %add3A_499, %add3A_651 : i32
        %dma_start3A_653 = arith.constant 5 : i32
        %dma_start3A_654 = arith.constant 0 : i32
        %dma_start3A_655 = arith.constant 0 : i32
        %dma_start3A_656 = tpu.memref_slice %arg8[%dma_start3A_653, %dma_start3A_654, %dma_start3A_655] : memref<8x100x64xf32, #tpu.memory_space<vmem>> -> memref<1x100x64xf32, #tpu.memory_space<vmem>>
        %dma_start3A_657 = tpu.memref_squeeze %dma_start3A_656 : memref<1x100x64xf32, #tpu.memory_space<vmem>> -> memref<100x64xf32, #tpu.memory_space<vmem>>
        %dma_start3A_658 = arith.constant 0 : i32
        %dma_start3A_659 = tpu.memref_slice %arg6[%add3A_652, %dma_start3A_658] : memref<64x100xi32, #tpu.memory_space<vmem>> -> memref<1x100xi32, #tpu.memory_space<vmem>>
        %dma_start3A_660 = tpu.memref_squeeze %dma_start3A_659 : memref<1x100xi32, #tpu.memory_space<vmem>> -> memref<100xi32, #tpu.memory_space<vmem>>
        %dma_start3A_661 = arith.constant 0 : i32
        %dma_start3A_662 = arith.constant 0 : i32
        %dma_start3A_663 = tpu.memref_slice %arg3[%dma_start3A_661, %dma_start3A_662] : memref<2000000x64xf32, #tpu.memory_space<hbm>> -> memref<2000000x64xf32, #tpu.memory_space<hbm>>
        tpu.enqueue_indirect_dma source(%dma_start3A_663 : memref<2000000x64xf32, #tpu.memory_space<hbm>>) target(%dma_start3A_657 : memref<100x64xf32, #tpu.memory_space<vmem>>) offsets(%dma_start3A_660 : memref<100xi32, #tpu.memory_space<vmem>>) semaphore(%arg14 : memref<!tpu.dma_semaphore, #tpu.memory_space<semaphore_mem>>)
      } else {
      }
      %mul3A_542 = arith.constant 8 : i32
      %mul3A_543 = arith.muli %scan3A_268, %mul3A_542 : i32
      %add3A_544 = arith.constant 6 : i32
      %add3A_545 = arith.addi %mul3A_543, %add3A_544 : i32
      %dma_wait3A_546 = arith.constant 6 : i32
      %dma_wait3A_547 = arith.constant 0 : i32
      %dma_wait3A_548 = arith.constant 0 : i32
      %dma_wait3A_549 = tpu.memref_slice %arg8[%dma_wait3A_546, %dma_wait3A_547, %dma_wait3A_548] : memref<8x100x64xf32, #tpu.memory_space<vmem>> -> memref<1x100x64xf32, #tpu.memory_space<vmem>>
      %dma_wait3A_550 = tpu.memref_squeeze %dma_wait3A_549 : memref<1x100x64xf32, #tpu.memory_space<vmem>> -> memref<100x64xf32, #tpu.memory_space<vmem>>
      %dma_wait3A_551 = arith.constant 0 : i32
      %dma_wait3A_552 = tpu.memref_slice %arg6[%add3A_545, %dma_wait3A_551] : memref<64x100xi32, #tpu.memory_space<vmem>> -> memref<1x100xi32, #tpu.memory_space<vmem>>
      %dma_wait3A_553 = tpu.memref_squeeze %dma_wait3A_552 : memref<1x100xi32, #tpu.memory_space<vmem>> -> memref<100xi32, #tpu.memory_space<vmem>>
      %dma_wait3A_554 = arith.constant 0 : i32
      %dma_wait3A_555 = arith.constant 0 : i32
      %dma_wait3A_556 = tpu.memref_slice %arg3[%dma_wait3A_554, %dma_wait3A_555] : memref<2000000x64xf32, #tpu.memory_space<hbm>> -> memref<2000000x64xf32, #tpu.memory_space<hbm>>
      tpu.wait_indirect_dma semaphore(%arg15 : memref<!tpu.dma_semaphore, #tpu.memory_space<semaphore_mem>>) src(%dma_wait3A_556 : memref<2000000x64xf32, #tpu.memory_space<hbm>>) dst(%dma_wait3A_550 : memref<100x64xf32, #tpu.memory_space<vmem>>)
      %scan3A_557 = arith.constant 0 : i32
      %scan3A_558 = arith.constant 0 : i32
      %scan3A_559 = arith.constant 100 : i32
      %scan3A_560 = arith.addi %scan3A_558, %scan3A_559 : i32
      %scan3A_561 = arith.constant 1 : i32
      scf.for %scan3A_634 = %scan3A_558 to %scan3A_560 step %scan3A_561  : i32 {
        %get3A = arith.constant 6 : i32
        %get3A_635 = arith.index_cast %get3A : i32 to index
        %get3A_636 = arith.index_cast %scan3A_634 : i32 to index
        %get3A_637 = arith.constant 0 : index
        %get3A_638 = tpu.vector_load %arg8[%get3A_635, %get3A_636, %get3A_637] {strides = array<i32>} : memref<8x100x64xf32, #tpu.memory_space<vmem>>, vector<1x1x16xf32>,
        %get3A_639 = vector.shape_cast %get3A_638 : vector<1x1x16xf32> to vector<16xf32>
        %mul3A_640 = arith.constant 8.000000e+00 : f32
        %mul3A_641 = vector.broadcast %mul3A_640 : f32 to vector<16xf32>
        %mul3A_642 = arith.mulf %get3A_639, %mul3A_641 : vector<16xf32>
        %get3A_643 = arith.index_cast %scan3A_634 : i32 to index
        %get3A_644 = arith.constant 0 : index
        %get3A_645 = tpu.vector_load %arg7[%get3A_643, %get3A_644] {strides = array<i32>} : memref<100x64xf32, #tpu.memory_space<vmem>>, vector<1x16xf32>,
        %get3A_646 = vector.shape_cast %get3A_645 : vector<1x16xf32> to vector<16xf32>
        %add3A_647 = arith.addf %mul3A_642, %get3A_646 : vector<16xf32>
        %swap3A = arith.constant 6 : i32
        %swap3A_648 = arith.index_cast %swap3A : i32 to index
        %swap3A_649 = arith.index_cast %scan3A_634 : i32 to index
        %swap3A_650 = arith.constant 0 : index
        %swap3A_651 = tpu.vector_load %arg8[%swap3A_648, %swap3A_649, %swap3A_650] {strides = array<i32>} : memref<8x100x64xf32, #tpu.memory_space<vmem>>, vector<1x1x16xf32>,
        %swap3A_652 = vector.shape_cast %swap3A_651 : vector<1x1x16xf32> to vector<16xf32>
        %swap3A_653 = vector.shape_cast %add3A_647 : vector<16xf32> to vector<1x1x16xf32>
        tpu.vector_store %arg8[%swap3A_648, %swap3A_649, %swap3A_650], %swap3A_653 {strides = array<i32>} : memref<8x100x64xf32, #tpu.memory_space<vmem>>, vector<1x1x16xf32>,
        %get3A_654 = arith.constant 6 : i32
        %get3A_655 = arith.index_cast %get3A_654 : i32 to index
        %get3A_656 = arith.index_cast %scan3A_634 : i32 to index
        %get3A_657 = arith.constant 16 : index
        %get3A_658 = tpu.vector_load %arg8[%get3A_655, %get3A_656, %get3A_657] {strides = array<i32>} : memref<8x100x64xf32, #tpu.memory_space<vmem>>, vector<1x1x16xf32>,
        %get3A_659 = vector.shape_cast %get3A_658 : vector<1x1x16xf32> to vector<16xf32>
        %mul3A_660 = arith.constant 8.000000e+00 : f32
        %mul3A_661 = vector.broadcast %mul3A_660 : f32 to vector<16xf32>
        %mul3A_662 = arith.mulf %get3A_659, %mul3A_661 : vector<16xf32>
        %get3A_663 = arith.index_cast %scan3A_634 : i32 to index
        %get3A_664 = arith.constant 16 : index
        %get3A_665 = tpu.vector_load %arg7[%get3A_663, %get3A_664] {strides = array<i32>} : memref<100x64xf32, #tpu.memory_space<vmem>>, vector<1x16xf32>,
        %get3A_666 = vector.shape_cast %get3A_665 : vector<1x16xf32> to vector<16xf32>
        %add3A_667 = arith.addf %mul3A_662, %get3A_666 : vector<16xf32>
        %swap3A_668 = arith.constant 6 : i32
        %swap3A_669 = arith.index_cast %swap3A_668 : i32 to index
        %swap3A_670 = arith.index_cast %scan3A_634 : i32 to index
        %swap3A_671 = arith.constant 16 : index
        %swap3A_672 = tpu.vector_load %arg8[%swap3A_669, %swap3A_670, %swap3A_671] {strides = array<i32>} : memref<8x100x64xf32, #tpu.memory_space<vmem>>, vector<1x1x16xf32>,
        %swap3A_673 = vector.shape_cast %swap3A_672 : vector<1x1x16xf32> to vector<16xf32>
        %swap3A_674 = vector.shape_cast %add3A_667 : vector<16xf32> to vector<1x1x16xf32>
        tpu.vector_store %arg8[%swap3A_669, %swap3A_670, %swap3A_671], %swap3A_674 {strides = array<i32>} : memref<8x100x64xf32, #tpu.memory_space<vmem>>, vector<1x1x16xf32>,
        %get3A_675 = arith.constant 6 : i32
        %get3A_676 = arith.index_cast %get3A_675 : i32 to index
        %get3A_677 = arith.index_cast %scan3A_634 : i32 to index
        %get3A_678 = arith.constant 32 : index
        %get3A_679 = tpu.vector_load %arg8[%get3A_676, %get3A_677, %get3A_678] {strides = array<i32>} : memref<8x100x64xf32, #tpu.memory_space<vmem>>, vector<1x1x16xf32>,
        %get3A_680 = vector.shape_cast %get3A_679 : vector<1x1x16xf32> to vector<16xf32>
        %mul3A_681 = arith.constant 8.000000e+00 : f32
        %mul3A_682 = vector.broadcast %mul3A_681 : f32 to vector<16xf32>
        %mul3A_683 = arith.mulf %get3A_680, %mul3A_682 : vector<16xf32>
        %get3A_684 = arith.index_cast %scan3A_634 : i32 to index
        %get3A_685 = arith.constant 32 : index
        %get3A_686 = tpu.vector_load %arg7[%get3A_684, %get3A_685] {strides = array<i32>} : memref<100x64xf32, #tpu.memory_space<vmem>>, vector<1x16xf32>,
        %get3A_687 = vector.shape_cast %get3A_686 : vector<1x16xf32> to vector<16xf32>
        %add3A_688 = arith.addf %mul3A_683, %get3A_687 : vector<16xf32>
        %swap3A_689 = arith.constant 6 : i32
        %swap3A_690 = arith.index_cast %swap3A_689 : i32 to index
        %swap3A_691 = arith.index_cast %scan3A_634 : i32 to index
        %swap3A_692 = arith.constant 32 : index
        %swap3A_693 = tpu.vector_load %arg8[%swap3A_690, %swap3A_691, %swap3A_692] {strides = array<i32>} : memref<8x100x64xf32, #tpu.memory_space<vmem>>, vector<1x1x16xf32>,
        %swap3A_694 = vector.shape_cast %swap3A_693 : vector<1x1x16xf32> to vector<16xf32>
        %swap3A_695 = vector.shape_cast %add3A_688 : vector<16xf32> to vector<1x1x16xf32>
        tpu.vector_store %arg8[%swap3A_690, %swap3A_691, %swap3A_692], %swap3A_695 {strides = array<i32>} : memref<8x100x64xf32, #tpu.memory_space<vmem>>, vector<1x1x16xf32>,
        %get3A_696 = arith.constant 6 : i32
        %get3A_697 = arith.index_cast %get3A_696 : i32 to index
        %get3A_698 = arith.index_cast %scan3A_634 : i32 to index
        %get3A_699 = arith.constant 48 : index
        %get3A_700 = tpu.vector_load %arg8[%get3A_697, %get3A_698, %get3A_699] {strides = array<i32>} : memref<8x100x64xf32, #tpu.memory_space<vmem>>, vector<1x1x16xf32>,
        %get3A_701 = vector.shape_cast %get3A_700 : vector<1x1x16xf32> to vector<16xf32>
        %mul3A_702 = arith.constant 8.000000e+00 : f32
        %mul3A_703 = vector.broadcast %mul3A_702 : f32 to vector<16xf32>
        %mul3A_704 = arith.mulf %get3A_701, %mul3A_703 : vector<16xf32>
        %get3A_705 = arith.index_cast %scan3A_634 : i32 to index
        %get3A_706 = arith.constant 48 : index
        %get3A_707 = tpu.vector_load %arg7[%get3A_705, %get3A_706] {strides = array<i32>} : memref<100x64xf32, #tpu.memory_space<vmem>>, vector<1x16xf32>,
        %get3A_708 = vector.shape_cast %get3A_707 : vector<1x16xf32> to vector<16xf32>
        %add3A_709 = arith.addf %mul3A_704, %get3A_708 : vector<16xf32>
        %swap3A_710 = arith.constant 6 : i32
        %swap3A_711 = arith.index_cast %swap3A_710 : i32 to index
        %swap3A_712 = arith.index_cast %scan3A_634 : i32 to index
        %swap3A_713 = arith.constant 48 : index
        %swap3A_714 = tpu.vector_load %arg8[%swap3A_711, %swap3A_712, %swap3A_713] {strides = array<i32>} : memref<8x100x64xf32, #tpu.memory_space<vmem>>, vector<1x1x16xf32>,
        %swap3A_715 = vector.shape_cast %swap3A_714 : vector<1x1x16xf32> to vector<16xf32>
        %swap3A_716 = vector.shape_cast %add3A_709 : vector<16xf32> to vector<1x1x16xf32>
        tpu.vector_store %arg8[%swap3A_711, %swap3A_712, %swap3A_713], %swap3A_716 {strides = array<i32>} : memref<8x100x64xf32, #tpu.memory_space<vmem>>, vector<1x1x16xf32>,
      }
      %scan3A_562 = arith.constant 100 : i32
      %mul3A_563 = arith.constant 64 : i32
      %mul3A_564 = arith.muli %add3A, %mul3A_563 : i32
      %add3A_565 = arith.addi %mul3A_564, %add3A_545 : i32
      %dma_start3A_566 = arith.constant 6 : i32
      %dma_start3A_567 = arith.constant 0 : i32
      %dma_start3A_568 = arith.constant 0 : i32
      %dma_start3A_569 = tpu.memref_slice %arg8[%dma_start3A_566, %dma_start3A_567, %dma_start3A_568] : memref<8x100x64xf32, #tpu.memory_space<vmem>> -> memref<1x100x64xf32, #tpu.memory_space<vmem>>
      %dma_start3A_570 = tpu.memref_squeeze %dma_start3A_569 : memref<1x100x64xf32, #tpu.memory_space<vmem>> -> memref<100x64xf32, #tpu.memory_space<vmem>>
      %dma_start3A_571 = arith.constant 0 : i32
      %dma_start3A_572 = arith.constant 0 : i32
      %dma_start3A_573 = tpu.memref_slice %arg5[%add3A_565, %dma_start3A_571, %dma_start3A_572] : memref<2048x100x64xf32, #tpu.memory_space<hbm>> -> memref<1x100x64xf32, #tpu.memory_space<hbm>>
      %dma_start3A_574 = tpu.memref_squeeze %dma_start3A_573 : memref<1x100x64xf32, #tpu.memory_space<hbm>> -> memref<100x64xf32, #tpu.memory_space<hbm>>
      %dma_start3A_575 = arith.constant 0 : i32
      %dma_start3A_576 = arith.constant 0 : i32
      %dma_start3A_577 = tpu.memref_slice %arg5[%add3A_565, %dma_start3A_575, %dma_start3A_576] : memref<2048x100x64xf32, #tpu.memory_space<hbm>> -> memref<1x100x64xf32, #tpu.memory_space<hbm>>
      %dma_start3A_578 = tpu.memref_squeeze %dma_start3A_577 : memref<1x100x64xf32, #tpu.memory_space<hbm>> -> memref<100x64xf32, #tpu.memory_space<hbm>>
      %dma_start3A_579 = arith.constant 0 : i32
      %dma_start3A_580 = arith.constant 0 : i32
      %dma_start3A_581 = tpu.memref_slice %arg8[%dma_start3A_566, %dma_start3A_579, %dma_start3A_580] : memref<8x100x64xf32, #tpu.memory_space<vmem>> -> memref<1x100x64xf32, #tpu.memory_space<vmem>>
      %dma_start3A_582 = tpu.memref_squeeze %dma_start3A_581 : memref<1x100x64xf32, #tpu.memory_space<vmem>> -> memref<100x64xf32, #tpu.memory_space<vmem>>
      tpu.enqueue_dma source(%dma_start3A_582 : memref<100x64xf32, #tpu.memory_space<vmem>>) target(%dma_start3A_578 : memref<100x64xf32, #tpu.memory_space<hbm>>) target_semaphore(%arg23 : memref<!tpu.dma_semaphore, #tpu.memory_space<semaphore_mem>>)
      %lt3A_583 = arith.constant 7 : i32
      %lt3A_584 = arith.cmpi slt, %scan3A_268, %lt3A_583 : i32
      %convert_element_type3A_585 = arith.extui %lt3A_584 : i1 to i32
      %cond3A_586 = arith.constant 0 : i32
      %cond3A_587 = arith.cmpi ne, %convert_element_type3A_585, %cond3A_586 : i32
      scf.if %cond3A_587 {
        %dma_wait3A_634 = arith.constant 6 : i32
        %dma_wait3A_635 = arith.constant 0 : i32
        %dma_wait3A_636 = arith.constant 0 : i32
        %dma_wait3A_637 = tpu.memref_slice %arg8[%dma_wait3A_634, %dma_wait3A_635, %dma_wait3A_636] : memref<8x100x64xf32, #tpu.memory_space<vmem>> -> memref<1x100x64xf32, #tpu.memory_space<vmem>>
        %dma_wait3A_638 = tpu.memref_squeeze %dma_wait3A_637 : memref<1x100x64xf32, #tpu.memory_space<vmem>> -> memref<100x64xf32, #tpu.memory_space<vmem>>
        %dma_wait3A_639 = arith.constant 0 : i32
        %dma_wait3A_640 = arith.constant 0 : i32
        %dma_wait3A_641 = tpu.memref_slice %arg5[%add3A_565, %dma_wait3A_639, %dma_wait3A_640] : memref<2048x100x64xf32, #tpu.memory_space<hbm>> -> memref<1x100x64xf32, #tpu.memory_space<hbm>>
        %dma_wait3A_642 = tpu.memref_squeeze %dma_wait3A_641 : memref<1x100x64xf32, #tpu.memory_space<hbm>> -> memref<100x64xf32, #tpu.memory_space<hbm>>
        %dma_wait3A_643 = arith.constant 0 : i32
        %dma_wait3A_644 = arith.constant 0 : i32
        %dma_wait3A_645 = tpu.memref_slice %arg5[%add3A_565, %dma_wait3A_643, %dma_wait3A_644] : memref<2048x100x64xf32, #tpu.memory_space<hbm>> -> memref<1x100x64xf32, #tpu.memory_space<hbm>>
        %dma_wait3A_646 = tpu.memref_squeeze %dma_wait3A_645 : memref<1x100x64xf32, #tpu.memory_space<hbm>> -> memref<100x64xf32, #tpu.memory_space<hbm>>
        %dma_wait3A_647 = arith.constant 0 : i32
        %dma_wait3A_648 = arith.constant 0 : i32
        %dma_wait3A_649 = tpu.memref_slice %arg8[%dma_wait3A_634, %dma_wait3A_647, %dma_wait3A_648] : memref<8x100x64xf32, #tpu.memory_space<vmem>> -> memref<1x100x64xf32, #tpu.memory_space<vmem>>
        %dma_wait3A_650 = tpu.memref_squeeze %dma_wait3A_649 : memref<1x100x64xf32, #tpu.memory_space<vmem>> -> memref<100x64xf32, #tpu.memory_space<vmem>>
        tpu.wait_dma2 semaphore(%arg23 : memref<!tpu.dma_semaphore, #tpu.memory_space<semaphore_mem>>) src(%dma_wait3A_650 : memref<100x64xf32, #tpu.memory_space<vmem>>) dst(%dma_wait3A_646 : memref<100x64xf32, #tpu.memory_space<hbm>>)
        %add3A_651 = arith.constant 8 : i32
        %add3A_652 = arith.addi %add3A_545, %add3A_651 : i32
        %dma_start3A_653 = arith.constant 6 : i32
        %dma_start3A_654 = arith.constant 0 : i32
        %dma_start3A_655 = arith.constant 0 : i32
        %dma_start3A_656 = tpu.memref_slice %arg8[%dma_start3A_653, %dma_start3A_654, %dma_start3A_655] : memref<8x100x64xf32, #tpu.memory_space<vmem>> -> memref<1x100x64xf32, #tpu.memory_space<vmem>>
        %dma_start3A_657 = tpu.memref_squeeze %dma_start3A_656 : memref<1x100x64xf32, #tpu.memory_space<vmem>> -> memref<100x64xf32, #tpu.memory_space<vmem>>
        %dma_start3A_658 = arith.constant 0 : i32
        %dma_start3A_659 = tpu.memref_slice %arg6[%add3A_652, %dma_start3A_658] : memref<64x100xi32, #tpu.memory_space<vmem>> -> memref<1x100xi32, #tpu.memory_space<vmem>>
        %dma_start3A_660 = tpu.memref_squeeze %dma_start3A_659 : memref<1x100xi32, #tpu.memory_space<vmem>> -> memref<100xi32, #tpu.memory_space<vmem>>
        %dma_start3A_661 = arith.constant 0 : i32
        %dma_start3A_662 = arith.constant 0 : i32
        %dma_start3A_663 = tpu.memref_slice %arg3[%dma_start3A_661, %dma_start3A_662] : memref<2000000x64xf32, #tpu.memory_space<hbm>> -> memref<2000000x64xf32, #tpu.memory_space<hbm>>
        tpu.enqueue_indirect_dma source(%dma_start3A_663 : memref<2000000x64xf32, #tpu.memory_space<hbm>>) target(%dma_start3A_657 : memref<100x64xf32, #tpu.memory_space<vmem>>) offsets(%dma_start3A_660 : memref<100xi32, #tpu.memory_space<vmem>>) semaphore(%arg15 : memref<!tpu.dma_semaphore, #tpu.memory_space<semaphore_mem>>)
      } else {
      }
      %mul3A_588 = arith.constant 8 : i32
      %mul3A_589 = arith.muli %scan3A_268, %mul3A_588 : i32
      %add3A_590 = arith.constant 7 : i32
      %add3A_591 = arith.addi %mul3A_589, %add3A_590 : i32
      %dma_wait3A_592 = arith.constant 7 : i32
      %dma_wait3A_593 = arith.constant 0 : i32
      %dma_wait3A_594 = arith.constant 0 : i32
      %dma_wait3A_595 = tpu.memref_slice %arg8[%dma_wait3A_592, %dma_wait3A_593, %dma_wait3A_594] : memref<8x100x64xf32, #tpu.memory_space<vmem>> -> memref<1x100x64xf32, #tpu.memory_space<vmem>>
      %dma_wait3A_596 = tpu.memref_squeeze %dma_wait3A_595 : memref<1x100x64xf32, #tpu.memory_space<vmem>> -> memref<100x64xf32, #tpu.memory_space<vmem>>
      %dma_wait3A_597 = arith.constant 0 : i32
      %dma_wait3A_598 = tpu.memref_slice %arg6[%add3A_591, %dma_wait3A_597] : memref<64x100xi32, #tpu.memory_space<vmem>> -> memref<1x100xi32, #tpu.memory_space<vmem>>
      %dma_wait3A_599 = tpu.memref_squeeze %dma_wait3A_598 : memref<1x100xi32, #tpu.memory_space<vmem>> -> memref<100xi32, #tpu.memory_space<vmem>>
      %dma_wait3A_600 = arith.constant 0 : i32
      %dma_wait3A_601 = arith.constant 0 : i32
      %dma_wait3A_602 = tpu.memref_slice %arg3[%dma_wait3A_600, %dma_wait3A_601] : memref<2000000x64xf32, #tpu.memory_space<hbm>> -> memref<2000000x64xf32, #tpu.memory_space<hbm>>
      tpu.wait_indirect_dma semaphore(%arg16 : memref<!tpu.dma_semaphore, #tpu.memory_space<semaphore_mem>>) src(%dma_wait3A_602 : memref<2000000x64xf32, #tpu.memory_space<hbm>>) dst(%dma_wait3A_596 : memref<100x64xf32, #tpu.memory_space<vmem>>)
      %scan3A_603 = arith.constant 0 : i32
      %scan3A_604 = arith.constant 0 : i32
      %scan3A_605 = arith.constant 100 : i32
      %scan3A_606 = arith.addi %scan3A_604, %scan3A_605 : i32
      %scan3A_607 = arith.constant 1 : i32
      scf.for %scan3A_634 = %scan3A_604 to %scan3A_606 step %scan3A_607  : i32 {
        %get3A = arith.constant 7 : i32
        %get3A_635 = arith.index_cast %get3A : i32 to index
        %get3A_636 = arith.index_cast %scan3A_634 : i32 to index
        %get3A_637 = arith.constant 0 : index
        %get3A_638 = tpu.vector_load %arg8[%get3A_635, %get3A_636, %get3A_637] {strides = array<i32>} : memref<8x100x64xf32, #tpu.memory_space<vmem>>, vector<1x1x16xf32>,
        %get3A_639 = vector.shape_cast %get3A_638 : vector<1x1x16xf32> to vector<16xf32>
        %mul3A_640 = arith.constant 8.000000e+00 : f32
        %mul3A_641 = vector.broadcast %mul3A_640 : f32 to vector<16xf32>
        %mul3A_642 = arith.mulf %get3A_639, %mul3A_641 : vector<16xf32>
        %get3A_643 = arith.index_cast %scan3A_634 : i32 to index
        %get3A_644 = arith.constant 0 : index
        %get3A_645 = tpu.vector_load %arg7[%get3A_643, %get3A_644] {strides = array<i32>} : memref<100x64xf32, #tpu.memory_space<vmem>>, vector<1x16xf32>,
        %get3A_646 = vector.shape_cast %get3A_645 : vector<1x16xf32> to vector<16xf32>
        %add3A_647 = arith.addf %mul3A_642, %get3A_646 : vector<16xf32>
        %swap3A = arith.constant 7 : i32
        %swap3A_648 = arith.index_cast %swap3A : i32 to index
        %swap3A_649 = arith.index_cast %scan3A_634 : i32 to index
        %swap3A_650 = arith.constant 0 : index
        %swap3A_651 = tpu.vector_load %arg8[%swap3A_648, %swap3A_649, %swap3A_650] {strides = array<i32>} : memref<8x100x64xf32, #tpu.memory_space<vmem>>, vector<1x1x16xf32>,
        %swap3A_652 = vector.shape_cast %swap3A_651 : vector<1x1x16xf32> to vector<16xf32>
        %swap3A_653 = vector.shape_cast %add3A_647 : vector<16xf32> to vector<1x1x16xf32>
        tpu.vector_store %arg8[%swap3A_648, %swap3A_649, %swap3A_650], %swap3A_653 {strides = array<i32>} : memref<8x100x64xf32, #tpu.memory_space<vmem>>, vector<1x1x16xf32>,
        %get3A_654 = arith.constant 7 : i32
        %get3A_655 = arith.index_cast %get3A_654 : i32 to index
        %get3A_656 = arith.index_cast %scan3A_634 : i32 to index
        %get3A_657 = arith.constant 16 : index
        %get3A_658 = tpu.vector_load %arg8[%get3A_655, %get3A_656, %get3A_657] {strides = array<i32>} : memref<8x100x64xf32, #tpu.memory_space<vmem>>, vector<1x1x16xf32>,
        %get3A_659 = vector.shape_cast %get3A_658 : vector<1x1x16xf32> to vector<16xf32>
        %mul3A_660 = arith.constant 8.000000e+00 : f32
        %mul3A_661 = vector.broadcast %mul3A_660 : f32 to vector<16xf32>
        %mul3A_662 = arith.mulf %get3A_659, %mul3A_661 : vector<16xf32>
        %get3A_663 = arith.index_cast %scan3A_634 : i32 to index
        %get3A_664 = arith.constant 16 : index
        %get3A_665 = tpu.vector_load %arg7[%get3A_663, %get3A_664] {strides = array<i32>} : memref<100x64xf32, #tpu.memory_space<vmem>>, vector<1x16xf32>,
        %get3A_666 = vector.shape_cast %get3A_665 : vector<1x16xf32> to vector<16xf32>
        %add3A_667 = arith.addf %mul3A_662, %get3A_666 : vector<16xf32>
        %swap3A_668 = arith.constant 7 : i32
        %swap3A_669 = arith.index_cast %swap3A_668 : i32 to index
        %swap3A_670 = arith.index_cast %scan3A_634 : i32 to index
        %swap3A_671 = arith.constant 16 : index
        %swap3A_672 = tpu.vector_load %arg8[%swap3A_669, %swap3A_670, %swap3A_671] {strides = array<i32>} : memref<8x100x64xf32, #tpu.memory_space<vmem>>, vector<1x1x16xf32>,
        %swap3A_673 = vector.shape_cast %swap3A_672 : vector<1x1x16xf32> to vector<16xf32>
        %swap3A_674 = vector.shape_cast %add3A_667 : vector<16xf32> to vector<1x1x16xf32>
        tpu.vector_store %arg8[%swap3A_669, %swap3A_670, %swap3A_671], %swap3A_674 {strides = array<i32>} : memref<8x100x64xf32, #tpu.memory_space<vmem>>, vector<1x1x16xf32>,
        %get3A_675 = arith.constant 7 : i32
        %get3A_676 = arith.index_cast %get3A_675 : i32 to index
        %get3A_677 = arith.index_cast %scan3A_634 : i32 to index
        %get3A_678 = arith.constant 32 : index
        %get3A_679 = tpu.vector_load %arg8[%get3A_676, %get3A_677, %get3A_678] {strides = array<i32>} : memref<8x100x64xf32, #tpu.memory_space<vmem>>, vector<1x1x16xf32>,
        %get3A_680 = vector.shape_cast %get3A_679 : vector<1x1x16xf32> to vector<16xf32>
        %mul3A_681 = arith.constant 8.000000e+00 : f32
        %mul3A_682 = vector.broadcast %mul3A_681 : f32 to vector<16xf32>
        %mul3A_683 = arith.mulf %get3A_680, %mul3A_682 : vector<16xf32>
        %get3A_684 = arith.index_cast %scan3A_634 : i32 to index
        %get3A_685 = arith.constant 32 : index
        %get3A_686 = tpu.vector_load %arg7[%get3A_684, %get3A_685] {strides = array<i32>} : memref<100x64xf32, #tpu.memory_space<vmem>>, vector<1x16xf32>,
        %get3A_687 = vector.shape_cast %get3A_686 : vector<1x16xf32> to vector<16xf32>
        %add3A_688 = arith.addf %mul3A_683, %get3A_687 : vector<16xf32>
        %swap3A_689 = arith.constant 7 : i32
        %swap3A_690 = arith.index_cast %swap3A_689 : i32 to index
        %swap3A_691 = arith.index_cast %scan3A_634 : i32 to index
        %swap3A_692 = arith.constant 32 : index
        %swap3A_693 = tpu.vector_load %arg8[%swap3A_690, %swap3A_691, %swap3A_692] {strides = array<i32>} : memref<8x100x64xf32, #tpu.memory_space<vmem>>, vector<1x1x16xf32>,
        %swap3A_694 = vector.shape_cast %swap3A_693 : vector<1x1x16xf32> to vector<16xf32>
        %swap3A_695 = vector.shape_cast %add3A_688 : vector<16xf32> to vector<1x1x16xf32>
        tpu.vector_store %arg8[%swap3A_690, %swap3A_691, %swap3A_692], %swap3A_695 {strides = array<i32>} : memref<8x100x64xf32, #tpu.memory_space<vmem>>, vector<1x1x16xf32>,
        %get3A_696 = arith.constant 7 : i32
        %get3A_697 = arith.index_cast %get3A_696 : i32 to index
        %get3A_698 = arith.index_cast %scan3A_634 : i32 to index
        %get3A_699 = arith.constant 48 : index
        %get3A_700 = tpu.vector_load %arg8[%get3A_697, %get3A_698, %get3A_699] {strides = array<i32>} : memref<8x100x64xf32, #tpu.memory_space<vmem>>, vector<1x1x16xf32>,
        %get3A_701 = vector.shape_cast %get3A_700 : vector<1x1x16xf32> to vector<16xf32>
        %mul3A_702 = arith.constant 8.000000e+00 : f32
        %mul3A_703 = vector.broadcast %mul3A_702 : f32 to vector<16xf32>
        %mul3A_704 = arith.mulf %get3A_701, %mul3A_703 : vector<16xf32>
        %get3A_705 = arith.index_cast %scan3A_634 : i32 to index
        %get3A_706 = arith.constant 48 : index
        %get3A_707 = tpu.vector_load %arg7[%get3A_705, %get3A_706] {strides = array<i32>} : memref<100x64xf32, #tpu.memory_space<vmem>>, vector<1x16xf32>,
        %get3A_708 = vector.shape_cast %get3A_707 : vector<1x16xf32> to vector<16xf32>
        %add3A_709 = arith.addf %mul3A_704, %get3A_708 : vector<16xf32>
        %swap3A_710 = arith.constant 7 : i32
        %swap3A_711 = arith.index_cast %swap3A_710 : i32 to index
        %swap3A_712 = arith.index_cast %scan3A_634 : i32 to index
        %swap3A_713 = arith.constant 48 : index
        %swap3A_714 = tpu.vector_load %arg8[%swap3A_711, %swap3A_712, %swap3A_713] {strides = array<i32>} : memref<8x100x64xf32, #tpu.memory_space<vmem>>, vector<1x1x16xf32>,
        %swap3A_715 = vector.shape_cast %swap3A_714 : vector<1x1x16xf32> to vector<16xf32>
        %swap3A_716 = vector.shape_cast %add3A_709 : vector<16xf32> to vector<1x1x16xf32>
        tpu.vector_store %arg8[%swap3A_711, %swap3A_712, %swap3A_713], %swap3A_716 {strides = array<i32>} : memref<8x100x64xf32, #tpu.memory_space<vmem>>, vector<1x1x16xf32>,
      }
      %scan3A_608 = arith.constant 100 : i32
      %mul3A_609 = arith.constant 64 : i32
      %mul3A_610 = arith.muli %add3A, %mul3A_609 : i32
      %add3A_611 = arith.addi %mul3A_610, %add3A_591 : i32
      %dma_start3A_612 = arith.constant 7 : i32
      %dma_start3A_613 = arith.constant 0 : i32
      %dma_start3A_614 = arith.constant 0 : i32
      %dma_start3A_615 = tpu.memref_slice %arg8[%dma_start3A_612, %dma_start3A_613, %dma_start3A_614] : memref<8x100x64xf32, #tpu.memory_space<vmem>> -> memref<1x100x64xf32, #tpu.memory_space<vmem>>
      %dma_start3A_616 = tpu.memref_squeeze %dma_start3A_615 : memref<1x100x64xf32, #tpu.memory_space<vmem>> -> memref<100x64xf32, #tpu.memory_space<vmem>>
      %dma_start3A_617 = arith.constant 0 : i32
      %dma_start3A_618 = arith.constant 0 : i32
      %dma_start3A_619 = tpu.memref_slice %arg5[%add3A_611, %dma_start3A_617, %dma_start3A_618] : memref<2048x100x64xf32, #tpu.memory_space<hbm>> -> memref<1x100x64xf32, #tpu.memory_space<hbm>>
      %dma_start3A_620 = tpu.memref_squeeze %dma_start3A_619 : memref<1x100x64xf32, #tpu.memory_space<hbm>> -> memref<100x64xf32, #tpu.memory_space<hbm>>
      %dma_start3A_621 = arith.constant 0 : i32
      %dma_start3A_622 = arith.constant 0 : i32
      %dma_start3A_623 = tpu.memref_slice %arg5[%add3A_611, %dma_start3A_621, %dma_start3A_622] : memref<2048x100x64xf32, #tpu.memory_space<hbm>> -> memref<1x100x64xf32, #tpu.memory_space<hbm>>
      %dma_start3A_624 = tpu.memref_squeeze %dma_start3A_623 : memref<1x100x64xf32, #tpu.memory_space<hbm>> -> memref<100x64xf32, #tpu.memory_space<hbm>>
      %dma_start3A_625 = arith.constant 0 : i32
      %dma_start3A_626 = arith.constant 0 : i32
      %dma_start3A_627 = tpu.memref_slice %arg8[%dma_start3A_612, %dma_start3A_625, %dma_start3A_626] : memref<8x100x64xf32, #tpu.memory_space<vmem>> -> memref<1x100x64xf32, #tpu.memory_space<vmem>>
      %dma_start3A_628 = tpu.memref_squeeze %dma_start3A_627 : memref<1x100x64xf32, #tpu.memory_space<vmem>> -> memref<100x64xf32, #tpu.memory_space<vmem>>
      tpu.enqueue_dma source(%dma_start3A_628 : memref<100x64xf32, #tpu.memory_space<vmem>>) target(%dma_start3A_624 : memref<100x64xf32, #tpu.memory_space<hbm>>) target_semaphore(%arg24 : memref<!tpu.dma_semaphore, #tpu.memory_space<semaphore_mem>>)
      %lt3A_629 = arith.constant 7 : i32
      %lt3A_630 = arith.cmpi slt, %scan3A_268, %lt3A_629 : i32
      %convert_element_type3A_631 = arith.extui %lt3A_630 : i1 to i32
      %cond3A_632 = arith.constant 0 : i32
      %cond3A_633 = arith.cmpi ne, %convert_element_type3A_631, %cond3A_632 : i32
      scf.if %cond3A_633 {
        %dma_wait3A_634 = arith.constant 7 : i32
        %dma_wait3A_635 = arith.constant 0 : i32
        %dma_wait3A_636 = arith.constant 0 : i32
        %dma_wait3A_637 = tpu.memref_slice %arg8[%dma_wait3A_634, %dma_wait3A_635, %dma_wait3A_636] : memref<8x100x64xf32, #tpu.memory_space<vmem>> -> memref<1x100x64xf32, #tpu.memory_space<vmem>>
        %dma_wait3A_638 = tpu.memref_squeeze %dma_wait3A_637 : memref<1x100x64xf32, #tpu.memory_space<vmem>> -> memref<100x64xf32, #tpu.memory_space<vmem>>
        %dma_wait3A_639 = arith.constant 0 : i32
        %dma_wait3A_640 = arith.constant 0 : i32
        %dma_wait3A_641 = tpu.memref_slice %arg5[%add3A_611, %dma_wait3A_639, %dma_wait3A_640] : memref<2048x100x64xf32, #tpu.memory_space<hbm>> -> memref<1x100x64xf32, #tpu.memory_space<hbm>>
        %dma_wait3A_642 = tpu.memref_squeeze %dma_wait3A_641 : memref<1x100x64xf32, #tpu.memory_space<hbm>> -> memref<100x64xf32, #tpu.memory_space<hbm>>
        %dma_wait3A_643 = arith.constant 0 : i32
        %dma_wait3A_644 = arith.constant 0 : i32
        %dma_wait3A_645 = tpu.memref_slice %arg5[%add3A_611, %dma_wait3A_643, %dma_wait3A_644] : memref<2048x100x64xf32, #tpu.memory_space<hbm>> -> memref<1x100x64xf32, #tpu.memory_space<hbm>>
        %dma_wait3A_646 = tpu.memref_squeeze %dma_wait3A_645 : memref<1x100x64xf32, #tpu.memory_space<hbm>> -> memref<100x64xf32, #tpu.memory_space<hbm>>
        %dma_wait3A_647 = arith.constant 0 : i32
        %dma_wait3A_648 = arith.constant 0 : i32
        %dma_wait3A_649 = tpu.memref_slice %arg8[%dma_wait3A_634, %dma_wait3A_647, %dma_wait3A_648] : memref<8x100x64xf32, #tpu.memory_space<vmem>> -> memref<1x100x64xf32, #tpu.memory_space<vmem>>
        %dma_wait3A_650 = tpu.memref_squeeze %dma_wait3A_649 : memref<1x100x64xf32, #tpu.memory_space<vmem>> -> memref<100x64xf32, #tpu.memory_space<vmem>>
        tpu.wait_dma2 semaphore(%arg24 : memref<!tpu.dma_semaphore, #tpu.memory_space<semaphore_mem>>) src(%dma_wait3A_650 : memref<100x64xf32, #tpu.memory_space<vmem>>) dst(%dma_wait3A_646 : memref<100x64xf32, #tpu.memory_space<hbm>>)
        %add3A_651 = arith.constant 8 : i32
        %add3A_652 = arith.addi %add3A_591, %add3A_651 : i32
        %dma_start3A_653 = arith.constant 7 : i32
        %dma_start3A_654 = arith.constant 0 : i32
        %dma_start3A_655 = arith.constant 0 : i32
        %dma_start3A_656 = tpu.memref_slice %arg8[%dma_start3A_653, %dma_start3A_654, %dma_start3A_655] : memref<8x100x64xf32, #tpu.memory_space<vmem>> -> memref<1x100x64xf32, #tpu.memory_space<vmem>>
        %dma_start3A_657 = tpu.memref_squeeze %dma_start3A_656 : memref<1x100x64xf32, #tpu.memory_space<vmem>> -> memref<100x64xf32, #tpu.memory_space<vmem>>
        %dma_start3A_658 = arith.constant 0 : i32
        %dma_start3A_659 = tpu.memref_slice %arg6[%add3A_652, %dma_start3A_658] : memref<64x100xi32, #tpu.memory_space<vmem>> -> memref<1x100xi32, #tpu.memory_space<vmem>>
        %dma_start3A_660 = tpu.memref_squeeze %dma_start3A_659 : memref<1x100xi32, #tpu.memory_space<vmem>> -> memref<100xi32, #tpu.memory_space<vmem>>
        %dma_start3A_661 = arith.constant 0 : i32
        %dma_start3A_662 = arith.constant 0 : i32
        %dma_start3A_663 = tpu.memref_slice %arg3[%dma_start3A_661, %dma_start3A_662] : memref<2000000x64xf32, #tpu.memory_space<hbm>> -> memref<2000000x64xf32, #tpu.memory_space<hbm>>
        tpu.enqueue_indirect_dma source(%dma_start3A_663 : memref<2000000x64xf32, #tpu.memory_space<hbm>>) target(%dma_start3A_657 : memref<100x64xf32, #tpu.memory_space<vmem>>) offsets(%dma_start3A_660 : memref<100xi32, #tpu.memory_space<vmem>>) semaphore(%arg16 : memref<!tpu.dma_semaphore, #tpu.memory_space<semaphore_mem>>)
      } else {
      }
    }
    %scan3A_100 = arith.constant 8 : i32
    %mul3A_101 = arith.constant 64 : i32
    %mul3A_102 = arith.muli %add3A, %mul3A_101 : i32
    %add3A_103 = arith.constant 56 : i32
    %add3A_104 = arith.addi %mul3A_102, %add3A_103 : i32
    %dma_wait3A = arith.constant 0 : i32
    %dma_wait3A_105 = arith.constant 0 : i32
    %dma_wait3A_106 = arith.constant 0 : i32
    %dma_wait3A_107 = tpu.memref_slice %arg8[%dma_wait3A, %dma_wait3A_105, %dma_wait3A_106] : memref<8x100x64xf32, #tpu.memory_space<vmem>> -> memref<1x100x64xf32, #tpu.memory_space<vmem>>
    %dma_wait3A_108 = tpu.memref_squeeze %dma_wait3A_107 : memref<1x100x64xf32, #tpu.memory_space<vmem>> -> memref<100x64xf32, #tpu.memory_space<vmem>>
    %dma_wait3A_109 = arith.constant 0 : i32
    %dma_wait3A_110 = arith.constant 0 : i32
    %dma_wait3A_111 = tpu.memref_slice %arg5[%add3A_104, %dma_wait3A_109, %dma_wait3A_110] : memref<2048x100x64xf32, #tpu.memory_space<hbm>> -> memref<1x100x64xf32, #tpu.memory_space<hbm>>
    %dma_wait3A_112 = tpu.memref_squeeze %dma_wait3A_111 : memref<1x100x64xf32, #tpu.memory_space<hbm>> -> memref<100x64xf32, #tpu.memory_space<hbm>>
    %dma_wait3A_113 = arith.constant 0 : i32
    %dma_wait3A_114 = arith.constant 0 : i32
    %dma_wait3A_115 = tpu.memref_slice %arg5[%add3A_104, %dma_wait3A_113, %dma_wait3A_114] : memref<2048x100x64xf32, #tpu.memory_space<hbm>> -> memref<1x100x64xf32, #tpu.memory_space<hbm>>
    %dma_wait3A_116 = tpu.memref_squeeze %dma_wait3A_115 : memref<1x100x64xf32, #tpu.memory_space<hbm>> -> memref<100x64xf32, #tpu.memory_space<hbm>>
    %dma_wait3A_117 = arith.constant 0 : i32
    %dma_wait3A_118 = arith.constant 0 : i32
    %dma_wait3A_119 = tpu.memref_slice %arg8[%dma_wait3A, %dma_wait3A_117, %dma_wait3A_118] : memref<8x100x64xf32, #tpu.memory_space<vmem>> -> memref<1x100x64xf32, #tpu.memory_space<vmem>>
    %dma_wait3A_120 = tpu.memref_squeeze %dma_wait3A_119 : memref<1x100x64xf32, #tpu.memory_space<vmem>> -> memref<100x64xf32, #tpu.memory_space<vmem>>
    tpu.wait_dma2 semaphore(%arg17 : memref<!tpu.dma_semaphore, #tpu.memory_space<semaphore_mem>>) src(%dma_wait3A_120 : memref<100x64xf32, #tpu.memory_space<vmem>>) dst(%dma_wait3A_116 : memref<100x64xf32, #tpu.memory_space<hbm>>)
    %mul3A_121 = arith.constant 64 : i32
    %mul3A_122 = arith.muli %add3A, %mul3A_121 : i32
    %add3A_123 = arith.constant 57 : i32
    %add3A_124 = arith.addi %mul3A_122, %add3A_123 : i32
    %dma_wait3A_125 = arith.constant 1 : i32
    %dma_wait3A_126 = arith.constant 0 : i32
    %dma_wait3A_127 = arith.constant 0 : i32
    %dma_wait3A_128 = tpu.memref_slice %arg8[%dma_wait3A_125, %dma_wait3A_126, %dma_wait3A_127] : memref<8x100x64xf32, #tpu.memory_space<vmem>> -> memref<1x100x64xf32, #tpu.memory_space<vmem>>
    %dma_wait3A_129 = tpu.memref_squeeze %dma_wait3A_128 : memref<1x100x64xf32, #tpu.memory_space<vmem>> -> memref<100x64xf32, #tpu.memory_space<vmem>>
    %dma_wait3A_130 = arith.constant 0 : i32
    %dma_wait3A_131 = arith.constant 0 : i32
    %dma_wait3A_132 = tpu.memref_slice %arg5[%add3A_124, %dma_wait3A_130, %dma_wait3A_131] : memref<2048x100x64xf32, #tpu.memory_space<hbm>> -> memref<1x100x64xf32, #tpu.memory_space<hbm>>
    %dma_wait3A_133 = tpu.memref_squeeze %dma_wait3A_132 : memref<1x100x64xf32, #tpu.memory_space<hbm>> -> memref<100x64xf32, #tpu.memory_space<hbm>>
    %dma_wait3A_134 = arith.constant 0 : i32
    %dma_wait3A_135 = arith.constant 0 : i32
    %dma_wait3A_136 = tpu.memref_slice %arg5[%add3A_124, %dma_wait3A_134, %dma_wait3A_135] : memref<2048x100x64xf32, #tpu.memory_space<hbm>> -> memref<1x100x64xf32, #tpu.memory_space<hbm>>
    %dma_wait3A_137 = tpu.memref_squeeze %dma_wait3A_136 : memref<1x100x64xf32, #tpu.memory_space<hbm>> -> memref<100x64xf32, #tpu.memory_space<hbm>>
    %dma_wait3A_138 = arith.constant 0 : i32
    %dma_wait3A_139 = arith.constant 0 : i32
    %dma_wait3A_140 = tpu.memref_slice %arg8[%dma_wait3A_125, %dma_wait3A_138, %dma_wait3A_139] : memref<8x100x64xf32, #tpu.memory_space<vmem>> -> memref<1x100x64xf32, #tpu.memory_space<vmem>>
    %dma_wait3A_141 = tpu.memref_squeeze %dma_wait3A_140 : memref<1x100x64xf32, #tpu.memory_space<vmem>> -> memref<100x64xf32, #tpu.memory_space<vmem>>
    tpu.wait_dma2 semaphore(%arg18 : memref<!tpu.dma_semaphore, #tpu.memory_space<semaphore_mem>>) src(%dma_wait3A_141 : memref<100x64xf32, #tpu.memory_space<vmem>>) dst(%dma_wait3A_137 : memref<100x64xf32, #tpu.memory_space<hbm>>)
    %mul3A_142 = arith.constant 64 : i32
    %mul3A_143 = arith.muli %add3A, %mul3A_142 : i32
    %add3A_144 = arith.constant 58 : i32
    %add3A_145 = arith.addi %mul3A_143, %add3A_144 : i32
    %dma_wait3A_146 = arith.constant 2 : i32
    %dma_wait3A_147 = arith.constant 0 : i32
    %dma_wait3A_148 = arith.constant 0 : i32
    %dma_wait3A_149 = tpu.memref_slice %arg8[%dma_wait3A_146, %dma_wait3A_147, %dma_wait3A_148] : memref<8x100x64xf32, #tpu.memory_space<vmem>> -> memref<1x100x64xf32, #tpu.memory_space<vmem>>
    %dma_wait3A_150 = tpu.memref_squeeze %dma_wait3A_149 : memref<1x100x64xf32, #tpu.memory_space<vmem>> -> memref<100x64xf32, #tpu.memory_space<vmem>>
    %dma_wait3A_151 = arith.constant 0 : i32
    %dma_wait3A_152 = arith.constant 0 : i32
    %dma_wait3A_153 = tpu.memref_slice %arg5[%add3A_145, %dma_wait3A_151, %dma_wait3A_152] : memref<2048x100x64xf32, #tpu.memory_space<hbm>> -> memref<1x100x64xf32, #tpu.memory_space<hbm>>
    %dma_wait3A_154 = tpu.memref_squeeze %dma_wait3A_153 : memref<1x100x64xf32, #tpu.memory_space<hbm>> -> memref<100x64xf32, #tpu.memory_space<hbm>>
    %dma_wait3A_155 = arith.constant 0 : i32
    %dma_wait3A_156 = arith.constant 0 : i32
    %dma_wait3A_157 = tpu.memref_slice %arg5[%add3A_145, %dma_wait3A_155, %dma_wait3A_156] : memref<2048x100x64xf32, #tpu.memory_space<hbm>> -> memref<1x100x64xf32, #tpu.memory_space<hbm>>
    %dma_wait3A_158 = tpu.memref_squeeze %dma_wait3A_157 : memref<1x100x64xf32, #tpu.memory_space<hbm>> -> memref<100x64xf32, #tpu.memory_space<hbm>>
    %dma_wait3A_159 = arith.constant 0 : i32
    %dma_wait3A_160 = arith.constant 0 : i32
    %dma_wait3A_161 = tpu.memref_slice %arg8[%dma_wait3A_146, %dma_wait3A_159, %dma_wait3A_160] : memref<8x100x64xf32, #tpu.memory_space<vmem>> -> memref<1x100x64xf32, #tpu.memory_space<vmem>>
    %dma_wait3A_162 = tpu.memref_squeeze %dma_wait3A_161 : memref<1x100x64xf32, #tpu.memory_space<vmem>> -> memref<100x64xf32, #tpu.memory_space<vmem>>
    tpu.wait_dma2 semaphore(%arg19 : memref<!tpu.dma_semaphore, #tpu.memory_space<semaphore_mem>>) src(%dma_wait3A_162 : memref<100x64xf32, #tpu.memory_space<vmem>>) dst(%dma_wait3A_158 : memref<100x64xf32, #tpu.memory_space<hbm>>)
    %mul3A_163 = arith.constant 64 : i32
    %mul3A_164 = arith.muli %add3A, %mul3A_163 : i32
    %add3A_165 = arith.constant 59 : i32
    %add3A_166 = arith.addi %mul3A_164, %add3A_165 : i32
    %dma_wait3A_167 = arith.constant 3 : i32
    %dma_wait3A_168 = arith.constant 0 : i32
    %dma_wait3A_169 = arith.constant 0 : i32
    %dma_wait3A_170 = tpu.memref_slice %arg8[%dma_wait3A_167, %dma_wait3A_168, %dma_wait3A_169] : memref<8x100x64xf32, #tpu.memory_space<vmem>> -> memref<1x100x64xf32, #tpu.memory_space<vmem>>
    %dma_wait3A_171 = tpu.memref_squeeze %dma_wait3A_170 : memref<1x100x64xf32, #tpu.memory_space<vmem>> -> memref<100x64xf32, #tpu.memory_space<vmem>>
    %dma_wait3A_172 = arith.constant 0 : i32
    %dma_wait3A_173 = arith.constant 0 : i32
    %dma_wait3A_174 = tpu.memref_slice %arg5[%add3A_166, %dma_wait3A_172, %dma_wait3A_173] : memref<2048x100x64xf32, #tpu.memory_space<hbm>> -> memref<1x100x64xf32, #tpu.memory_space<hbm>>
    %dma_wait3A_175 = tpu.memref_squeeze %dma_wait3A_174 : memref<1x100x64xf32, #tpu.memory_space<hbm>> -> memref<100x64xf32, #tpu.memory_space<hbm>>
    %dma_wait3A_176 = arith.constant 0 : i32
    %dma_wait3A_177 = arith.constant 0 : i32
    %dma_wait3A_178 = tpu.memref_slice %arg5[%add3A_166, %dma_wait3A_176, %dma_wait3A_177] : memref<2048x100x64xf32, #tpu.memory_space<hbm>> -> memref<1x100x64xf32, #tpu.memory_space<hbm>>
    %dma_wait3A_179 = tpu.memref_squeeze %dma_wait3A_178 : memref<1x100x64xf32, #tpu.memory_space<hbm>> -> memref<100x64xf32, #tpu.memory_space<hbm>>
    %dma_wait3A_180 = arith.constant 0 : i32
    %dma_wait3A_181 = arith.constant 0 : i32
    %dma_wait3A_182 = tpu.memref_slice %arg8[%dma_wait3A_167, %dma_wait3A_180, %dma_wait3A_181] : memref<8x100x64xf32, #tpu.memory_space<vmem>> -> memref<1x100x64xf32, #tpu.memory_space<vmem>>
    %dma_wait3A_183 = tpu.memref_squeeze %dma_wait3A_182 : memref<1x100x64xf32, #tpu.memory_space<vmem>> -> memref<100x64xf32, #tpu.memory_space<vmem>>
    tpu.wait_dma2 semaphore(%arg20 : memref<!tpu.dma_semaphore, #tpu.memory_space<semaphore_mem>>) src(%dma_wait3A_183 : memref<100x64xf32, #tpu.memory_space<vmem>>) dst(%dma_wait3A_179 : memref<100x64xf32, #tpu.memory_space<hbm>>)
    %mul3A_184 = arith.constant 64 : i32
    %mul3A_185 = arith.muli %add3A, %mul3A_184 : i32
    %add3A_186 = arith.constant 60 : i32
    %add3A_187 = arith.addi %mul3A_185, %add3A_186 : i32
    %dma_wait3A_188 = arith.constant 4 : i32
    %dma_wait3A_189 = arith.constant 0 : i32
    %dma_wait3A_190 = arith.constant 0 : i32
    %dma_wait3A_191 = tpu.memref_slice %arg8[%dma_wait3A_188, %dma_wait3A_189, %dma_wait3A_190] : memref<8x100x64xf32, #tpu.memory_space<vmem>> -> memref<1x100x64xf32, #tpu.memory_space<vmem>>
    %dma_wait3A_192 = tpu.memref_squeeze %dma_wait3A_191 : memref<1x100x64xf32, #tpu.memory_space<vmem>> -> memref<100x64xf32, #tpu.memory_space<vmem>>
    %dma_wait3A_193 = arith.constant 0 : i32
    %dma_wait3A_194 = arith.constant 0 : i32
    %dma_wait3A_195 = tpu.memref_slice %arg5[%add3A_187, %dma_wait3A_193, %dma_wait3A_194] : memref<2048x100x64xf32, #tpu.memory_space<hbm>> -> memref<1x100x64xf32, #tpu.memory_space<hbm>>
    %dma_wait3A_196 = tpu.memref_squeeze %dma_wait3A_195 : memref<1x100x64xf32, #tpu.memory_space<hbm>> -> memref<100x64xf32, #tpu.memory_space<hbm>>
    %dma_wait3A_197 = arith.constant 0 : i32
    %dma_wait3A_198 = arith.constant 0 : i32
    %dma_wait3A_199 = tpu.memref_slice %arg5[%add3A_187, %dma_wait3A_197, %dma_wait3A_198] : memref<2048x100x64xf32, #tpu.memory_space<hbm>> -> memref<1x100x64xf32, #tpu.memory_space<hbm>>
    %dma_wait3A_200 = tpu.memref_squeeze %dma_wait3A_199 : memref<1x100x64xf32, #tpu.memory_space<hbm>> -> memref<100x64xf32, #tpu.memory_space<hbm>>
    %dma_wait3A_201 = arith.constant 0 : i32
    %dma_wait3A_202 = arith.constant 0 : i32
    %dma_wait3A_203 = tpu.memref_slice %arg8[%dma_wait3A_188, %dma_wait3A_201, %dma_wait3A_202] : memref<8x100x64xf32, #tpu.memory_space<vmem>> -> memref<1x100x64xf32, #tpu.memory_space<vmem>>
    %dma_wait3A_204 = tpu.memref_squeeze %dma_wait3A_203 : memref<1x100x64xf32, #tpu.memory_space<vmem>> -> memref<100x64xf32, #tpu.memory_space<vmem>>
    tpu.wait_dma2 semaphore(%arg21 : memref<!tpu.dma_semaphore, #tpu.memory_space<semaphore_mem>>) src(%dma_wait3A_204 : memref<100x64xf32, #tpu.memory_space<vmem>>) dst(%dma_wait3A_200 : memref<100x64xf32, #tpu.memory_space<hbm>>)
    %mul3A_205 = arith.constant 64 : i32
    %mul3A_206 = arith.muli %add3A, %mul3A_205 : i32
    %add3A_207 = arith.constant 61 : i32
    %add3A_208 = arith.addi %mul3A_206, %add3A_207 : i32
    %dma_wait3A_209 = arith.constant 5 : i32
    %dma_wait3A_210 = arith.constant 0 : i32
    %dma_wait3A_211 = arith.constant 0 : i32
    %dma_wait3A_212 = tpu.memref_slice %arg8[%dma_wait3A_209, %dma_wait3A_210, %dma_wait3A_211] : memref<8x100x64xf32, #tpu.memory_space<vmem>> -> memref<1x100x64xf32, #tpu.memory_space<vmem>>
    %dma_wait3A_213 = tpu.memref_squeeze %dma_wait3A_212 : memref<1x100x64xf32, #tpu.memory_space<vmem>> -> memref<100x64xf32, #tpu.memory_space<vmem>>
    %dma_wait3A_214 = arith.constant 0 : i32
    %dma_wait3A_215 = arith.constant 0 : i32
    %dma_wait3A_216 = tpu.memref_slice %arg5[%add3A_208, %dma_wait3A_214, %dma_wait3A_215] : memref<2048x100x64xf32, #tpu.memory_space<hbm>> -> memref<1x100x64xf32, #tpu.memory_space<hbm>>
    %dma_wait3A_217 = tpu.memref_squeeze %dma_wait3A_216 : memref<1x100x64xf32, #tpu.memory_space<hbm>> -> memref<100x64xf32, #tpu.memory_space<hbm>>
    %dma_wait3A_218 = arith.constant 0 : i32
    %dma_wait3A_219 = arith.constant 0 : i32
    %dma_wait3A_220 = tpu.memref_slice %arg5[%add3A_208, %dma_wait3A_218, %dma_wait3A_219] : memref<2048x100x64xf32, #tpu.memory_space<hbm>> -> memref<1x100x64xf32, #tpu.memory_space<hbm>>
    %dma_wait3A_221 = tpu.memref_squeeze %dma_wait3A_220 : memref<1x100x64xf32, #tpu.memory_space<hbm>> -> memref<100x64xf32, #tpu.memory_space<hbm>>
    %dma_wait3A_222 = arith.constant 0 : i32
    %dma_wait3A_223 = arith.constant 0 : i32
    %dma_wait3A_224 = tpu.memref_slice %arg8[%dma_wait3A_209, %dma_wait3A_222, %dma_wait3A_223] : memref<8x100x64xf32, #tpu.memory_space<vmem>> -> memref<1x100x64xf32, #tpu.memory_space<vmem>>
    %dma_wait3A_225 = tpu.memref_squeeze %dma_wait3A_224 : memref<1x100x64xf32, #tpu.memory_space<vmem>> -> memref<100x64xf32, #tpu.memory_space<vmem>>
    tpu.wait_dma2 semaphore(%arg22 : memref<!tpu.dma_semaphore, #tpu.memory_space<semaphore_mem>>) src(%dma_wait3A_225 : memref<100x64xf32, #tpu.memory_space<vmem>>) dst(%dma_wait3A_221 : memref<100x64xf32, #tpu.memory_space<hbm>>)
    %mul3A_226 = arith.constant 64 : i32
    %mul3A_227 = arith.muli %add3A, %mul3A_226 : i32
    %add3A_228 = arith.constant 62 : i32
    %add3A_229 = arith.addi %mul3A_227, %add3A_228 : i32
    %dma_wait3A_230 = arith.constant 6 : i32
    %dma_wait3A_231 = arith.constant 0 : i32
    %dma_wait3A_232 = arith.constant 0 : i32
    %dma_wait3A_233 = tpu.memref_slice %arg8[%dma_wait3A_230, %dma_wait3A_231, %dma_wait3A_232] : memref<8x100x64xf32, #tpu.memory_space<vmem>> -> memref<1x100x64xf32, #tpu.memory_space<vmem>>
    %dma_wait3A_234 = tpu.memref_squeeze %dma_wait3A_233 : memref<1x100x64xf32, #tpu.memory_space<vmem>> -> memref<100x64xf32, #tpu.memory_space<vmem>>
    %dma_wait3A_235 = arith.constant 0 : i32
    %dma_wait3A_236 = arith.constant 0 : i32
    %dma_wait3A_237 = tpu.memref_slice %arg5[%add3A_229, %dma_wait3A_235, %dma_wait3A_236] : memref<2048x100x64xf32, #tpu.memory_space<hbm>> -> memref<1x100x64xf32, #tpu.memory_space<hbm>>
    %dma_wait3A_238 = tpu.memref_squeeze %dma_wait3A_237 : memref<1x100x64xf32, #tpu.memory_space<hbm>> -> memref<100x64xf32, #tpu.memory_space<hbm>>
    %dma_wait3A_239 = arith.constant 0 : i32
    %dma_wait3A_240 = arith.constant 0 : i32
    %dma_wait3A_241 = tpu.memref_slice %arg5[%add3A_229, %dma_wait3A_239, %dma_wait3A_240] : memref<2048x100x64xf32, #tpu.memory_space<hbm>> -> memref<1x100x64xf32, #tpu.memory_space<hbm>>
    %dma_wait3A_242 = tpu.memref_squeeze %dma_wait3A_241 : memref<1x100x64xf32, #tpu.memory_space<hbm>> -> memref<100x64xf32, #tpu.memory_space<hbm>>
    %dma_wait3A_243 = arith.constant 0 : i32
    %dma_wait3A_244 = arith.constant 0 : i32
    %dma_wait3A_245 = tpu.memref_slice %arg8[%dma_wait3A_230, %dma_wait3A_243, %dma_wait3A_244] : memref<8x100x64xf32, #tpu.memory_space<vmem>> -> memref<1x100x64xf32, #tpu.memory_space<vmem>>
    %dma_wait3A_246 = tpu.memref_squeeze %dma_wait3A_245 : memref<1x100x64xf32, #tpu.memory_space<vmem>> -> memref<100x64xf32, #tpu.memory_space<vmem>>
    tpu.wait_dma2 semaphore(%arg23 : memref<!tpu.dma_semaphore, #tpu.memory_space<semaphore_mem>>) src(%dma_wait3A_246 : memref<100x64xf32, #tpu.memory_space<vmem>>) dst(%dma_wait3A_242 : memref<100x64xf32, #tpu.memory_space<hbm>>)
    %mul3A_247 = arith.constant 64 : i32
    %mul3A_248 = arith.muli %add3A, %mul3A_247 : i32
    %add3A_249 = arith.constant 63 : i32
    %add3A_250 = arith.addi %mul3A_248, %add3A_249 : i32
    %dma_wait3A_251 = arith.constant 7 : i32
    %dma_wait3A_252 = arith.constant 0 : i32
    %dma_wait3A_253 = arith.constant 0 : i32
    %dma_wait3A_254 = tpu.memref_slice %arg8[%dma_wait3A_251, %dma_wait3A_252, %dma_wait3A_253] : memref<8x100x64xf32, #tpu.memory_space<vmem>> -> memref<1x100x64xf32, #tpu.memory_space<vmem>>
    %dma_wait3A_255 = tpu.memref_squeeze %dma_wait3A_254 : memref<1x100x64xf32, #tpu.memory_space<vmem>> -> memref<100x64xf32, #tpu.memory_space<vmem>>
    %dma_wait3A_256 = arith.constant 0 : i32
    %dma_wait3A_257 = arith.constant 0 : i32
    %dma_wait3A_258 = tpu.memref_slice %arg5[%add3A_250, %dma_wait3A_256, %dma_wait3A_257] : memref<2048x100x64xf32, #tpu.memory_space<hbm>> -> memref<1x100x64xf32, #tpu.memory_space<hbm>>
    %dma_wait3A_259 = tpu.memref_squeeze %dma_wait3A_258 : memref<1x100x64xf32, #tpu.memory_space<hbm>> -> memref<100x64xf32, #tpu.memory_space<hbm>>
    %dma_wait3A_260 = arith.constant 0 : i32
    %dma_wait3A_261 = arith.constant 0 : i32
    %dma_wait3A_262 = tpu.memref_slice %arg5[%add3A_250, %dma_wait3A_260, %dma_wait3A_261] : memref<2048x100x64xf32, #tpu.memory_space<hbm>> -> memref<1x100x64xf32, #tpu.memory_space<hbm>>
    %dma_wait3A_263 = tpu.memref_squeeze %dma_wait3A_262 : memref<1x100x64xf32, #tpu.memory_space<hbm>> -> memref<100x64xf32, #tpu.memory_space<hbm>>
    %dma_wait3A_264 = arith.constant 0 : i32
    %dma_wait3A_265 = arith.constant 0 : i32
    %dma_wait3A_266 = tpu.memref_slice %arg8[%dma_wait3A_251, %dma_wait3A_264, %dma_wait3A_265] : memref<8x100x64xf32, #tpu.memory_space<vmem>> -> memref<1x100x64xf32, #tpu.memory_space<vmem>>
    %dma_wait3A_267 = tpu.memref_squeeze %dma_wait3A_266 : memref<1x100x64xf32, #tpu.memory_space<vmem>> -> memref<100x64xf32, #tpu.memory_space<vmem>>
    tpu.wait_dma2 semaphore(%arg24 : memref<!tpu.dma_semaphore, #tpu.memory_space<semaphore_mem>>) src(%dma_wait3A_267 : memref<100x64xf32, #tpu.memory_space<vmem>>) dst(%dma_wait3A_263 : memref<100x64xf32, #tpu.memory_space<hbm>>)
    return
  }
}

module attributes {stable_mosaic.version = 14 : i64} {
  func.func @_fmt_body(%arg0: i32, %arg1: memref<64x4096xf32, #tpu.memory_space<vmem>>, %arg2: memref<4096x128xf32, #tpu.memory_space<vmem>>) attributes {dimension_semantics = [#tpu.dimension_semantics<arbitrary>], iteration_bounds = array<i64: 245>, scalar_prefetch = 0 : i64, scratch_operands = 0 : i64, tpu.core_type = #tpu.core_type<tc>, window_params = [{transform_indices = @transform_0, window_bounds = array<i64: 64, 4096>}, {transform_indices = @transform_1, window_bounds = array<i64: 4096, 128>}]} {
    %get3A = arith.constant 0 : index
    %get3A_0 = arith.constant 0 : index
    %get3A_1 = vector.load %arg1[%get3A, %get3A_0] : memref<64x4096xf32, #tpu.memory_space<vmem>>, vector<64x4096xf32>
    %transpose3A = tpu.transpose %get3A_1, [1, 0] : vector<64x4096xf32> -> vector<4096x64xf32>
    %swap3A = arith.constant 0 : index
    %swap3A_2 = arith.constant 0 : index
    %swap3A_3 = vector.load %arg2[%swap3A, %swap3A_2] : memref<4096x128xf32, #tpu.memory_space<vmem>>, vector<4096x64xf32>
    tpu.vector_store %arg2[%swap3A, %swap3A_2], %transpose3A {strides = array<i32>} : memref<4096x128xf32, #tpu.memory_space<vmem>>, vector<4096x64xf32>,
    return
  }
  func.func @transform_0(%arg0: i32) -> (i32, i32) {
    %c0_i32 = arith.constant 0 : i32
    %c0_i32_0 = arith.constant 0 : i32
    return %c0_i32, %arg0 : i32, i32
  }
  func.func @transform_1(%arg0: i32) -> (i32, i32) {
    %c0_i32 = arith.constant 0 : i32
    %c0_i32_0 = arith.constant 0 : i32
    return %arg0, %c0_i32 : i32, i32
  }
}

</mosaic_0001>

<sc_bundles>
// kernel: kernel.4.cloned.1.call-start
scs
__scs_entry_jumppad:
0x0: {  	(pc) =	sbr.rel $0x88, $3  }
0x1: {  	(tag) =	ssettag $0x0;
	lr =	simm.s32 $0x1  }
0x2: {  	[smem:$0x3F9F] =	sst lr;
	_ =	strace $0xD0000000  }
0x3: {  	_ = 	snop  }
0x4: {  	_ = 	snop  }
0x5: {  	_ = 	snop  }
0x6: {  	_ = 	snop  }
0x7: {  	_ = 	snop  }
__scs_overlays_trampoline_lowered:
0x8: {  	[smem:$0x3FAE] =	sst s0  }
0x9: {  	[smem:$0x3FAF] =	sst s1  }
0xa: {  	[smem:$0x3FB0] =	sst s2  }
0xb: {  	[smem:$0x3FB1] =	sst s3  }
0xc: {  	[smem:$0x3FB2] =	sst s4  }
0xd: {  	[smem:$0x3FB3] =	sst s5  }
0xe: {  	[smem:$0x3FB4] =	sst s6  }
0xf: {  	[smem:$0x3FB5] =	sst s7  }
0x10: {  	[smem:$0x3FB6] =	sst s8  }
0x11: {  	[smem:$0x3FB7] =	sst s9;
	s0 =	simm.s32 @!p0 $0x0  }
0x12: {  	s1 =	sld [smem:$0x3F9D];
	s0 =	simm.s32 @p0 $0x1  }
0x13: {  	[smem:$0x3FB8] =	sst s0;
	s0 =	simm.s32 @!p1 $0x0  }
0x14: {  	s2 =	sld [smem:$0x3F9C];
	s0 =	simm.s32 @p1 $0x1  }
0x15: {  	[smem:$0x3FB9] =	sst s0;
	s0 =	simm.s32 @!p2 $0x0  }
0x16: {  	s3 =	sld [smem:$0x3FDB];
	s0 =	simm.s32 @p2 $0x1  }
0x17: {  	s4 =	simm.s32 $0x1BF5;
	[smem:$0x3FBB] =	sst s0  }
0x18: {  	s0 =	sld [smem:$0x3F9E];
	_ =	swait.ge [sflag:s4], $0x0  }
0x19: {  	s7 =	sld [smem:$0x3F9F]  }
0x1a: {  	s8 =	sadd.s32 $0xFFFFE003, lr  }
0x1b: {  	s9 =	sadd.s32 $0xFFFFFEF7, lr;
	s5 =	simm.s32 $0xFFFFFFFF;
	p2 =	slt.u32 s8, $0xFFFFF086  }
0x1c: {  	p1 =	slt.u32 s9, $0xF7A;
	s5 =	simm.s32 @!p2 $0x0  }
0x1d: {  	s5 =	simm.s32 @p1 $0x1;
	p0 =	seq.s32 s7, s2  }
0x1e: {  	s7 =	smul.u32 @!p0 $0xF7A, s2;
	p2 =	seq.s32 @!p0 s5, $0x0  }
0x1f: {  	s9 =	smul.u32 $0xF7A, s1;
	s8 =	simm.s32 @!p0 $0x1BF5;
	p2 =	por !p2, p0  }
0x20: {  	[sflag:s8] =	ssyncset.s32 @!p0 $0xFFFFF086;
	s6 =	sadd.s32 @!p0 s3, s7;
	s7 =	simm.s32 @!p0 $0x108  }
0x21: {  	s3 =	sadd.s32 s3, s9;
	s6 =	sadd.s32 @!p0 $0x88, s6;
	s7 =	simm.s32 @p2 $0x1082  }
0x22: {  	[simem:s7], [sflag:s8] =	dma.local @!p0 [hbm:s6], $0xF7A  }
0x23: {  	s9 =	sor.u32 $0xD0000000, s2;
	s6 =	simm.s32 $0x108;
	_ =	swait.ge @!p0 [sflag:s8], $0x0  }
0x24: {  	s3 =	sadd.s32 $0x88, s3;
	s6 =	simm.s32 @!p1 $0x1082;
	[sflag:s4] =	ssyncset.s32 $0xFFFFF086  }
0x25: {  	[simem:s6], [sflag:s4] =	dma.local [hbm:s3], $0xF7A  }
0x26: {  	[smem:$0x3F9F] =	sst s1;
	(tag) =	ssettag s2;
	_ =	strace s9  }
0x27: {  	s1 =	sld [smem:$0x3FAF]  }
0x28: {  	s2 =	sld [smem:$0x3FB0]  }
0x29: {  	s4 =	sld [smem:$0x3FB2]  }
0x2a: {  	p0 =	seq.s32 s5, $0x0;
	s5 =	sld [smem:$0x3FB3]  }
0x2b: {  	s6 =	sld [smem:$0x3FB4]  }
0x2c: {  	s7 =	sld [smem:$0x3FB5]  }
0x2d: {  	s3 =	simm.s32 $0x108;
	s8 =	sld [smem:$0x3FB6]  }
0x2e: {  	s3 =	simm.s32 @!p0 $0x1082;
	s9 =	sld [smem:$0x3FB7]  }
0x2f: {  	lr =	sadd.s32 s0, s3;
	s0 =	sld [smem:$0x3FAE]  }
0x30: {  	s3 =	sld [smem:$0x3FB1]  }
0x31: {  	[smem:$0x3FBA] =	sst s10  }
0x32: {  	s10 =	sld [smem:$0x3FB8];
	_ =	sdelay $0x3  }
0x33: {  	p0 =	seq.s32 s10, $0x1;
	s10 =	sld [smem:$0x3FBA];
	_ =	sdelay $0x3  }
0x34: {  	[smem:$0x3FBA] =	sst s10  }
0x35: {  	s10 =	sld [smem:$0x3FB9];
	_ =	sdelay $0x3  }
0x36: {  	p1 =	seq.s32 s10, $0x1;
	s10 =	sld [smem:$0x3FBA];
	_ =	sdelay $0x3  }
0x37: {  	[smem:$0x3FBA] =	sst s10  }
0x38: {  	s10 =	sld [smem:$0x3FBB]  }
0x39: {  	_ = 	snop;
	(pc) =	sbr.ind lr, $3  }
0x3a: {  	_ = 	snop  }
0x3b: {  	_ = 	snop  }
0x3c: {  	p2 =	seq.s32 s10, $0x1;
	s10 =	sld [smem:$0x3FBA]  }
0x3d: {  	_ =	shalt  }
0x3e: {  	_ =	shalt  }
0x3f: {  	_ =	shalt  }
0x40: {  	_ =	shalt  }
0x41: {  	_ =	shalt  }
0x42: {  	_ =	shalt  }
0x43: {  	_ =	shalt  }
0x44: {  	_ =	shalt  }
0x45: {  	_ =	shalt  }
0x46: {  	_ =	shalt  }
0x47: {  	_ =	shalt  }
0x48: {  	_ =	shalt  }
0x49: {  	_ =	shalt  }
0x4a: {  	_ =	shalt  }
0x4b: {  	_ =	shalt  }
0x4c: {  	_ =	shalt  }
0x4d: {  	_ =	shalt  }
0x4e: {  	_ =	shalt  }
0x4f: {  	_ =	shalt  }
0x50: {  	_ =	shalt  }
0x51: {  	_ =	shalt  }
0x52: {  	_ =	shalt  }
0x53: {  	_ =	shalt  }
0x54: {  	_ =	shalt  }
0x55: {  	_ =	shalt  }
0x56: {  	_ =	shalt  }
0x57: {  	_ =	shalt  }
0x58: {  	_ =	shalt  }
0x59: {  	_ =	shalt  }
0x5a: {  	_ =	shalt  }
0x5b: {  	_ =	shalt  }
0x5c: {  	_ =	shalt  }
0x5d: {  	_ =	shalt  }
0x5e: {  	_ =	shalt  }
0x5f: {  	_ =	shalt  }
0x60: {  	_ =	shalt  }
0x61: {  	_ =	shalt  }
0x62: {  	_ =	shalt  }
0x63: {  	_ =	shalt  }
0x64: {  	_ =	shalt  }
0x65: {  	_ =	shalt  }
0x66: {  	_ =	shalt  }
0x67: {  	_ =	shalt  }
0x68: {  	_ =	shalt  }
0x69: {  	_ =	shalt  }
0x6a: {  	_ =	shalt  }
0x6b: {  	_ =	shalt  }
0x6c: {  	_ =	shalt  }
0x6d: {  	_ =	shalt  }
0x6e: {  	_ =	shalt  }
0x6f: {  	_ =	shalt  }
0x70: {  	_ =	shalt  }
0x71: {  	_ =	shalt  }
0x72: {  	_ =	shalt  }
0x73: {  	_ =	shalt  }
0x74: {  	_ =	shalt  }
0x75: {  	_ =	shalt  }
0x76: {  	_ =	shalt  }
0x77: {  	_ =	shalt  }
0x78: {  	_ =	shalt  }
0x79: {  	_ =	shalt  }
0x7a: {  	_ =	shalt  }
0x7b: {  	_ =	shalt  }
0x7c: {  	_ =	shalt  }
0x7d: {  	_ =	shalt  }
0x7e: {  	_ =	shalt  }
0x7f: {  	_ =	shalt  }
0x80: {  	_ =	shalt  }
0x81: {  	_ =	shalt  }
0x82: {  	_ =	shalt  }
0x83: {  	_ =	shalt  }
0x84: {  	_ =	shalt  }
0x85: {  	_ =	shalt  }
0x86: {  	_ =	shalt  }
0x87: {  	_ =	shalt  }
.Lfunc_end0:
.L_simem_size_0:
called_computation.1_lowered:
.L_overlay_start_0:
0x88: {  	s2 =	sld [smem:$0x3FD9]  }
0x89: {  	s3 =	sld [smem:$0x3FFE];
	_ =	sdelay $0x1  }
0x8a: {  	s1 =	srdreg.scid  }
0x8b: {  	s0 =	sand.u32 $0x1, s1  }
0x8c: {  	s17 =	sshll.u32 s0, $0xA;
	s2 =	sadd.s32 s3, s2  }
0x8d: {  	s2 =	sadd.s32 s2, s17  }
0x8e: {  	[smem:$0x3FC6] =	sst s2  }
0x8f: {  	_ = 	snop  }
0x90: {  	s2 =	sld [smem:$0x3FD0];
	(tm) =	ssettm $0x1  }
0x91: {  	s18 =	sld [smem:$0x3FFB];
	_ =	sdelay $0x3  }
0x92: {  	_ =	strace s18  }
0x93: {  	s3 =	sld [smem:$0x3FFC];
	_ =	sdelay $0x3  }
0x94: {  	_ =	strace s3  }
0x95: {  	s3 =	sld [smem:$0x3FFD];
	_ =	sdelay $0x3  }
0x96: {  	_ =	strace s3  }
0x97: {  	_ =	strace $0x8FFFFFFF  }
0x98: {  	s19 =	sld [smem:$0x3FDB];
	_ =	sdelay $0x1  }
0x99: {  	s4 =	simm.s32 $_scs_section_size  }
0x9a: {  	s5 =	simm.s32 $_size__tile_overlayer_lowered;
	s6 =	simm.s32 $_tile_overlayer_lowered  }
0x9b: {  	s22 =	simm.s32 $0x1BFF;
	s21 =	sshll.u32 s6, $0x1;
	s3 =	sadd.s32 s4, s19  }
0x9c: {  	s7 =	simm.s32 $0x0;
	s20 =	sshll.u32 s5, $0x1;
	s5 =	sadd.s32 s21, s3  }
0x9d: {  	[timem:s7], [sflag:s22] =	dma.local [hbm:s5], s20  }
0x9e: {  	_ =	swait.ge [sflag:s22], s20  }
0x9f: {  	s4 =	ssub.s32 $0x0, s20;
	[sflag:s22] =	ssyncset.done $0x0  }
0xa0: {  	[sflag:s22] =	ssyncadd.s32 s4;
	_ =	sdelay $0x1  }
0xa1: {  	s23 =	simm.s32 $0x1B8B  }
0xa2: {  	_ =	swait.ge [sflag:s23], $0x1  }
0xa3: {  	[sflag:s23] =	ssyncset.done $0x0  }
0xa4: {  	s25 =	simm.s32 $0x1B8E;
	s24 =	sld [smem:$0x3FFE];
	[sflag:s23] =	ssyncadd.s32 $0xFFFFFFFF  }
0xa5: {  	s26 =	simm.s32 $execute0_lowered;
	[smem:$0x3FD2] =	sst s25  }
0xa6: {  	s5 =	sshll.u32 s26, $0x1;
	_ =	strace $0x80000046;
	[dreg:$0x1] =	wrdreg $0xFFFFFFFF  }
0xa7: {  	s28 =	simm.s32 $_size_execute0_lowered;
	s3 =	sadd.s32 s3, s5;
	[dreg:$0x0] =	wrdreg $0x0  }
0xa8: {  	s5 =	sshll.u32 s28, $0x1;
	[dreg:$0x2] =	wrdreg s3  }
0xa9: {  	[dreg:$0x3] =	wrdreg s5  }
0xaa: {  	[dreg:$0x4] =	wrdreg $0xC0  }
0xab: {  	_ =	task [dreg:s7], $0x5FFFF  }
0xac: {  	[dreg:$0x1] =	wrdreg $0xFFFFFFFF  }
0xad: {  	[dreg:$0x0] =	wrdreg $0x60  }
0xae: {  	[dreg:$0x2] =	wrdreg s24  }
0xaf: {  	[dreg:$0x3] =	wrdreg s2  }
0xb0: {  	[dreg:$0x4] =	wrdreg $0x9  }
0xb1: {  	_ =	task.clear_ibuf [dreg:s7], $0x5FFFF;
	_ =	strace $0x90000046  }
0xb2: {  	s29 =	simm.s32 $0x9;
	_ =	strace $0x80000048  }
0xb3: {  	_ =	swait.ge [sflag:s29], $0x1  }
0xb4: {  	[sflag:s29] =	ssyncadd.s32 $0xFFFFFFFF  }
0xb5: {  	_ =	strace $0x90000048  }
0xb6: {  	_ =	sfence  }
0xb7: {  	s30 =	sld [smem:$0x0];
	_ =	sdelay $0x2  }
0xb8: {  	s31 =	sshll.u32 s1, $0xD;
	s1 =	sshrl.u32 s1, $0x2  }
0xb9: {  	s3 =	sand.u32 $0x4000, s31;
	s1 =	sadd.s32 s1, s30  }
0xba: {  	s0 =	sor.u32 s3, s0;
	s1 =	sshll.u32 s1, $0x11  }
0xbb: {  	s0 =	sor.u32 s1, s0  }
0xbc: {  	s0 =	sadd.s32 $0x8F2B, s0  }
0xbd: {  	[sflag:s0] =	ssyncadd.remote.s32 $0x1  }
0xbe: {  	_ =	sfence.sel $0xFFFF  }
0xbf: {  	[dreg:$0x0] =	wrdreg $0xFFFFFFFF;
	(pc) =	sbr.abs _section_cstart, $3  }
0xc0: {  	[dreg:$0x1] =	wrdreg $0xFFFFFFFF  }
0xc1: {  	_ =	task.clear_ibuf [dreg:s7], $0x2FFFF;
	_ =	strace $0x9FFFFFFF  }
0xc2: {  	(tm) =	ssettm $0x7FFFFFFF  }
0xc3: {  	_ =	shalt  }
tec
execute0_lowered:
.L_overlay_start_1:
0x0: {  	(tag) =	ssettag $0x1  }
0x1: {  	s0 =	srdreg.scid  }
0x2: {  	s2 =	stileid.u32;
	s1 =	rddreg [dreg:$0x0]  }
0x3: {  	s9 =	simm.s32 $0x11;
	s11 =	simm.s32 $0x64;
	s12 =	simm.s32 $0x3300  }
0x4: {  	s14 =	simm.s32 $0x4C00;
	s16 =	simm.s32 $0x6500;
	s18 =	simm.s32 $0x7E00  }
0x5: {  	s20 =	simm.s32 $0x9700;
	s22 =	simm.s32 $0xB000;
	s24 =	simm.s32 $0xC900  }
0x6: {  	s28 =	simm.s32 $0x1;
	s29 =	simm.s32 $0x2;
	s30 =	simm.s32 $0x3  }
0x7: {  	s31 =	simm.s32 $0x4;
	s10 =	simm.s32 $0x7;
	s13 =	simm.s32 $0x8  }
0x8: {  	s8 =	simm.s32 $0x0;
	s0 =	sand.u32 $0x1, s0;
	s3 =	sshll.u32 s2, $0x1  }
0x9: {  	s2 =	rddreg [dreg:$0x1];
	s5 =	sor.u32 s0, s3;
	s3 =	simm.s32 $0x0  }
0xa: {  	s0 =	ssub.s32 $0x2, s0;
	s4 =	smul.u32 $0x340, s5;
	[smem:$0x7FF] =	sst s3  }
0xb: {  	s25 =	sshrl.u32 s0, $0x1;
	s7 =	sshll.u32 s5, $0x6;
	s5 =	simm.s32 $0xF  }
.Ltmp0:
0xc: {  	_ =	strace $0x80000047;
	s0 =	ssub.s32 s0, s25;
	(pc) =	sbr.rel .LBB2_1-.Ltmp0, $4  }
0xd: {  	s6 =	sadd.s32 s4, s1;
	s4 =	sadd.s32 $0x7400, s1;
	s1 =	sadd.s32 $0x800, s1  }
0xe: {  	s0 =	smax.u32 s0, $0x1;
	[dreg:$0x3] =	wrdreg s1;
	s26 =	sadd.s32 $0xC00, s6  }
0xf: {  	[dreg:$0x5] =	wrdreg s0;
	s1 =	simm.s32 $0x5;
	s0 =	simm.s32 $0x6  }
0x10: {  	s6 =	simm.s32 $0x10;
	[dreg:$0x4] =	wrdreg s26;
	s26 =	simm.s32 $0xE200  }
.LBB2_20:
0x11: {  	s15 =	simm.s32 $0x9  }
0x12: {  	_ =	swait.ge [sflag:s15], $0x1900  }
0x13: {  	[sflag:s15] =	ssyncset.done $0x0  }
0x14: {  	s25 =	simm.s32 $0xA;
	[sflag:s15] =	ssyncadd.s32 $0xFFFFE700  }
0x15: {  	_ =	swait.ge [sflag:s25], $0x1900  }
0x16: {  	[sflag:s25] =	ssyncset.done $0x0  }
0x17: {  	s17 =	simm.s32 $0xB;
	[sflag:s25] =	ssyncadd.s32 $0xFFFFE700  }
0x18: {  	_ =	swait.ge [sflag:s17], $0x1900  }
0x19: {  	[sflag:s17] =	ssyncset.done $0x0  }
0x1a: {  	s19 =	simm.s32 $0xC;
	[sflag:s17] =	ssyncadd.s32 $0xFFFFE700  }
0x1b: {  	_ =	swait.ge [sflag:s19], $0x1900  }
0x1c: {  	[sflag:s19] =	ssyncset.done $0x0  }
0x1d: {  	s21 =	simm.s32 $0xD;
	[sflag:s19] =	ssyncadd.s32 $0xFFFFE700  }
0x1e: {  	_ =	swait.ge [sflag:s21], $0x1900  }
0x1f: {  	[sflag:s21] =	ssyncset.done $0x0  }
0x20: {  	s23 =	simm.s32 $0xE;
	[sflag:s21] =	ssyncadd.s32 $0xFFFFE700  }
0x21: {  	_ =	swait.ge [sflag:s23], $0x1900  }
0x22: {  	[sflag:s23] =	ssyncset.done $0x0  }
0x23: {  	[sflag:s23] =	ssyncadd.s32 $0xFFFFE700  }
0x24: {  	_ =	swait.ge [sflag:s5], $0x1900  }
0x25: {  	[sflag:s5] =	ssyncset.done $0x0  }
0x26: {  	[sflag:s5] =	ssyncadd.s32 $0xFFFFE700  }
0x27: {  	_ =	swait.ge [sflag:s6], $0x1900  }
0x28: {  	s8 =	sadd.s32 $0x1, s8;
	s25 =	rddreg [dreg:$0x5]  }
0x29: {  	p0 =	sne.s32 s8, s25  }
.Ltmp1:
0x2a: {  	_ = 	snop;
	(pc) =	sbr.rel @!p0 .LBB2_21-.Ltmp1, $3  }
0x2b: {  	_ =	sdelay $0x1  }
0x2c: {  	[sflag:s6] =	ssyncset.done $0x0  }
0x2d: {  	[sflag:s6] =	ssyncadd.s32 $0xFFFFE700  }
.LBB2_1:
0x2e: {  	s15 =	rddreg [dreg:$0x4]  }
0x2f: {  	[tilespmem:s3], [sflag:$0x11] =	stream.linear.gather [hbm4b:s15+s3], $0x1A00, $0x38;
	[tilespmem:$0xFB00] =	vst v63  }
0x30: {  	_ =	swait.ge [sflag:s9], $0x1A00  }
0x31: {  	[sflag:s9] =	ssyncset.done $0x0  }
0x32: {  	s17 =	simm.s32 $0x1A00;
	s21 =	rddreg [dreg:$0x3];
	[sflag:s9] =	ssyncadd.s32 $0xFFFFE600  }
0x33: {  	[tilespmem:s17], [sflag:$0x11] =	stream.linear.gather [hbm4b:s21+s3], $0x1900, $0x38;
	[tilespmem:$0xFB00] =	vst v63  }
0x34: {  	_ =	swait.ge [sflag:s9], $0x1900  }
0x35: {  	[sflag:s9] =	ssyncset.done $0x0  }
0x36: {  	[sflag:s9] =	ssyncadd.s32 $0xFFFFE700  }
0x37: {  	[tilespmem:s12], [sflag:$0x1] =	stream.indirect.gather [hbm4b:s4+s11], $0x40, s3, s11, $0xb8;
	[tilespmem:$0xFB00] =	vst v63  }
0x38: {  	s23 =	simm.s32 $0x68  }
0x39: {  	[tilespmem:s14], [sflag:$0x2] =	stream.indirect.gather [hbm4b:s4+s11], $0x40, s23, s11, $0xb8;
	[tilespmem:$0xFB00] =	vst v63  }
0x3a: {  	s25 =	simm.s32 $0xD0  }
0x3b: {  	[tilespmem:s16], [sflag:$0x3] =	stream.indirect.gather [hbm4b:s4+s11], $0x40, s25, s11, $0xb8;
	[tilespmem:$0xFB00] =	vst v63  }
0x3c: {  	s17 =	simm.s32 $0x138  }
0x3d: {  	[tilespmem:s18], [sflag:$0x4] =	stream.indirect.gather [hbm4b:s4+s11], $0x40, s17, s11, $0xb8;
	[tilespmem:$0xFB00] =	vst v63  }
0x3e: {  	s19 =	simm.s32 $0x1A0  }
0x3f: {  	[tilespmem:s20], [sflag:$0x5] =	stream.indirect.gather [hbm4b:s4+s11], $0x40, s19, s11, $0xb8;
	[tilespmem:$0xFB00] =	vst v63  }
0x40: {  	s21 =	simm.s32 $0x208  }
0x41: {  	[tilespmem:s22], [sflag:$0x6] =	stream.indirect.gather [hbm4b:s4+s11], $0x40, s21, s11, $0xb8;
	[tilespmem:$0xFB00] =	vst v63  }
0x42: {  	s23 =	simm.s32 $0x270  }
0x43: {  	[tilespmem:s24], [sflag:$0x7] =	stream.indirect.gather [hbm4b:s4+s11], $0x40, s23, s11, $0xb8;
	[tilespmem:$0xFB00] =	vst v63  }
0x44: {  	s15 =	simm.s32 $0x0;
	s25 =	simm.s32 $0x2D8  }
0x45: {  	[tilespmem:s26], [sflag:$0x8] =	stream.indirect.gather [hbm4b:s4+s11], $0x40, s25, s11, $0xb8;
	[tilespmem:$0xFB00] =	vst v63  }
.LBB2_2:
0x46: {  	_ =	swait.ge [sflag:s28], $0x1900  }
0x47: {  	[sflag:s28] =	ssyncset.done $0x0  }
0x48: {  	s17 =	simm.s32 $0x0;
	[sflag:s28] =	ssyncadd.s32 $0xFFFFE700  }
0x49: {  	v1 =	vld [tilespmem:s17+$0x1A00]  }
0x4a: {  	v0 =	vld [tilespmem:s17+$0x1A10]  }
0x4b: {  	v3 =	vld [tilespmem:s17+$0x3300]  }
0x4c: {  	v4 =	vld [tilespmem:s17+$0x3310]  }
0x4d: {  	s19 =	simm.s32 $0x100;
	v2 =	vld [tilespmem:s17+$0x3320]  }
.LBB2_3:
0x4e: {  	p0 =	sne.s32 s19, $0x6300;
	v5 =	vld [tilespmem:s17+$0x3330]  }
0x4f: {  	v6 =	vld [tilespmem:s17+$0x1A20]  }
0x50: {  	v3 =	vmul.f32 $8.000000000e+00, v3;
	v7 =	vld [tilespmem:s17+$0x1A30]  }
0x51: {  	v4 =	vmul.f32 $8.000000000e+00, v4  }
0x52: {  	s21 =	sshra.s32 s19, $0x2;
	v3 =	vadd.f32 v1, v3;
	v2 =	vmul.f32 $8.000000000e+00, v2  }
.Ltmp2:
0x53: {  	v1 =	vld [tilespmem:s21+$0x1A00];
	v4 =	vadd.f32 v0, v4;
	v5 =	vmul.f32 $8.000000000e+00, v5;
	(pc) =	sbr.rel @p0 .LBB2_3-.Ltmp2, $4  }
0x54: {  	v0 =	vld [tilespmem:s21+$0x1A10];
	[tilespmem:s17+$0x3300] =	vst v3;
	v2 =	vadd.f32 v6, v2  }
0x55: {  	v3 =	vld [tilespmem:s21+$0x3300];
	[tilespmem:s17+$0x3310] =	vst v4;
	v5 =	vadd.f32 v7, v5  }
0x56: {  	v4 =	vld [tilespmem:s21+$0x3310];
	[tilespmem:s17+$0x3320] =	vst v2  }
0x57: {  	s19 =	sadd.s32 $0x100, s19;
	v2 =	vld [tilespmem:s21+$0x3320];
	[tilespmem:s17+$0x3330] =	vst v5;
	s17 =	smov.u32 s21  }
0x58: {  	v5 =	vld [tilespmem:s17+$0x3330]  }
0x59: {  	v6 =	vld [tilespmem:s17+$0x1A20]  }
0x5a: {  	v7 =	vld [tilespmem:s17+$0x1A30];
	v3 =	vmul.f32 $8.000000000e+00, v3  }
0x5b: {  	v4 =	vmul.f32 $8.000000000e+00, v4  }
0x5c: {  	v1 =	vadd.f32 v1, v3;
	v2 =	vmul.f32 $8.000000000e+00, v2  }
0x5d: {  	s19 =	sshll.u32 s15, $0x3;
	v0 =	vadd.f32 v0, v4;
	v3 =	vmul.f32 $8.000000000e+00, v5  }
0x5e: {  	s21 =	sadd.s32 s7, s19;
	[tilespmem:s17+$0x3300] =	vst v1;
	v1 =	vadd.f32 v6, v2  }
0x5f: {  	s21 =	smul.u32 $0x320, s21;
	[tilespmem:s17+$0x3310] =	vst v0;
	v0 =	vadd.f32 v7, v3  }
0x60: {  	p0 =	seq.s32 s15, $0x7;
	[tilespmem:s17+$0x3320] =	vst v1  }
0x61: {  	s25 =	sadd.s32 s2, s21;
	[tilespmem:s17+$0x3330] =	vst v0;
	s17 =	simm.s32 @!p0 $0x9  }
0x62: {  	[hbm4b:s25+s3] =	stream.linear.scatter [tilespmem:s12], [sflag:$0x9], $0x1900, $0x38;
	[tilespmem:$0xFB00] =	vst v63  }
0x63: {  	s21 =	smul.u32 @!p0 $0xD00, s15;
	_ =	swait.ge @!p0 [sflag:s17], $0x1900  }
0x64: {  	[sflag:s17] =	ssyncset.done @!p0 $0x0  }
0x65: {  	[sflag:s17] =	ssyncadd.s32 @!p0 $0xFFFFE700;
	s17 =	sshra.s32 @!p0 s21, $0x2  }
0x66: {  	s23 =	simm.s32 @!p0 $0x64;
	s25 =	simm.s32 @!p0 $0x3300;
	s21 =	sadd.s32 @!p0 $0x340, s17  }
0x67: {  	[tilespmem:s25], [sflag:$0x1] =	stream.indirect.gather @!p0 [hbm4b:s4+s23], $0x40, s21, s23, $0xb8;
	[tilespmem:$0xFB00] =	vst v63  }
0x68: {  	_ =	swait.ge [sflag:s29], $0x1900  }
0x69: {  	[sflag:s29] =	ssyncset.done $0x0  }
0x6a: {  	s21 =	simm.s32 $0x0;
	[sflag:s29] =	ssyncadd.s32 $0xFFFFE700  }
0x6b: {  	v1 =	vld [tilespmem:s21+$0x1A00]  }
0x6c: {  	v0 =	vld [tilespmem:s21+$0x1A10]  }
0x6d: {  	v3 =	vld [tilespmem:s21+$0x4C00]  }
0x6e: {  	v4 =	vld [tilespmem:s21+$0x4C10]  }
0x6f: {  	s23 =	simm.s32 $0x100;
	v2 =	vld [tilespmem:s21+$0x4C20]  }
.LBB2_5:
0x70: {  	p1 =	sne.s32 s23, $0x6300;
	v5 =	vld [tilespmem:s21+$0x4C30]  }
0x71: {  	v6 =	vld [tilespmem:s21+$0x1A20]  }
0x72: {  	v3 =	vmul.f32 $8.000000000e+00, v3;
	v7 =	vld [tilespmem:s21+$0x1A30]  }
0x73: {  	v4 =	vmul.f32 $8.000000000e+00, v4  }
0x74: {  	s25 =	sshra.s32 s23, $0x2;
	v3 =	vadd.f32 v1, v3;
	v2 =	vmul.f32 $8.000000000e+00, v2  }
.Ltmp3:
0x75: {  	v1 =	vld [tilespmem:s25+$0x1A00];
	v4 =	vadd.f32 v0, v4;
	v5 =	vmul.f32 $8.000000000e+00, v5;
	(pc) =	sbr.rel @p1 .LBB2_5-.Ltmp3, $4  }
0x76: {  	v0 =	vld [tilespmem:s25+$0x1A10];
	[tilespmem:s21+$0x4C00] =	vst v3;
	v2 =	vadd.f32 v6, v2  }
0x77: {  	v3 =	vld [tilespmem:s25+$0x4C00];
	[tilespmem:s21+$0x4C10] =	vst v4;
	v5 =	vadd.f32 v7, v5  }
0x78: {  	v4 =	vld [tilespmem:s25+$0x4C10];
	[tilespmem:s21+$0x4C20] =	vst v2  }
0x79: {  	s23 =	sadd.s32 $0x100, s23;
	v2 =	vld [tilespmem:s25+$0x4C20];
	[tilespmem:s21+$0x4C30] =	vst v5;
	s21 =	smov.u32 s25  }
0x7a: {  	v5 =	vld [tilespmem:s21+$0x4C30]  }
0x7b: {  	v6 =	vld [tilespmem:s21+$0x1A20]  }
0x7c: {  	v7 =	vld [tilespmem:s21+$0x1A30];
	v3 =	vmul.f32 $8.000000000e+00, v3  }
0x7d: {  	v4 =	vmul.f32 $8.000000000e+00, v4  }
0x7e: {  	v1 =	vadd.f32 v1, v3;
	v2 =	vmul.f32 $8.000000000e+00, v2  }
0x7f: {  	s19 =	sadd.s32 s19, s7;
	v0 =	vadd.f32 v0, v4;
	v3 =	vmul.f32 $8.000000000e+00, v5  }
0x80: {  	s19 =	smul.u32 $0x320, s19;
	[tilespmem:s21+$0x4C00] =	vst v1;
	v1 =	vadd.f32 v6, v2  }
0x81: {  	[tilespmem:s21+$0x4C10] =	vst v0;
	v0 =	vadd.f32 v7, v3  }
0x82: {  	s19 =	sadd.s32 s2, s19;
	[tilespmem:s21+$0x4C20] =	vst v1  }
0x83: {  	s25 =	sadd.s32 $0x320, s19;
	[tilespmem:s21+$0x4C30] =	vst v0;
	s21 =	simm.s32 @!p0 $0xA  }
0x84: {  	[hbm4b:s25+s3] =	stream.linear.scatter [tilespmem:s14], [sflag:$0xA], $0x1900, $0x38;
	[tilespmem:$0xFB00] =	vst v63  }
0x85: {  	_ =	swait.ge @!p0 [sflag:s21], $0x1900  }
0x86: {  	s23 =	simm.s32 @!p0 $0x64;
	[sflag:s21] =	ssyncset.done @!p0 $0x0  }
0x87: {  	s25 =	simm.s32 @!p0 $0x4C00;
	[sflag:s21] =	ssyncadd.s32 @!p0 $0xFFFFE700;
	s21 =	sadd.s32 @!p0 $0x3A8, s17  }
0x88: {  	[tilespmem:s25], [sflag:$0x2] =	stream.indirect.gather @!p0 [hbm4b:s4+s23], $0x40, s21, s23, $0xb8;
	[tilespmem:$0xFB00] =	vst v63  }
0x89: {  	_ =	swait.ge [sflag:s30], $0x1900  }
0x8a: {  	[sflag:s30] =	ssyncset.done $0x0  }
0x8b: {  	s21 =	simm.s32 $0x0;
	[sflag:s30] =	ssyncadd.s32 $0xFFFFE700  }
0x8c: {  	v1 =	vld [tilespmem:s21+$0x1A00]  }
0x8d: {  	v0 =	vld [tilespmem:s21+$0x1A10]  }
0x8e: {  	v3 =	vld [tilespmem:s21+$0x6500]  }
0x8f: {  	v4 =	vld [tilespmem:s21+$0x6510]  }
0x90: {  	s23 =	simm.s32 $0x100;
	v2 =	vld [tilespmem:s21+$0x6520]  }
.LBB2_7:
0x91: {  	p1 =	sne.s32 s23, $0x6300;
	v5 =	vld [tilespmem:s21+$0x6530]  }
0x92: {  	v6 =	vld [tilespmem:s21+$0x1A20]  }
0x93: {  	v3 =	vmul.f32 $8.000000000e+00, v3;
	v7 =	vld [tilespmem:s21+$0x1A30]  }
0x94: {  	v4 =	vmul.f32 $8.000000000e+00, v4  }
0x95: {  	s25 =	sshra.s32 s23, $0x2;
	v3 =	vadd.f32 v1, v3;
	v2 =	vmul.f32 $8.000000000e+00, v2  }
.Ltmp4:
0x96: {  	v1 =	vld [tilespmem:s25+$0x1A00];
	v4 =	vadd.f32 v0, v4;
	v5 =	vmul.f32 $8.000000000e+00, v5;
	(pc) =	sbr.rel @p1 .LBB2_7-.Ltmp4, $4  }
0x97: {  	v0 =	vld [tilespmem:s25+$0x1A10];
	[tilespmem:s21+$0x6500] =	vst v3;
	v2 =	vadd.f32 v6, v2  }
0x98: {  	v3 =	vld [tilespmem:s25+$0x6500];
	[tilespmem:s21+$0x6510] =	vst v4;
	v5 =	vadd.f32 v7, v5  }
0x99: {  	v4 =	vld [tilespmem:s25+$0x6510];
	[tilespmem:s21+$0x6520] =	vst v2  }
0x9a: {  	s23 =	sadd.s32 $0x100, s23;
	v2 =	vld [tilespmem:s25+$0x6520];
	[tilespmem:s21+$0x6530] =	vst v5;
	s21 =	smov.u32 s25  }
0x9b: {  	v5 =	vld [tilespmem:s21+$0x6530]  }
0x9c: {  	v6 =	vld [tilespmem:s21+$0x1A20]  }
0x9d: {  	v7 =	vld [tilespmem:s21+$0x1A30];
	v3 =	vmul.f32 $8.000000000e+00, v3  }
0x9e: {  	v4 =	vmul.f32 $8.000000000e+00, v4  }
0x9f: {  	v1 =	vadd.f32 v1, v3;
	v2 =	vmul.f32 $8.000000000e+00, v2  }
0xa0: {  	v0 =	vadd.f32 v0, v4;
	v3 =	vmul.f32 $8.000000000e+00, v5  }
0xa1: {  	[tilespmem:s21+$0x6500] =	vst v1;
	v1 =	vadd.f32 v6, v2  }
0xa2: {  	[tilespmem:s21+$0x6510] =	vst v0;
	v0 =	vadd.f32 v7, v3  }
0xa3: {  	[tilespmem:s21+$0x6520] =	vst v1  }
0xa4: {  	s25 =	sadd.s32 $0x640, s19;
	[tilespmem:s21+$0x6530] =	vst v0;
	s21 =	simm.s32 @!p0 $0xB  }
0xa5: {  	[hbm4b:s25+s3] =	stream.linear.scatter [tilespmem:s16], [sflag:$0xB], $0x1900, $0x38;
	[tilespmem:$0xFB00] =	vst v63  }
0xa6: {  	_ =	swait.ge @!p0 [sflag:s21], $0x1900  }
0xa7: {  	s23 =	simm.s32 @!p0 $0x64;
	[sflag:s21] =	ssyncset.done @!p0 $0x0  }
0xa8: {  	s25 =	simm.s32 @!p0 $0x6500;
	[sflag:s21] =	ssyncadd.s32 @!p0 $0xFFFFE700;
	s21 =	sadd.s32 @!p0 $0x410, s17  }
0xa9: {  	[tilespmem:s25], [sflag:$0x3] =	stream.indirect.gather @!p0 [hbm4b:s4+s23], $0x40, s21, s23, $0xb8;
	[tilespmem:$0xFB00] =	vst v63  }
0xaa: {  	_ =	swait.ge [sflag:s31], $0x1900  }
0xab: {  	[sflag:s31] =	ssyncset.done $0x0  }
0xac: {  	s21 =	simm.s32 $0x0;
	[sflag:s31] =	ssyncadd.s32 $0xFFFFE700  }
0xad: {  	v1 =	vld [tilespmem:s21+$0x1A00]  }
0xae: {  	v0 =	vld [tilespmem:s21+$0x1A10]  }
0xaf: {  	v3 =	vld [tilespmem:s21+$0x7E00]  }
0xb0: {  	v4 =	vld [tilespmem:s21+$0x7E10]  }
0xb1: {  	s23 =	simm.s32 $0x100;
	v2 =	vld [tilespmem:s21+$0x7E20]  }
.LBB2_9:
0xb2: {  	p1 =	sne.s32 s23, $0x6300;
	v5 =	vld [tilespmem:s21+$0x7E30]  }
0xb3: {  	v6 =	vld [tilespmem:s21+$0x1A20]  }
0xb4: {  	v3 =	vmul.f32 $8.000000000e+00, v3;
	v7 =	vld [tilespmem:s21+$0x1A30]  }
0xb5: {  	v4 =	vmul.f32 $8.000000000e+00, v4  }
0xb6: {  	s25 =	sshra.s32 s23, $0x2;
	v3 =	vadd.f32 v1, v3;
	v2 =	vmul.f32 $8.000000000e+00, v2  }
.Ltmp5:
0xb7: {  	v1 =	vld [tilespmem:s25+$0x1A00];
	v4 =	vadd.f32 v0, v4;
	v5 =	vmul.f32 $8.000000000e+00, v5;
	(pc) =	sbr.rel @p1 .LBB2_9-.Ltmp5, $4  }
0xb8: {  	v0 =	vld [tilespmem:s25+$0x1A10];
	[tilespmem:s21+$0x7E00] =	vst v3;
	v2 =	vadd.f32 v6, v2  }
0xb9: {  	v3 =	vld [tilespmem:s25+$0x7E00];
	[tilespmem:s21+$0x7E10] =	vst v4;
	v5 =	vadd.f32 v7, v5  }
0xba: {  	v4 =	vld [tilespmem:s25+$0x7E10];
	[tilespmem:s21+$0x7E20] =	vst v2  }
0xbb: {  	s23 =	sadd.s32 $0x100, s23;
	v2 =	vld [tilespmem:s25+$0x7E20];
	[tilespmem:s21+$0x7E30] =	vst v5;
	s21 =	smov.u32 s25  }
0xbc: {  	v5 =	vld [tilespmem:s21+$0x7E30]  }
0xbd: {  	v6 =	vld [tilespmem:s21+$0x1A20]  }
0xbe: {  	v7 =	vld [tilespmem:s21+$0x1A30];
	v3 =	vmul.f32 $8.000000000e+00, v3  }
0xbf: {  	v4 =	vmul.f32 $8.000000000e+00, v4  }
0xc0: {  	v1 =	vadd.f32 v1, v3;
	v2 =	vmul.f32 $8.000000000e+00, v2  }
0xc1: {  	v0 =	vadd.f32 v0, v4;
	v3 =	vmul.f32 $8.000000000e+00, v5  }
0xc2: {  	[tilespmem:s21+$0x7E00] =	vst v1;
	v1 =	vadd.f32 v6, v2  }
0xc3: {  	[tilespmem:s21+$0x7E10] =	vst v0;
	v0 =	vadd.f32 v7, v3  }
0xc4: {  	[tilespmem:s21+$0x7E20] =	vst v1  }
0xc5: {  	s25 =	sadd.s32 $0x960, s19;
	[tilespmem:s21+$0x7E30] =	vst v0;
	s21 =	simm.s32 @!p0 $0xC  }
0xc6: {  	[hbm4b:s25+s3] =	stream.linear.scatter [tilespmem:s18], [sflag:$0xC], $0x1900, $0x38;
	[tilespmem:$0xFB00] =	vst v63  }
0xc7: {  	_ =	swait.ge @!p0 [sflag:s21], $0x1900  }
0xc8: {  	s23 =	simm.s32 @!p0 $0x64;
	[sflag:s21] =	ssyncset.done @!p0 $0x0  }
0xc9: {  	s25 =	simm.s32 @!p0 $0x7E00;
	[sflag:s21] =	ssyncadd.s32 @!p0 $0xFFFFE700;
	s21 =	sadd.s32 @!p0 $0x478, s17  }
0xca: {  	[tilespmem:s25], [sflag:$0x4] =	stream.indirect.gather @!p0 [hbm4b:s4+s23], $0x40, s21, s23, $0xb8;
	[tilespmem:$0xFB00] =	vst v63  }
0xcb: {  	_ =	swait.ge [sflag:s1], $0x1900  }
0xcc: {  	[sflag:s1] =	ssyncset.done $0x0  }
0xcd: {  	s21 =	simm.s32 $0x0;
	[sflag:s1] =	ssyncadd.s32 $0xFFFFE700  }
0xce: {  	v1 =	vld [tilespmem:s21+$0x1A00]  }
0xcf: {  	v0 =	vld [tilespmem:s21+$0x1A10]  }
0xd0: {  	v3 =	vld [tilespmem:s21+$0x9700]  }
0xd1: {  	v4 =	vld [tilespmem:s21+$0x9710]  }
0xd2: {  	s23 =	simm.s32 $0x100;
	v2 =	vld [tilespmem:s21+$0x9720]  }
.LBB2_11:
0xd3: {  	p1 =	sne.s32 s23, $0x6300;
	v5 =	vld [tilespmem:s21+$0x9730]  }
0xd4: {  	v6 =	vld [tilespmem:s21+$0x1A20]  }
0xd5: {  	v3 =	vmul.f32 $8.000000000e+00, v3;
	v7 =	vld [tilespmem:s21+$0x1A30]  }
0xd6: {  	v4 =	vmul.f32 $8.000000000e+00, v4  }
0xd7: {  	s25 =	sshra.s32 s23, $0x2;
	v3 =	vadd.f32 v1, v3;
	v2 =	vmul.f32 $8.000000000e+00, v2  }
.Ltmp6:
0xd8: {  	v1 =	vld [tilespmem:s25+$0x1A00];
	v4 =	vadd.f32 v0, v4;
	v5 =	vmul.f32 $8.000000000e+00, v5;
	(pc) =	sbr.rel @p1 .LBB2_11-.Ltmp6, $4  }
0xd9: {  	v0 =	vld [tilespmem:s25+$0x1A10];
	[tilespmem:s21+$0x9700] =	vst v3;
	v2 =	vadd.f32 v6, v2  }
0xda: {  	v3 =	vld [tilespmem:s25+$0x9700];
	[tilespmem:s21+$0x9710] =	vst v4;
	v5 =	vadd.f32 v7, v5  }
0xdb: {  	v4 =	vld [tilespmem:s25+$0x9710];
	[tilespmem:s21+$0x9720] =	vst v2  }
0xdc: {  	s23 =	sadd.s32 $0x100, s23;
	v2 =	vld [tilespmem:s25+$0x9720];
	[tilespmem:s21+$0x9730] =	vst v5;
	s21 =	smov.u32 s25  }
0xdd: {  	v5 =	vld [tilespmem:s21+$0x9730]  }
0xde: {  	v6 =	vld [tilespmem:s21+$0x1A20]  }
0xdf: {  	v7 =	vld [tilespmem:s21+$0x1A30];
	v3 =	vmul.f32 $8.000000000e+00, v3  }
0xe0: {  	v4 =	vmul.f32 $8.000000000e+00, v4  }
0xe1: {  	v1 =	vadd.f32 v1, v3;
	v2 =	vmul.f32 $8.000000000e+00, v2  }
0xe2: {  	v0 =	vadd.f32 v0, v4;
	v3 =	vmul.f32 $8.000000000e+00, v5  }
0xe3: {  	[tilespmem:s21+$0x9700] =	vst v1;
	v1 =	vadd.f32 v6, v2  }
0xe4: {  	[tilespmem:s21+$0x9710] =	vst v0;
	v0 =	vadd.f32 v7, v3  }
0xe5: {  	[tilespmem:s21+$0x9720] =	vst v1  }
0xe6: {  	s25 =	sadd.s32 $0xC80, s19;
	[tilespmem:s21+$0x9730] =	vst v0;
	s21 =	simm.s32 @!p0 $0xD  }
0xe7: {  	[hbm4b:s25+s3] =	stream.linear.scatter [tilespmem:s20], [sflag:$0xD], $0x1900, $0x38;
	[tilespmem:$0xFB00] =	vst v63  }
0xe8: {  	_ =	swait.ge @!p0 [sflag:s21], $0x1900  }
0xe9: {  	s23 =	simm.s32 @!p0 $0x64;
	[sflag:s21] =	ssyncset.done @!p0 $0x0  }
0xea: {  	s25 =	simm.s32 @!p0 $0x9700;
	[sflag:s21] =	ssyncadd.s32 @!p0 $0xFFFFE700;
	s21 =	sadd.s32 @!p0 $0x4E0, s17  }
0xeb: {  	[tilespmem:s25], [sflag:$0x5] =	stream.indirect.gather @!p0 [hbm4b:s4+s23], $0x40, s21, s23, $0xb8;
	[tilespmem:$0xFB00] =	vst v63  }
0xec: {  	_ =	swait.ge [sflag:s0], $0x1900  }
0xed: {  	[sflag:s0] =	ssyncset.done $0x0  }
0xee: {  	s21 =	simm.s32 $0x0;
	[sflag:s0] =	ssyncadd.s32 $0xFFFFE700  }
0xef: {  	v1 =	vld [tilespmem:s21+$0x1A00]  }
0xf0: {  	v0 =	vld [tilespmem:s21+$0x1A10]  }
0xf1: {  	v3 =	vld [tilespmem:s21+$0xB000]  }
0xf2: {  	v4 =	vld [tilespmem:s21+$0xB010]  }
0xf3: {  	s23 =	simm.s32 $0x100;
	v2 =	vld [tilespmem:s21+$0xB020]  }
.LBB2_13:
0xf4: {  	p1 =	sne.s32 s23, $0x6300;
	v5 =	vld [tilespmem:s21+$0xB030]  }
0xf5: {  	v6 =	vld [tilespmem:s21+$0x1A20]  }
0xf6: {  	v3 =	vmul.f32 $8.000000000e+00, v3;
	v7 =	vld [tilespmem:s21+$0x1A30]  }
0xf7: {  	v4 =	vmul.f32 $8.000000000e+00, v4  }
0xf8: {  	s25 =	sshra.s32 s23, $0x2;
	v3 =	vadd.f32 v1, v3;
	v2 =	vmul.f32 $8.000000000e+00, v2  }
.Ltmp7:
0xf9: {  	v1 =	vld [tilespmem:s25+$0x1A00];
	v4 =	vadd.f32 v0, v4;
	v5 =	vmul.f32 $8.000000000e+00, v5;
	(pc) =	sbr.rel @p1 .LBB2_13-.Ltmp7, $4  }
0xfa: {  	v0 =	vld [tilespmem:s25+$0x1A10];
	[tilespmem:s21+$0xB000] =	vst v3;
	v2 =	vadd.f32 v6, v2  }
0xfb: {  	v3 =	vld [tilespmem:s25+$0xB000];
	[tilespmem:s21+$0xB010] =	vst v4;
	v5 =	vadd.f32 v7, v5  }
0xfc: {  	v4 =	vld [tilespmem:s25+$0xB010];
	[tilespmem:s21+$0xB020] =	vst v2  }
0xfd: {  	s23 =	sadd.s32 $0x100, s23;
	v2 =	vld [tilespmem:s25+$0xB020];
	[tilespmem:s21+$0xB030] =	vst v5;
	s21 =	smov.u32 s25  }
0xfe: {  	v5 =	vld [tilespmem:s21+$0xB030]  }
0xff: {  	v6 =	vld [tilespmem:s21+$0x1A20]  }
0x100: {  	v7 =	vld [tilespmem:s21+$0x1A30];
	v3 =	vmul.f32 $8.000000000e+00, v3  }
0x101: {  	v4 =	vmul.f32 $8.000000000e+00, v4  }
0x102: {  	v1 =	vadd.f32 v1, v3;
	v2 =	vmul.f32 $8.000000000e+00, v2  }
0x103: {  	v0 =	vadd.f32 v0, v4;
	v3 =	vmul.f32 $8.000000000e+00, v5  }
0x104: {  	[tilespmem:s21+$0xB000] =	vst v1;
	v1 =	vadd.f32 v6, v2  }
0x105: {  	[tilespmem:s21+$0xB010] =	vst v0;
	v0 =	vadd.f32 v7, v3  }
0x106: {  	[tilespmem:s21+$0xB020] =	vst v1  }
0x107: {  	s25 =	sadd.s32 $0xFA0, s19;
	[tilespmem:s21+$0xB030] =	vst v0;
	s21 =	simm.s32 @!p0 $0xE  }
0x108: {  	[hbm4b:s25+s3] =	stream.linear.scatter [tilespmem:s22], [sflag:$0xE], $0x1900, $0x38;
	[tilespmem:$0xFB00] =	vst v63  }
0x109: {  	_ =	swait.ge @!p0 [sflag:s21], $0x1900  }
0x10a: {  	s23 =	simm.s32 @!p0 $0x64;
	[sflag:s21] =	ssyncset.done @!p0 $0x0  }
0x10b: {  	s25 =	simm.s32 @!p0 $0xB000;
	[sflag:s21] =	ssyncadd.s32 @!p0 $0xFFFFE700;
	s21 =	sadd.s32 @!p0 $0x548, s17  }
0x10c: {  	[tilespmem:s25], [sflag:$0x6] =	stream.indirect.gather @!p0 [hbm4b:s4+s23], $0x40, s21, s23, $0xb8;
	[tilespmem:$0xFB00] =	vst v63  }
0x10d: {  	_ =	swait.ge [sflag:s10], $0x1900  }
0x10e: {  	[sflag:s10] =	ssyncset.done $0x0  }
0x10f: {  	s21 =	simm.s32 $0x0;
	[sflag:s10] =	ssyncadd.s32 $0xFFFFE700  }
0x110: {  	v1 =	vld [tilespmem:s21+$0x1A00]  }
0x111: {  	v0 =	vld [tilespmem:s21+$0x1A10]  }
0x112: {  	v3 =	vld [tilespmem:s21+$0xC900]  }
0x113: {  	v4 =	vld [tilespmem:s21+$0xC910]  }
0x114: {  	s23 =	simm.s32 $0x100;
	v2 =	vld [tilespmem:s21+$0xC920]  }
.LBB2_15:
0x115: {  	p1 =	sne.s32 s23, $0x6300;
	v5 =	vld [tilespmem:s21+$0xC930]  }
0x116: {  	v6 =	vld [tilespmem:s21+$0x1A20]  }
0x117: {  	v3 =	vmul.f32 $8.000000000e+00, v3;
	v7 =	vld [tilespmem:s21+$0x1A30]  }
0x118: {  	v4 =	vmul.f32 $8.000000000e+00, v4  }
0x119: {  	s25 =	sshra.s32 s23, $0x2;
	v3 =	vadd.f32 v1, v3;
	v2 =	vmul.f32 $8.000000000e+00, v2  }
.Ltmp8:
0x11a: {  	v1 =	vld [tilespmem:s25+$0x1A00];
	v4 =	vadd.f32 v0, v4;
	v5 =	vmul.f32 $8.000000000e+00, v5;
	(pc) =	sbr.rel @p1 .LBB2_15-.Ltmp8, $4  }
0x11b: {  	v0 =	vld [tilespmem:s25+$0x1A10];
	[tilespmem:s21+$0xC900] =	vst v3;
	v2 =	vadd.f32 v6, v2  }
0x11c: {  	v3 =	vld [tilespmem:s25+$0xC900];
	[tilespmem:s21+$0xC910] =	vst v4;
	v5 =	vadd.f32 v7, v5  }
0x11d: {  	v4 =	vld [tilespmem:s25+$0xC910];
	[tilespmem:s21+$0xC920] =	vst v2  }
0x11e: {  	s23 =	sadd.s32 $0x100, s23;
	v2 =	vld [tilespmem:s25+$0xC920];
	[tilespmem:s21+$0xC930] =	vst v5;
	s21 =	smov.u32 s25  }
0x11f: {  	v5 =	vld [tilespmem:s21+$0xC930]  }
0x120: {  	v6 =	vld [tilespmem:s21+$0x1A20]  }
0x121: {  	v7 =	vld [tilespmem:s21+$0x1A30];
	v3 =	vmul.f32 $8.000000000e+00, v3  }
0x122: {  	v4 =	vmul.f32 $8.000000000e+00, v4  }
0x123: {  	v1 =	vadd.f32 v1, v3;
	v2 =	vmul.f32 $8.000000000e+00, v2  }
0x124: {  	v0 =	vadd.f32 v0, v4;
	v3 =	vmul.f32 $8.000000000e+00, v5  }
0x125: {  	[tilespmem:s21+$0xC900] =	vst v1;
	v1 =	vadd.f32 v6, v2  }
0x126: {  	[tilespmem:s21+$0xC910] =	vst v0;
	v0 =	vadd.f32 v7, v3  }
0x127: {  	[tilespmem:s21+$0xC920] =	vst v1  }
0x128: {  	s25 =	sadd.s32 $0x12C0, s19;
	[tilespmem:s21+$0xC930] =	vst v0;
	s21 =	simm.s32 @!p0 $0xF  }
0x129: {  	[hbm4b:s25+s3] =	stream.linear.scatter [tilespmem:s24], [sflag:$0xF], $0x1900, $0x38;
	[tilespmem:$0xFB00] =	vst v63  }
0x12a: {  	_ =	swait.ge @!p0 [sflag:s21], $0x1900  }
0x12b: {  	s17 =	sadd.s32 @!p0 $0x5B0, s17;
	[sflag:s21] =	ssyncset.done @!p0 $0x0  }
0x12c: {  	s23 =	simm.s32 @!p0 $0xC900;
	[sflag:s21] =	ssyncadd.s32 @!p0 $0xFFFFE700;
	s21 =	simm.s32 @!p0 $0x64  }
0x12d: {  	[tilespmem:s23], [sflag:$0x7] =	stream.indirect.gather @!p0 [hbm4b:s4+s21], $0x40, s17, s21, $0xb8;
	[tilespmem:$0xFB00] =	vst v63  }
0x12e: {  	_ =	swait.ge [sflag:s13], $0x1900  }
0x12f: {  	[sflag:s13] =	ssyncset.done $0x0  }
0x130: {  	s17 =	simm.s32 $0x0;
	[sflag:s13] =	ssyncadd.s32 $0xFFFFE700  }
0x131: {  	v1 =	vld [tilespmem:s17+$0x1A00]  }
0x132: {  	v0 =	vld [tilespmem:s17+$0x1A10]  }
0x133: {  	v3 =	vld [tilespmem:s17+$0xE200]  }
0x134: {  	v4 =	vld [tilespmem:s17+$0xE210]  }
0x135: {  	s21 =	simm.s32 $0x100;
	v2 =	vld [tilespmem:s17+$0xE220]  }
.LBB2_17:
0x136: {  	p1 =	sne.s32 s21, $0x6300;
	v5 =	vld [tilespmem:s17+$0xE230]  }
0x137: {  	v6 =	vld [tilespmem:s17+$0x1A20]  }
0x138: {  	v3 =	vmul.f32 $8.000000000e+00, v3;
	v7 =	vld [tilespmem:s17+$0x1A30]  }
0x139: {  	v4 =	vmul.f32 $8.000000000e+00, v4  }
0x13a: {  	s23 =	sshra.s32 s21, $0x2;
	v3 =	vadd.f32 v1, v3;
	v2 =	vmul.f32 $8.000000000e+00, v2  }
.Ltmp9:
0x13b: {  	v1 =	vld [tilespmem:s23+$0x1A00];
	v4 =	vadd.f32 v0, v4;
	v5 =	vmul.f32 $8.000000000e+00, v5;
	(pc) =	sbr.rel @p1 .LBB2_17-.Ltmp9, $4  }
0x13c: {  	v0 =	vld [tilespmem:s23+$0x1A10];
	[tilespmem:s17+$0xE200] =	vst v3;
	v2 =	vadd.f32 v6, v2  }
0x13d: {  	v3 =	vld [tilespmem:s23+$0xE200];
	[tilespmem:s17+$0xE210] =	vst v4;
	v5 =	vadd.f32 v7, v5  }
0x13e: {  	v4 =	vld [tilespmem:s23+$0xE210];
	[tilespmem:s17+$0xE220] =	vst v2  }
0x13f: {  	s21 =	sadd.s32 $0x100, s21;
	v2 =	vld [tilespmem:s23+$0xE220];
	[tilespmem:s17+$0xE230] =	vst v5;
	s17 =	smov.u32 s23  }
0x140: {  	v5 =	vld [tilespmem:s17+$0xE230]  }
0x141: {  	v6 =	vld [tilespmem:s17+$0x1A20]  }
0x142: {  	v7 =	vld [tilespmem:s17+$0x1A30];
	v3 =	vmul.f32 $8.000000000e+00, v3  }
0x143: {  	v4 =	vmul.f32 $8.000000000e+00, v4  }
0x144: {  	v1 =	vadd.f32 v1, v3;
	v2 =	vmul.f32 $8.000000000e+00, v2  }
0x145: {  	v0 =	vadd.f32 v0, v4;
	v61 =	vmul.f32 $8.000000000e+00, v5  }
.Ltmp10:
0x146: {  	[tilespmem:s17+$0xE200] =	vst v1;
	v62 =	vadd.f32 v6, v2;
	(pc) =	sbr.rel @p0 .LBB2_20-.Ltmp10, $4  }
0x147: {  	[tilespmem:s17+$0xE210] =	vst v0;
	v63 =	vadd.f32 v7, v61  }
0x148: {  	[tilespmem:s17+$0xE220] =	vst v62  }
0x149: {  	s25 =	sadd.s32 $0x15E0, s19;
	[tilespmem:s17+$0xE230] =	vst v63  }
0x14a: {  	[hbm4b:s25+s3] =	stream.linear.scatter [tilespmem:s26], [sflag:$0x10], $0x1900, $0x38;
	[tilespmem:$0xFB00] =	vst v63  }
0x14b: {  	s17 =	smul.u32 $0xD00, s15  }
.Ltmp11:
0x14c: {  	_ = 	snop;
	(pc) =	sbr.rel .LBB2_2-.Ltmp11, $4  }
0x14d: {  	_ =	swait.ge [sflag:s6], $0x1900  }
0x14e: {  	[sflag:s6] =	ssyncset.done $0x0;
	s17 =	sshra.s32 s17, $0x2  }
0x14f: {  	s15 =	sadd.s32 $0x1, s15;
	[sflag:s6] =	ssyncadd.s32 $0xFFFFE700;
	s17 =	sadd.s32 $0x618, s17  }
0x150: {  	[tilespmem:s26], [sflag:$0x8] =	stream.indirect.gather [hbm4b:s4+s11], $0x40, s17, s11, $0xb8;
	[tilespmem:$0xFB00] =	vst v63  }
.LBB2_21:
0x151: {  	_ =	sfence.sel $0x180000  }
0x152: {  	[bflag:$0x0] =	sbarrier.arrive $0xFFFF  }
0x153: {  	_ =	strace $0x90000047  }
0x154: {  	s0 =	stileid.u32;
	[bflag:$0x2] =	sbarrier.arrive $0xFFFF  }
0x155: {  	p0 =	sne.s32 s0, $0x0;
	s0 =	rddreg [dreg:$0x2]  }
0x156: {  	s0 =	sadd.s32 @!p0 $0x100000, s0  }
0x157: {  	[sflag:s0] =	ssyncadd.tile.s32 @!p0 $0x1;
	_ =	shalt  }
.Lfunc_end2:
_tile_overlayer_lowered:
.L_overlay_start_2:
0x158: {  	(tag) =	ssettag $0x2  }
0x159: {  	s0 =	rddreg [dreg:$0x0];
	s2 =	stileid.u32  }
0x15a: {  	s1 =	rddreg [dreg:$0x1];
	p0 =	sne.s32 s2, $0x0  }
0x15b: {  	s3 =	rddreg [dreg:$0x2];
	[bflag:$0x3] =	sbarrier.arrive $0xFFFF;
	s2 =	simm.s32 @!p0 $0x1C11  }
0x15c: {  	[timem:s3], [sflag:s2] =	dma.local @!p0 [hbm:s0], s1  }
0x15d: {  	s0 =	simm.s32 @!p0 $0x11  }
0x15e: {  	_ =	swait.ge @!p0 [sflag:s0], s1  }
0x15f: {  	s1 =	ssub.s32 @!p0 $0x0, s1;
	[sflag:s0] =	ssyncset.done @!p0 $0x0  }
0x160: {  	[sflag:s0] =	ssyncadd.s32 @!p0 s1  }
0x161: {  	[bflag:$0x3] =	sbarrier.arrive $0xFFFF  }
0x162: {  	_ =	shalt  }

// kernel: sparse-core-data-format-call.cloned.1.call-start
scs
called_computation_lowered:
.L_overlay_start_0:
0x0: {  	s2 =	sld [smem:$0x3FD9]  }
0x1: {  	s3 =	sld [smem:$0x3FFE];
	_ =	sdelay $0x1  }
0x2: {  	s1 =	srdreg.scid  }
0x3: {  	s0 =	sand.u32 $0x1, s1  }
0x4: {  	s18 =	sshll.u32 s0, $0xA;
	s2 =	sadd.s32 s3, s2  }
0x5: {  	s2 =	sadd.s32 s2, s18  }
0x6: {  	[smem:$0x3FC6] =	sst s2  }
0x7: {  	_ = 	snop  }
0x8: {  	s2 =	sld [smem:$0x3FD0];
	(tm) =	ssettm $0x1  }
0x9: {  	s19 =	sld [smem:$0x3FFB];
	_ =	sdelay $0x3  }
0xa: {  	_ =	strace s19  }
0xb: {  	s3 =	sld [smem:$0x3FFC];
	_ =	sdelay $0x3  }
0xc: {  	_ =	strace s3  }
0xd: {  	s3 =	sld [smem:$0x3FFD];
	_ =	sdelay $0x3  }
0xe: {  	_ =	strace s3  }
0xf: {  	_ =	strace $0x8FFFFFFF  }
0x10: {  	s20 =	sld [smem:$0x3FDB];
	_ =	sdelay $0x1  }
0x11: {  	s4 =	simm.s32 $_scs_section_size  }
0x12: {  	s5 =	simm.s32 $_size__tile_overlayer_lowered;
	s6 =	simm.s32 $_tile_overlayer_lowered  }
0x13: {  	s23 =	simm.s32 $0x1BFF;
	s22 =	sshll.u32 s6, $0x1;
	s3 =	sadd.s32 s4, s20  }
0x14: {  	s7 =	simm.s32 $0x0;
	s21 =	sshll.u32 s5, $0x1;
	s5 =	sadd.s32 s22, s3  }
0x15: {  	[timem:s7], [sflag:s23] =	dma.local [hbm:s5], s21  }
0x16: {  	_ =	swait.ge [sflag:s23], s21  }
0x17: {  	s4 =	ssub.s32 $0x0, s21;
	[sflag:s23] =	ssyncset.done $0x0  }
0x18: {  	[sflag:s23] =	ssyncadd.s32 s4;
	_ =	sdelay $0x1  }
0x19: {  	s24 =	simm.s32 $0x1B8B  }
0x1a: {  	_ =	swait.ge [sflag:s24], $0x1  }
0x1b: {  	[sflag:s24] =	ssyncset.done $0x0  }
0x1c: {  	s26 =	simm.s32 $0x1B8E;
	s25 =	sld [smem:$0x3FFE];
	[sflag:s24] =	ssyncadd.s32 $0xFFFFFFFF  }
0x1d: {  	s27 =	simm.s32 $execute0_lowered;
	[smem:$0x3FD2] =	sst s26  }
0x1e: {  	s5 =	sshll.u32 s27, $0x1;
	_ =	strace $0x80000049;
	[dreg:$0x1] =	wrdreg $0xFFFFFFFF  }
0x1f: {  	s28 =	simm.s32 $_size_execute0_lowered;
	s3 =	sadd.s32 s3, s5;
	[dreg:$0x0] =	wrdreg $0x0  }
0x20: {  	s5 =	sshll.u32 s28, $0x1;
	[dreg:$0x2] =	wrdreg s3  }
0x21: {  	[dreg:$0x3] =	wrdreg s5  }
0x22: {  	[dreg:$0x4] =	wrdreg $0xC0  }
0x23: {  	_ =	task [dreg:s7], $0x5FFFF  }
0x24: {  	[dreg:$0x1] =	wrdreg $0xFFFFFFFF  }
0x25: {  	[dreg:$0x0] =	wrdreg $0x60  }
0x26: {  	[dreg:$0x2] =	wrdreg s25  }
0x27: {  	[dreg:$0x3] =	wrdreg s2  }
0x28: {  	[dreg:$0x4] =	wrdreg $0x9  }
0x29: {  	_ =	task.clear_ibuf [dreg:s7], $0x5FFFF;
	_ =	strace $0x90000049  }
0x2a: {  	s29 =	simm.s32 $0x9;
	_ =	strace $0x8000004B  }
0x2b: {  	_ =	swait.ge [sflag:s29], $0x1  }
0x2c: {  	[sflag:s29] =	ssyncadd.s32 $0xFFFFFFFF  }
0x2d: {  	_ =	strace $0x9000004B  }
0x2e: {  	_ =	sfence  }
0x2f: {  	s30 =	sld [smem:$0x0];
	_ =	sdelay $0x2  }
0x30: {  	s31 =	sshll.u32 s1, $0xD;
	s1 =	sshrl.u32 s1, $0x2  }
0x31: {  	s3 =	sand.u32 $0x4000, s31;
	s1 =	sadd.s32 s1, s30  }
0x32: {  	s0 =	sor.u32 s3, s0;
	s1 =	sshll.u32 s1, $0x11  }
0x33: {  	s0 =	sor.u32 s1, s0  }
0x34: {  	s0 =	sadd.s32 $0x8F2B, s0  }
0x35: {  	[sflag:s0] =	ssyncadd.remote.s32 $0x1  }
0x36: {  	_ =	sfence.sel $0xFFFF  }
0x37: {  	[dreg:$0x0] =	wrdreg $0xFFFFFFFF;
	(pc) =	sbr.abs _section_cstart, $3  }
0x38: {  	[dreg:$0x1] =	wrdreg $0xFFFFFFFF  }
0x39: {  	_ =	task.clear_ibuf [dreg:s7], $0x2FFFF;
	_ =	strace $0x9FFFFFFF  }
0x3a: {  	(tm) =	ssettm $0x7FFFFFFF  }
0x3b: {  	_ =	shalt  }
tec
execute0_lowered:
.L_overlay_start_1:
0x0: {  	(tag) =	ssettag $0x1  }
0x1: {  	s0 =	srdreg.scid  }
0x2: {  	s1 =	sshll.u32 s0, $0x4  }
0x3: {  	s0 =	stileid.u32;
	s1 =	sand.u32 $0x10, s1  }
0x4: {  	s1 =	sor.u32 s0, s1  }
0x5: {  	s6 =	rddreg [dreg:$0x0];
	s4 =	simm.s32 $0x1;
	s2 =	sshll.u32 s1, $0x7  }
0x6: {  	s7 =	simm.s32 $0x2;
	s12 =	simm.s32 $0x0;
	s1 =	ssub.s32 $0x1000, s2  }
0x7: {  	s8 =	simm.s32 $0x8000;
	s13 =	simm.s32 $0x0;
	s3 =	sand.u32 $0xF80, s1  }
0x8: {  	s9 =	simm.s32 $0x0;
	s5 =	sshrl.u32 s1, $0xC;
	p0 =	sne.s32 s3, $0x0  }
.Ltmp0:
0x9: {  	s1 =	rddreg [dreg:$0x2];
	s4 =	simm.s32 @!p0 $0x0;
	(pc) =	sbr.rel .LBB1_1-.Ltmp0, $4  }
0xa: {  	s11 =	simm.s32 $0x0;
	s3 =	rddreg [dreg:$0x1];
	s5 =	sadd.s32 s4, s5  }
0xb: {  	_ =	strace $0x8000004A;
	s4 =	simm.s32 $0x1;
	s5 =	smul.u32 $0x32, s5  }
0xc: {  	s6 =	sadd.s32 $0x800, s6;
	s10 =	smov.u32 s2;
	[sflag:s4] =	ssyncpa.u1 $0x0  }
0xd: {  	p0 =	por $0x0, $0x0;
	[sflag:s7] =	ssyncpa.u1 $0x0;
	s7 =	sor.u32 $0x1, s5  }
.LBB1_4:
0xe: {  	s16 =	sshll.u32 s13, $0x3;
	s17 =	sand.u32 $0x78, s13  }
0xf: {  	s30 =	sand.u32 $0x7E00, s13;
	s12 =	sshll.u32 s12, $0xF;
	s16 =	sand.u32 $0xC00, s16  }
0x10: {  	[tilespmem:s15+$0x810 ss:$0x81] =	vst.msk $0xffff, v2;
	s31 =	sand.u32 $0x7, s13;
	s16 =	sor.u32 s17, s16;
	s17 =	sadd.s32 s3, s30  }
0x11: {  	[tilespmem:s15+$0x1020 ss:$0x81] =	vst.msk $0xffff, v0;
	s13 =	sshll.u32 s31, $0x12;
	s12 =	sadd.s32 s12, s17;
	s16 =	sshrl.u32 s16, $0x3  }
0x12: {  	[tilespmem:s15+$0x0 ss:$0x81] =	vst.msk $0xffff, v1;
	s13 =	sor.u32 $0x400, s13;
	s12 =	sadd.s32 s16, s12  }
0x13: {  	[hbm4b:s12+s13] =	stream.strided.scatter [tilespmem:s14], [sflag:$0x2], $0x2000, s8, s13, $0x20;
	[tilespmem:$0x8080] =	vst v63  }
.LBB1_5:
0x14: {  	s14 =	sadd.s32 $0x1, s9  }
0x15: {  	s12 =	sadd.s32 $0x1000, s10;
	s16 =	smov.u32 s10;
	p2 =	sgt.s32 s14, $0x31  }
0x16: {  	s16 =	smov.u32 @p2 s12  }
0x17: {  	s14 =	simm.s32 @p2 $0x0;
	p2 =	sgt.s32 s16, $0xFFF  }
0x18: {  	s16 =	smov.u32 @p2 s2;
	p2 =	sne.s32 s11, s7  }
.Ltmp1:
0x19: {  	p1 =	slt.u32 s11, $0x2;
	(pc) =	sbr.rel @!p2 .LBB1_6-.Ltmp1, $4  }
0x1a: {  	s15 =	simm.s32 @!p1 $0x2  }
0x1b: {  	s13 =	smov.u32 s10;
	p0 =	por !p0, !p0;
	_ =	swait.ge @!p1 [sflag:s15], $0x2000  }
0x1c: {  	s12 =	smov.u32 s9;
	[sflag:s15] =	ssyncset.done @!p1 $0x0;
	s9 =	smov.u32 s14  }
0x1d: {  	s11 =	sadd.s32 $0x1, s11;
	[sflag:s15] =	ssyncadd.s32 @!p1 $0xFFFFE000;
	s10 =	smov.u32 s16  }
.LBB1_1:
0x1e: {  	p1 =	sge.u32 s11, s5  }
0x1f: {  	s14 =	sand.u32 @!p1 $0x1FFFFFF, s9  }
0x20: {  	s15 =	smulhi.u32 @!p1 $0x4924925, s14;
	_ =	sdelay $0x1  }
0x21: {  	s15 =	smul.u32 @!p1 $0x38, s15  }
0x22: {  	s16 =	sxor.u32 @!p1 $0xFFFFFFFF, s11;
	s17 =	smul.u32 @!p1 $0x380, s10  }
0x23: {  	s31 =	sadd.s32 $0xFFFFFFFF, s11;
	s16 =	sshll.u32 @!p1 s16, $0xD;
	s14 =	ssub.s32 @!p1 s14, s15  }
0x24: {  	s15 =	sand.u32 @!p1 $0x2000, s16;
	s16 =	sadd.s32 @!p1 s6, s17;
	s14 =	sshll.u32 @!p1 s14, $0x4  }
0x25: {  	s17 =	simm.s32 @!p1 $0x1C00;
	s14 =	sadd.s32 @!p1 s14, s16;
	s16 =	simm.s32 @!p1 $0x40  }
0x26: {  	[tilespmem:s15], [sflag:$0x1] =	stream.strided.gather @!p1 [hbm4b:s14+s16], $0x2000, s17, s16, $0x38;
	[tilespmem:$0x8080] =	vst v63  }
0x27: {  	p1 =	sge.u32 s31, s5  }
.Ltmp2:
0x28: {  	_ = 	snop;
	(pc) =	sbr.rel @p1 .LBB1_5-.Ltmp2, $1  }
0x29: {  	_ =	sdelay $0x3  }
0x2a: {  	s14 =	simm.s32 $0x1  }
0x2b: {  	_ =	swait.ge [sflag:s4], $0x2000;
	s14 =	simm.s32 @!p0 $0x0  }
0x2c: {  	[sflag:s4] =	ssyncset.done $0x0;
	s15 =	sshll.u32 s14, $0xD  }
0x2d: {  	[sflag:s4] =	ssyncadd.s32 $0xFFFFE000;
	s18 =	sor.u32 $0x20, s15  }
0x2e: {  	s14 =	smul.u32 $0x8100, s14;
	v3 =	vld [tilespmem:s18+$0x10]  }
0x2f: {  	s30 =	sand.u32 $0x1, s11;
	v2 =	vld [tilespmem:s18+$0xFFFFFFF0]  }
0x30: {  	s15 =	smul.u32 $0x8100, s30;
	s14 =	sshrl.u32 s14, $0x2;
	v0 =	vld [tilespmem:s18+$0x0]  }
0x31: {  	v1 =	vld [tilespmem:s18+$0xFFFFFFE0];
	s16 =	sor.u32 $0x4000, s14  }
0x32: {  	s31 =	sshrl.u32 s15, $0x2;
	s15 =	sadd.s32 $0x0, s16  }
0x33: {  	s17 =	simm.s32 $0x4;
	s18 =	sadd.s32 $0x40, s18;
	s14 =	sor.u32 $0x4000, s31;
	[tilespmem:s15+$0x1830 ss:$0x81] =	vst.msk $0xffff, v3  }
.LBB1_3:
0x34: {  	v3 =	vld [tilespmem:s18+$0x10];
	p1 =	sne.s32 s17, $0x1FC;
	[tilespmem:s15+$0x810 ss:$0x81] =	vst.msk $0xffff, v2;
	s19 =	smov.u32 s17;
	s17 =	sadd.s32 $0x4, s17  }
.Ltmp3:
0x35: {  	v2 =	vld [tilespmem:s18+$0xFFFFFFF0];
	[tilespmem:s15+$0x1020 ss:$0x81] =	vst.msk $0xffff, v0;
	(pc) =	sbr.rel @p1 .LBB1_3-.Ltmp3, $4  }
0x36: {  	v0 =	vld [tilespmem:s18+$0x0];
	[tilespmem:s15+$0x0 ss:$0x81] =	vst.msk $0xffff, v1  }
0x37: {  	s15 =	sshra.s32 s19, $0x2;
	v1 =	vld [tilespmem:s18+$0xFFFFFFE0]  }
0x38: {  	s15 =	sadd.s32 s15, s16  }
0x39: {  	s18 =	sadd.s32 $0x40, s18;
	[tilespmem:s15+$0x1830 ss:$0x81] =	vst.msk $0xffff, v3  }
.Ltmp4:
0x3a: {  	_ = 	snop;
	(pc) =	sbr.rel .LBB1_4-.Ltmp4, $1  }
0x3b: {  	_ =	sdelay $0x3  }
.LBB1_6:
0x3c: {  	_ =	sfence.sel $0x180000  }
0x3d: {  	s2 =	simm.s32 $0x1;
	[bflag:$0x0] =	sbarrier.arrive $0xFFFF  }
0x3e: {  	s31 =	simm.s32 $0x2;
	[sflag:s2] =	ssyncpa.u1 $0x1  }
0x3f: {  	[sflag:s31] =	ssyncpa.u1 $0x1  }
0x40: {  	p0 =	sne.s32 s0, $0x0;
	_ =	strace $0x9000004A  }
0x41: {  	s0 =	sadd.s32 @!p0 $0x100000, s1;
	[bflag:$0x2] =	sbarrier.arrive $0xFFFF  }
0x42: {  	[sflag:s0] =	ssyncadd.tile.s32 @!p0 $0x1;
	_ =	shalt  }
.Lfunc_end1:
_tile_overlayer_lowered:
.L_overlay_start_2:
0x43: {  	(tag) =	ssettag $0x2  }
0x44: {  	s0 =	rddreg [dreg:$0x0];
	s2 =	stileid.u32  }
0x45: {  	s1 =	rddreg [dreg:$0x1];
	p0 =	sne.s32 s2, $0x0  }
0x46: {  	s3 =	rddreg [dreg:$0x2];
	[bflag:$0x3] =	sbarrier.arrive $0xFFFF;
	s2 =	simm.s32 @!p0 $0x1C01  }
0x47: {  	[timem:s3], [sflag:s2] =	dma.local @!p0 [hbm:s0], s1  }
0x48: {  	s0 =	simm.s32 @!p0 $0x1  }
0x49: {  	_ =	swait.ge @!p0 [sflag:s0], s1  }
0x4a: {  	s1 =	ssub.s32 @!p0 $0x0, s1;
	[sflag:s0] =	ssyncset.done @!p0 $0x0  }
0x4b: {  	[sflag:s0] =	ssyncadd.s32 @!p0 s1  }
0x4c: {  	[bflag:$0x3] =	sbarrier.arrive $0xFFFF  }
0x4d: {  	_ =	shalt  }

</sc_bundles>
